<compile_context>
chip_gen: v7x
topology: tpu7x:2x2x1
jax: 0.10.2.dev20260603
libtpu: 0.0.44.dev20260713+nightly
codegen_flags: <defaults>
</compile_context>

<pallas_src>
import functools
import jax
import jax.numpy as jnp
from jax import lax
from jax.experimental import pallas as pl
from jax.experimental.pallas import tpu as pltpu
from jax.experimental.pallas import tpu_sc as plsc

N = 10000
NP = 10240
E = 320000
EP = 335872
D = 128
C = 64
K = 128
BT = 512
NTILES = 16
ROWS_PER_TILE = NP // NTILES


def _leaky(x):
    return jnp.where(x >= 0.0, x, 0.2 * x)


def _make_sc_edge(tbl_off_scale, att_off_scale, edges_per_core, core_edge_off):
    ept = edges_per_core // NTILES
    nchunks = ept // K
    assert ept % K == 0 and nchunks % 2 == 0

    mesh = plsc.VectorSubcoreMesh(core_axis_name="c", subcore_axis_name="s")

    @functools.partial(
        pl.kernel,
        out_type=(
            jax.ShapeDtypeStruct((2 * NP, C), jnp.float32),
            jax.ShapeDtypeStruct((2 * NP,), jnp.float32),
        ),
        mesh=mesh,
        compiler_params=pltpu.CompilerParams(
            needs_layout_passes=False, use_tc_tiling_on_sc=False),
        scratch_types=[
            pltpu.VMEM_SHARED((NP, C), jnp.float32),
            pltpu.VMEM_SHARED((NP,), jnp.float32),
            pltpu.VMEM((NP,), jnp.float32),
            pltpu.VMEM((NP,), jnp.float32),
            pltpu.VMEM((2, K), jnp.int32),
            pltpu.VMEM((2, K), jnp.int32),
            pltpu.VMEM((K,), jnp.int32),
            pltpu.VMEM((K,), jnp.int32),
            pltpu.VMEM((K,), jnp.float32),
            pltpu.VMEM((K,), jnp.float32),
            pltpu.VMEM((K, C), jnp.float32),
            pltpu.VMEM((K, C), jnp.float32),
            pltpu.SemaphoreType.DMA,
            pltpu.SemaphoreType.DMA,
            pltpu.SemaphoreType.DMA,
            pltpu.SemaphoreType.DMA,
            pltpu.SemaphoreType.DMA,
            pltpu.SemaphoreType.DMA,
            pltpu.SemaphoreType.DMA,
        ],
    )
    def sc_edge(hcat, asrc, adst, edges,
                out_num, out_den,
                num_sh, den_sh, asrc_v, adst_v, eb0, eb1, gidx0, gidx1,
                w0, w1, rows0, rows1,
                sem_i0, sem_i1, sem_g, sem_sn0, sem_sn1, sem_sd0, sem_sd1):
        c = lax.axis_index("c")
        s = lax.axis_index("s")
        nbase = s * ROWS_PER_TILE
        zeros16 = jnp.zeros((16,), jnp.float32)

        def zrow(j, carry2):
            for t in range(C // 16):
                rows0[j, pl.ds(t * 16, 16)] = zeros16
            return carry2

        lax.fori_loop(0, K, zrow, 0)
        for t in range(K // 16):
            w0[pl.ds(t * 16, 16)] = zeros16
        for i in range(ROWS_PER_TILE // K):
            pltpu.sync_copy(rows0, num_sh.at[pl.ds(nbase + i * K, K)])
            pltpu.sync_copy(w0, den_sh.at[pl.ds(nbase + i * K, K)])
        pltpu.sync_copy(asrc.at[pl.ds(c * att_off_scale, NP)], asrc_v)
        pltpu.sync_copy(adst.at[pl.ds(c * att_off_scale, NP)], adst_v)
        plsc.subcore_barrier()

        ebase = c * core_edge_off + s * ept
        tbl_off = c * tbl_off_scale

        bufs = [
            (eb0, gidx0, w0, rows0, sem_i0, sem_sn0, sem_sd0),
            (eb1, gidx1, w1, rows1, sem_i1, sem_sn1, sem_sd1),
        ]

        pltpu.async_copy(edges.at[:, pl.ds(ebase, K)], eb0, sem_i0)

        def chunk_pair(gp, carry):
            for b in range(2):
                ebb, gidxb, wb, rowsb, sem_ib, sem_snb, sem_sdb = bufs[b]
                ebo, gidxo, wo, rowso, sem_io, sem_sno, sem_sdo = bufs[1 - b]
                g = gp * 2 + b
                eo = ebase + g * K
                pltpu.make_async_copy(
                    edges.at[:, pl.ds(0, K)], ebb, sem_ib).wait()

                def wgrp(j, carry2):
                    sl = pl.ds(j * 16, 16)
                    s16 = ebb[0, sl]
                    d16 = ebb[1, sl]
                    av = plsc.load_gather(asrc_v, [s16])
                    bv = plsc.load_gather(adst_v, [d16])
                    wb[sl] = jnp.exp(_leaky(av + bv))
                    gidxb[sl] = s16 + tbl_off
                    return carry2

                lax.fori_loop(0, K // 16, wgrp, 0)

                gat = pltpu.async_copy(hcat.at[gidxb], rowsb, sem_g)

                def wait_other_scatters():
                    pltpu.make_async_copy(
                        rowso, num_sh.at[ebo.at[1]], sem_sno).wait()
                    pltpu.make_async_copy(
                        wo, den_sh.at[ebo.at[1]], sem_sdo).wait()

                if b == 0:
                    pl.when(gp > 0)(wait_other_scatters)
                else:
                    wait_other_scatters()

                def issue_next_idx():
                    pltpu.async_copy(
                        edges.at[:, pl.ds(eo + K, K)], ebo, sem_io)

                if b == 0:
                    issue_next_idx()
                else:
                    pl.when(gp < (nchunks // 2) - 1)(issue_next_idx)

                gat.wait()

                def scale(q, carry2):
                    w16 = wb[pl.ds(q * 16, 16)]
                    for j in range(16):
                        wjb = jnp.full((16,), w16[j])
                        e_row = q * 16 + j
                        for t in range(C // 16):
                            sl = pl.ds(t * 16, 16)
                            rowsb[e_row, sl] = rowsb[e_row, sl] * wjb
                    return carry2


                pltpu.async_copy(rowsb, num_sh.at[ebb.at[1]], sem_snb,
                                 add=True)
                pltpu.async_copy(wb, den_sh.at[ebb.at[1]], sem_sdb,
                                 add=True)
            return carry

        lax.fori_loop(0, nchunks // 2, chunk_pair, 0)
        pltpu.make_async_copy(rows1, num_sh.at[eb1.at[1]], sem_sn1).wait()
        pltpu.make_async_copy(w1, den_sh.at[eb1.at[1]], sem_sd1).wait()
        plsc.subcore_barrier()
        for i in range(ROWS_PER_TILE // K):
            pltpu.sync_copy(num_sh.at[pl.ds(nbase + i * K, K)], rows0)
            pltpu.sync_copy(rows0,
                            out_num.at[pl.ds(c * NP + nbase + i * K, K)])
            pltpu.sync_copy(den_sh.at[pl.ds(nbase + i * K, K)], w0)
            pltpu.sync_copy(w0,
                            out_den.at[pl.ds(c * NP + nbase + i * K, K)])

    return sc_edge


_sc_layer1 = _make_sc_edge(NP, NP, EP, 0)
_sc_layer2 = _make_sc_edge(0, 0, EP // 2, EP // 2)


def _tc1_body(x_ref, w1t_ref, as_ref, ad_ref,
              hcat_ref, asrc_ref, adst_ref):
    xb = x_ref[...]
    h = jnp.dot(xb, w1t_ref[...], preferred_element_type=jnp.float32)
    hs = h * as_ref[...]
    hd = h * ad_ref[...]
    hcat_ref[0] = h[:, :C]
    hcat_ref[1] = h[:, C:]
    asrc_ref[0] = jnp.sum(hs[:, :C], axis=1)
    asrc_ref[1] = jnp.sum(hs[:, C:], axis=1)
    adst_ref[0] = jnp.sum(hd[:, :C], axis=1)
    adst_ref[1] = jnp.sum(hd[:, C:], axis=1)


_tc1 = pl.pallas_call(
    _tc1_body,
    grid=(NP // BT,),
    in_specs=[
        pl.BlockSpec((BT, D), lambda i: (i, 0)),
        pl.BlockSpec((D, D), lambda i: (0, 0)),
        pl.BlockSpec((1, D), lambda i: (0, 0)),
        pl.BlockSpec((1, D), lambda i: (0, 0)),
    ],
    out_specs=[
        pl.BlockSpec((2, BT, C), lambda i: (0, i, 0)),
        pl.BlockSpec((2, BT), lambda i: (0, i)),
        pl.BlockSpec((2, BT), lambda i: (0, i)),
    ],
    out_shape=[
        jax.ShapeDtypeStruct((2, NP, C), jnp.float32),
        jax.ShapeDtypeStruct((2, NP), jnp.float32),
        jax.ShapeDtypeStruct((2, NP), jnp.float32),
    ],
)


def _tc2_body(num_ref, den_ref, b1_ref, w2t_ref, as_ref, ad_ref,
              h2_ref, asrc_ref, adst_ref):
    o0 = num_ref[0] / (den_ref[0][:, None] + 1e-16)
    o1 = num_ref[1] / (den_ref[1][:, None] + 1e-16)
    out1 = jnp.concatenate([o0, o1], axis=1) + b1_ref[...]
    out1 = jnp.maximum(out1, 0.0)
    h2 = jnp.dot(out1, w2t_ref[...], preferred_element_type=jnp.float32)
    h2_ref[...] = h2
    asrc_ref[0] = jnp.sum(h2 * as_ref[...], axis=1)
    adst_ref[0] = jnp.sum(h2 * ad_ref[...], axis=1)


_tc2 = pl.pallas_call(
    _tc2_body,
    grid=(NP // BT,),
    in_specs=[
        pl.BlockSpec((2, BT, C), lambda i: (0, i, 0)),
        pl.BlockSpec((2, BT), lambda i: (0, i)),
        pl.BlockSpec((1, D), lambda i: (0, 0)),
        pl.BlockSpec((D, C), lambda i: (0, 0)),
        pl.BlockSpec((1, C), lambda i: (0, 0)),
        pl.BlockSpec((1, C), lambda i: (0, 0)),
    ],
    out_specs=[
        pl.BlockSpec((BT, C), lambda i: (i, 0)),
        pl.BlockSpec((1, BT), lambda i: (0, i)),
        pl.BlockSpec((1, BT), lambda i: (0, i)),
    ],
    out_shape=[
        jax.ShapeDtypeStruct((NP, C), jnp.float32),
        jax.ShapeDtypeStruct((1, NP), jnp.float32),
        jax.ShapeDtypeStruct((1, NP), jnp.float32),
    ],
)


def _tc3_body(num_ref, den_ref, b2_ref, out_ref):
    den = den_ref[0] + den_ref[1] + 1e-16
    out_ref[...] = (num_ref[0] + num_ref[1]) / den[:, None] + b2_ref[...]


_tc3 = pl.pallas_call(
    _tc3_body,
    grid=(NP // BT,),
    in_specs=[
        pl.BlockSpec((2, BT, C), lambda i: (0, i, 0)),
        pl.BlockSpec((2, BT), lambda i: (0, i)),
        pl.BlockSpec((1, C), lambda i: (0, 0)),
    ],
    out_specs=pl.BlockSpec((BT, C), lambda i: (i, 0)),
    out_shape=jax.ShapeDtypeStruct((NP, C), jnp.float32),
)


@jax.jit
def kernel(x, edge_index, W1, att_src1, att_dst1, b1,
           W2, att_src2, att_dst2, b2):
    xp = jnp.pad(x, ((0, NP - N), (0, 0)))
    loop = jnp.arange(N, dtype=edge_index.dtype)[None, :]
    loop = jnp.concatenate([loop, loop], axis=0)
    pad = jnp.full((2, EP - E - N), N, edge_index.dtype)
    edges = jnp.concatenate([edge_index, loop, pad], axis=1)

    hcat, asrc1, adst1 = _tc1(
        xp, W1.T, att_src1.reshape(1, D), att_dst1.reshape(1, D))
    num1, den1 = _sc_layer1(
        hcat.reshape(2 * NP, C), asrc1.reshape(-1), adst1.reshape(-1),
        edges)

    h2, asrc2, adst2 = _tc2(
        num1.reshape(2, NP, C), den1.reshape(2, NP), b1.reshape(1, D),
        W2.T, att_src2.reshape(1, C), att_dst2.reshape(1, C))
    num2, den2 = _sc_layer2(
        h2, asrc2.reshape(-1), adst2.reshape(-1), edges)

    out = _tc3(num2.reshape(2, NP, C), den2.reshape(2, NP), b2.reshape(1, C))
    return out[:N]

# --- scband reference (transcript-rebuilt; emitter-appended) ---
"""Pipeline reference for scband-gat-5282809774861 (READ-ONLY COPY).

The authoritative reference and input builder live on the scoring server;
editing this copy changes nothing except your own understanding.
"""

import jax, jax.numpy as jnp
import numpy as np

N = 10000
E = 320000
D = 128
H1 = 2
C1 = 64
C2 = 64


def setup_inputs(seed: int = 0) -> dict:
    key = jax.random.key(seed)
    ks = jax.random.split(key, 12)
    inp = {}
    inp["x"] = jax.random.normal(ks[0], (N, D), dtype=jnp.float32)
    inp["edge_index"] = jax.random.randint(ks[1], (2, E), 0, N)
    # GATConv layer 1: in=128, out=64, heads=2, concat=True
    inp["W1"] = jax.random.normal(ks[2], (H1 * C1, D), dtype=jnp.float32) * 0.1
    inp["att_src1"] = jax.random.normal(ks[3], (1, H1, C1), dtype=jnp.float32) * 0.1
    inp["att_dst1"] = jax.random.normal(ks[4], (1, H1, C1), dtype=jnp.float32) * 0.1
    inp["b1"] = jnp.zeros((H1 * C1,), dtype=jnp.float32)
    # GATConv layer 2: in=128, out=64, heads=1, concat=False
    inp["W2"] = jax.random.normal(ks[5], (1 * C2, H1 * C1), dtype=jnp.float32) * 0.1
    inp["att_src2"] = jax.random.normal(ks[6], (1, 1, C2), dtype=jnp.float32) * 0.1
    inp["att_dst2"] = jax.random.normal(ks[7], (1, 1, C2), dtype=jnp.float32) * 0.1
    inp["b2"] = jnp.zeros((C2,), dtype=jnp.float32)
    return inp


def _gat_conv(x, edge_index, W, att_src, att_dst, bias, heads, concat):
    n = x.shape[0]
    src = edge_index[0]
    dst = edge_index[1]
    # add self loops (PyG GATConv default add_self_loops=True)
    loop = jnp.arange(n, dtype=src.dtype)
    src = jnp.concatenate([src, loop])
    dst = jnp.concatenate([dst, loop])
    c = W.shape[0] // heads
    h = (x @ W.T).reshape(n, heads, c)
    a_src = (h * att_src).sum(axis=-1)  # [n, heads]
    a_dst = (h * att_dst).sum(axis=-1)
    e = a_src[src] + a_dst[dst]  # [e, heads]  (gather)
    e = jax.nn.leaky_relu(e, negative_slope=0.2)
    # numerically-stable segment softmax over incoming edges per dst node
    e_max = jax.ops.segment_max(e, dst, num_segments=n)
    e_max = jnp.where(jnp.isfinite(e_max), e_max, 0.0)
    e_exp = jnp.exp(e - e_max[dst])
    denom = jax.ops.segment_sum(e_exp, dst, num_segments=n)
    alpha = e_exp / (denom[dst] + 1e-16)
    msg = h[src] * alpha[:, :, None]  # gather + weight
    out = jax.ops.segment_sum(msg, dst, num_segments=n)  # scatter-add
    if concat:
        out = out.reshape(n, heads * c)
    else:
        out = out.mean(axis=1)
    return out + bias


def reference(x, edge_index, W1, att_src1, att_dst1, b1, W2, att_src2, att_dst2, b2):
    h = _gat_conv(x, edge_index, W1, att_src1, att_dst1, b1, heads=2, concat=True)
    h = jax.nn.relu(h)
    out = _gat_conv(h, edge_index, W2, att_src2, att_dst2, b2, heads=1, concat=False)
    return out

if __name__ == "__main__":
    import jax
    _d = setup_inputs()
    print(jax.jit(kernel)(*tuple(_d.values())))

</pallas_src>

<mosaic_0001>
#map = affine_map<(d0, d1) -> (0, 0)>
#map1 = affine_map<(d0, d1) -> (0)>
module attributes {stable_mosaic.version = 14 : i64} {
  func.func @sc_edge(%arg0: i32, %arg1: i32, %arg2: memref<20480x64xf32, #tpu.memory_space<hbm>>, %arg3: memref<20480xf32, #tpu.memory_space<hbm>>, %arg4: memref<20480xf32, #tpu.memory_space<hbm>>, %arg5: memref<2x335872xi32, #tpu.memory_space<hbm>>, %arg6: memref<20480x64xf32, #tpu.memory_space<hbm>>, %arg7: memref<20480xf32, #tpu.memory_space<hbm>>, %arg8: memref<10240x64xf32, #tpu.memory_space<vmem_shared>>, %arg9: memref<10240xf32, #tpu.memory_space<vmem_shared>>, %arg10: memref<10240xf32, #tpu.memory_space<vmem>>, %arg11: memref<10240xf32, #tpu.memory_space<vmem>>, %arg12: memref<2x128xi32, #tpu.memory_space<vmem>>, %arg13: memref<2x128xi32, #tpu.memory_space<vmem>>, %arg14: memref<128xi32, #tpu.memory_space<vmem>>, %arg15: memref<128xi32, #tpu.memory_space<vmem>>, %arg16: memref<128xf32, #tpu.memory_space<vmem>>, %arg17: memref<128xf32, #tpu.memory_space<vmem>>, %arg18: memref<128x64xf32, #tpu.memory_space<vmem>>, %arg19: memref<128x64xf32, #tpu.memory_space<vmem>>, %arg20: memref<!tpu.dma_semaphore, #tpu.memory_space<semaphore_mem>>, %arg21: memref<!tpu.dma_semaphore, #tpu.memory_space<semaphore_mem>>, %arg22: memref<!tpu.dma_semaphore, #tpu.memory_space<semaphore_mem>>, %arg23: memref<!tpu.dma_semaphore, #tpu.memory_space<semaphore_mem>>, %arg24: memref<!tpu.dma_semaphore, #tpu.memory_space<semaphore_mem>>, %arg25: memref<!tpu.dma_semaphore, #tpu.memory_space<semaphore_mem>>, %arg26: memref<!tpu.dma_semaphore, #tpu.memory_space<semaphore_mem>>) attributes {dimension_semantics = [#tpu.dimension_semantics<core_parallel>, #tpu.dimension_semantics<subcore_parallel>], iteration_bounds = array<i64: 2, 16>, scalar_prefetch = 0 : i64, scratch_operands = 19 : i64, tpu.core_type = #tpu.core_type<sc_vector_subcore>, window_params = [{transform_indices = #map}, {transform_indices = #map1}, {transform_indices = #map1}, {transform_indices = #map}, {transform_indices = #map}, {transform_indices = #map1}]} {
    %mul3A = arith.constant 640 : i32
    %mul3A_0 = arith.muli %arg1, %mul3A : i32
    %broadcast_in_dim3A = arith.constant 0.000000e+00 : f32
    %broadcast_in_dim3A_1 = vector.broadcast %broadcast_in_dim3A : f32 to vector<16xf32>
    %scan3A = arith.constant 0 : i32
    %scan3A_2 = arith.constant 0 : i32
    %scan3A_3 = arith.constant 128 : i32
    %scan3A_4 = arith.addi %scan3A_2, %scan3A_3 : i32
    %scan3A_5 = arith.constant 1 : i32
    scf.for %scan3A_144 = %scan3A_2 to %scan3A_4 step %scan3A_5  : i32 {
      %swap3A_145 = arith.index_cast %scan3A_144 : i32 to index
      %swap3A_146 = arith.constant 0 : index
      %swap3A_147 = tpu.vector_load %arg18[%swap3A_145, %swap3A_146] {strides = array<i32>} : memref<128x64xf32, #tpu.memory_space<vmem>>, vector<16xf32>,
      tpu.vector_store %arg18[%swap3A_145, %swap3A_146], %broadcast_in_dim3A_1 {strides = array<i32>} : memref<128x64xf32, #tpu.memory_space<vmem>>, vector<16xf32>,
      %swap3A_148 = arith.index_cast %scan3A_144 : i32 to index
      %swap3A_149 = arith.constant 16 : index
      %swap3A_150 = tpu.vector_load %arg18[%swap3A_148, %swap3A_149] {strides = array<i32>} : memref<128x64xf32, #tpu.memory_space<vmem>>, vector<16xf32>,
      tpu.vector_store %arg18[%swap3A_148, %swap3A_149], %broadcast_in_dim3A_1 {strides = array<i32>} : memref<128x64xf32, #tpu.memory_space<vmem>>, vector<16xf32>,
      %swap3A_151 = arith.index_cast %scan3A_144 : i32 to index
      %swap3A_152 = arith.constant 32 : index
      %swap3A_153 = tpu.vector_load %arg18[%swap3A_151, %swap3A_152] {strides = array<i32>} : memref<128x64xf32, #tpu.memory_space<vmem>>, vector<16xf32>,
      tpu.vector_store %arg18[%swap3A_151, %swap3A_152], %broadcast_in_dim3A_1 {strides = array<i32>} : memref<128x64xf32, #tpu.memory_space<vmem>>, vector<16xf32>,
      %swap3A_154 = arith.index_cast %scan3A_144 : i32 to index
      %swap3A_155 = arith.constant 48 : index
      %swap3A_156 = tpu.vector_load %arg18[%swap3A_154, %swap3A_155] {strides = array<i32>} : memref<128x64xf32, #tpu.memory_space<vmem>>, vector<16xf32>,
      tpu.vector_store %arg18[%swap3A_154, %swap3A_155], %broadcast_in_dim3A_1 {strides = array<i32>} : memref<128x64xf32, #tpu.memory_space<vmem>>, vector<16xf32>,
    }
    %scan3A_6 = arith.constant 128 : i32
    %swap3A = arith.constant 0 : index
    %swap3A_7 = tpu.vector_load %arg16[%swap3A] {strides = array<i32>} : memref<128xf32, #tpu.memory_space<vmem>>, vector<16xf32>,
    tpu.vector_store %arg16[%swap3A], %broadcast_in_dim3A_1 {strides = array<i32>} : memref<128xf32, #tpu.memory_space<vmem>>, vector<16xf32>,
    %swap3A_8 = arith.constant 16 : index
    %swap3A_9 = tpu.vector_load %arg16[%swap3A_8] {strides = array<i32>} : memref<128xf32, #tpu.memory_space<vmem>>, vector<16xf32>,
    tpu.vector_store %arg16[%swap3A_8], %broadcast_in_dim3A_1 {strides = array<i32>} : memref<128xf32, #tpu.memory_space<vmem>>, vector<16xf32>,
    %swap3A_10 = arith.constant 32 : index
    %swap3A_11 = tpu.vector_load %arg16[%swap3A_10] {strides = array<i32>} : memref<128xf32, #tpu.memory_space<vmem>>, vector<16xf32>,
    tpu.vector_store %arg16[%swap3A_10], %broadcast_in_dim3A_1 {strides = array<i32>} : memref<128xf32, #tpu.memory_space<vmem>>, vector<16xf32>,
    %swap3A_12 = arith.constant 48 : index
    %swap3A_13 = tpu.vector_load %arg16[%swap3A_12] {strides = array<i32>} : memref<128xf32, #tpu.memory_space<vmem>>, vector<16xf32>,
    tpu.vector_store %arg16[%swap3A_12], %broadcast_in_dim3A_1 {strides = array<i32>} : memref<128xf32, #tpu.memory_space<vmem>>, vector<16xf32>,
    %swap3A_14 = arith.constant 64 : index
    %swap3A_15 = tpu.vector_load %arg16[%swap3A_14] {strides = array<i32>} : memref<128xf32, #tpu.memory_space<vmem>>, vector<16xf32>,
    tpu.vector_store %arg16[%swap3A_14], %broadcast_in_dim3A_1 {strides = array<i32>} : memref<128xf32, #tpu.memory_space<vmem>>, vector<16xf32>,
    %swap3A_16 = arith.constant 80 : index
    %swap3A_17 = tpu.vector_load %arg16[%swap3A_16] {strides = array<i32>} : memref<128xf32, #tpu.memory_space<vmem>>, vector<16xf32>,
    tpu.vector_store %arg16[%swap3A_16], %broadcast_in_dim3A_1 {strides = array<i32>} : memref<128xf32, #tpu.memory_space<vmem>>, vector<16xf32>,
    %swap3A_18 = arith.constant 96 : index
    %swap3A_19 = tpu.vector_load %arg16[%swap3A_18] {strides = array<i32>} : memref<128xf32, #tpu.memory_space<vmem>>, vector<16xf32>,
    tpu.vector_store %arg16[%swap3A_18], %broadcast_in_dim3A_1 {strides = array<i32>} : memref<128xf32, #tpu.memory_space<vmem>>, vector<16xf32>,
    %swap3A_20 = arith.constant 112 : index
    %swap3A_21 = tpu.vector_load %arg16[%swap3A_20] {strides = array<i32>} : memref<128xf32, #tpu.memory_space<vmem>>, vector<16xf32>,
    tpu.vector_store %arg16[%swap3A_20], %broadcast_in_dim3A_1 {strides = array<i32>} : memref<128xf32, #tpu.memory_space<vmem>>, vector<16xf32>,
    %add3A = arith.constant 0 : i32
    %add3A_22 = arith.addi %mul3A_0, %add3A : i32
    "tpu.region"() ({
      %run_scoped3A = tpu.sem_alloc : memref<!tpu.dma_semaphore, #tpu.memory_space<semaphore_mem>>
      %dma_start3A_144 = arith.constant 0 : i32
      %dma_start3A_145 = tpu.memref_slice %arg8[%add3A_22, %dma_start3A_144] : memref<10240x64xf32, #tpu.memory_space<vmem_shared>> -> memref<128x64xf32, #tpu.memory_space<vmem_shared>>
      %dma_start3A_146 = arith.constant 0 : i32
      %dma_start3A_147 = tpu.memref_slice %arg8[%add3A_22, %dma_start3A_146] : memref<10240x64xf32, #tpu.memory_space<vmem_shared>> -> memref<128x64xf32, #tpu.memory_space<vmem_shared>>
      tpu.enqueue_dma source(%arg18 : memref<128x64xf32, #tpu.memory_space<vmem>>) target(%dma_start3A_147 : memref<128x64xf32, #tpu.memory_space<vmem_shared>>) target_semaphore(%run_scoped3A : memref<!tpu.dma_semaphore, #tpu.memory_space<semaphore_mem>>)
      %dma_wait3A_148 = arith.constant 0 : i32
      %dma_wait3A_149 = tpu.memref_slice %arg8[%add3A_22, %dma_wait3A_148] : memref<10240x64xf32, #tpu.memory_space<vmem_shared>> -> memref<128x64xf32, #tpu.memory_space<vmem_shared>>
      %dma_wait3A_150 = arith.constant 0 : i32
      %dma_wait3A_151 = tpu.memref_slice %arg8[%add3A_22, %dma_wait3A_150] : memref<10240x64xf32, #tpu.memory_space<vmem_shared>> -> memref<128x64xf32, #tpu.memory_space<vmem_shared>>
      tpu.wait_dma2 semaphore(%run_scoped3A : memref<!tpu.dma_semaphore, #tpu.memory_space<semaphore_mem>>) src(%arg18 : memref<128x64xf32, #tpu.memory_space<vmem>>) dst(%dma_wait3A_151 : memref<128x64xf32, #tpu.memory_space<vmem_shared>>)
      tpu.yield
    }) : () -> ()
    %add3A_23 = arith.constant 0 : i32
    %add3A_24 = arith.addi %mul3A_0, %add3A_23 : i32
    "tpu.region"() ({
      %run_scoped3A = tpu.sem_alloc : memref<!tpu.dma_semaphore, #tpu.memory_space<semaphore_mem>>
      %dma_start3A_144 = tpu.memref_slice %arg9[%add3A_24] : memref<10240xf32, #tpu.memory_space<vmem_shared>> -> memref<128xf32, #tpu.memory_space<vmem_shared>>
      %dma_start3A_145 = tpu.memref_slice %arg9[%add3A_24] : memref<10240xf32, #tpu.memory_space<vmem_shared>> -> memref<128xf32, #tpu.memory_space<vmem_shared>>
      tpu.enqueue_dma source(%arg16 : memref<128xf32, #tpu.memory_space<vmem>>) target(%dma_start3A_145 : memref<128xf32, #tpu.memory_space<vmem_shared>>) target_semaphore(%run_scoped3A : memref<!tpu.dma_semaphore, #tpu.memory_space<semaphore_mem>>)
      %dma_wait3A_146 = tpu.memref_slice %arg9[%add3A_24] : memref<10240xf32, #tpu.memory_space<vmem_shared>> -> memref<128xf32, #tpu.memory_space<vmem_shared>>
      %dma_wait3A_147 = tpu.memref_slice %arg9[%add3A_24] : memref<10240xf32, #tpu.memory_space<vmem_shared>> -> memref<128xf32, #tpu.memory_space<vmem_shared>>
      tpu.wait_dma2 semaphore(%run_scoped3A : memref<!tpu.dma_semaphore, #tpu.memory_space<semaphore_mem>>) src(%arg16 : memref<128xf32, #tpu.memory_space<vmem>>) dst(%dma_wait3A_147 : memref<128xf32, #tpu.memory_space<vmem_shared>>)
      tpu.yield
    }) : () -> ()
    %add3A_25 = arith.constant 128 : i32
    %add3A_26 = arith.addi %mul3A_0, %add3A_25 : i32
    "tpu.region"() ({
      %run_scoped3A = tpu.sem_alloc : memref<!tpu.dma_semaphore, #tpu.memory_space<semaphore_mem>>
      %dma_start3A_144 = arith.constant 0 : i32
      %dma_start3A_145 = tpu.memref_slice %arg8[%add3A_26, %dma_start3A_144] : memref<10240x64xf32, #tpu.memory_space<vmem_shared>> -> memref<128x64xf32, #tpu.memory_space<vmem_shared>>
      %dma_start3A_146 = arith.constant 0 : i32
      %dma_start3A_147 = tpu.memref_slice %arg8[%add3A_26, %dma_start3A_146] : memref<10240x64xf32, #tpu.memory_space<vmem_shared>> -> memref<128x64xf32, #tpu.memory_space<vmem_shared>>
      tpu.enqueue_dma source(%arg18 : memref<128x64xf32, #tpu.memory_space<vmem>>) target(%dma_start3A_147 : memref<128x64xf32, #tpu.memory_space<vmem_shared>>) target_semaphore(%run_scoped3A : memref<!tpu.dma_semaphore, #tpu.memory_space<semaphore_mem>>)
      %dma_wait3A_148 = arith.constant 0 : i32
      %dma_wait3A_149 = tpu.memref_slice %arg8[%add3A_26, %dma_wait3A_148] : memref<10240x64xf32, #tpu.memory_space<vmem_shared>> -> memref<128x64xf32, #tpu.memory_space<vmem_shared>>
      %dma_wait3A_150 = arith.constant 0 : i32
      %dma_wait3A_151 = tpu.memref_slice %arg8[%add3A_26, %dma_wait3A_150] : memref<10240x64xf32, #tpu.memory_space<vmem_shared>> -> memref<128x64xf32, #tpu.memory_space<vmem_shared>>
      tpu.wait_dma2 semaphore(%run_scoped3A : memref<!tpu.dma_semaphore, #tpu.memory_space<semaphore_mem>>) src(%arg18 : memref<128x64xf32, #tpu.memory_space<vmem>>) dst(%dma_wait3A_151 : memref<128x64xf32, #tpu.memory_space<vmem_shared>>)
      tpu.yield
    }) : () -> ()
    %add3A_27 = arith.constant 128 : i32
    %add3A_28 = arith.addi %mul3A_0, %add3A_27 : i32
    "tpu.region"() ({
      %run_scoped3A = tpu.sem_alloc : memref<!tpu.dma_semaphore, #tpu.memory_space<semaphore_mem>>
      %dma_start3A_144 = tpu.memref_slice %arg9[%add3A_28] : memref<10240xf32, #tpu.memory_space<vmem_shared>> -> memref<128xf32, #tpu.memory_space<vmem_shared>>
      %dma_start3A_145 = tpu.memref_slice %arg9[%add3A_28] : memref<10240xf32, #tpu.memory_space<vmem_shared>> -> memref<128xf32, #tpu.memory_space<vmem_shared>>
      tpu.enqueue_dma source(%arg16 : memref<128xf32, #tpu.memory_space<vmem>>) target(%dma_start3A_145 : memref<128xf32, #tpu.memory_space<vmem_shared>>) target_semaphore(%run_scoped3A : memref<!tpu.dma_semaphore, #tpu.memory_space<semaphore_mem>>)
      %dma_wait3A_146 = tpu.memref_slice %arg9[%add3A_28] : memref<10240xf32, #tpu.memory_space<vmem_shared>> -> memref<128xf32, #tpu.memory_space<vmem_shared>>
      %dma_wait3A_147 = tpu.memref_slice %arg9[%add3A_28] : memref<10240xf32, #tpu.memory_space<vmem_shared>> -> memref<128xf32, #tpu.memory_space<vmem_shared>>
      tpu.wait_dma2 semaphore(%run_scoped3A : memref<!tpu.dma_semaphore, #tpu.memory_space<semaphore_mem>>) src(%arg16 : memref<128xf32, #tpu.memory_space<vmem>>) dst(%dma_wait3A_147 : memref<128xf32, #tpu.memory_space<vmem_shared>>)
      tpu.yield
    }) : () -> ()
    %add3A_29 = arith.constant 256 : i32
    %add3A_30 = arith.addi %mul3A_0, %add3A_29 : i32
    "tpu.region"() ({
      %run_scoped3A = tpu.sem_alloc : memref<!tpu.dma_semaphore, #tpu.memory_space<semaphore_mem>>
      %dma_start3A_144 = arith.constant 0 : i32
      %dma_start3A_145 = tpu.memref_slice %arg8[%add3A_30, %dma_start3A_144] : memref<10240x64xf32, #tpu.memory_space<vmem_shared>> -> memref<128x64xf32, #tpu.memory_space<vmem_shared>>
      %dma_start3A_146 = arith.constant 0 : i32
      %dma_start3A_147 = tpu.memref_slice %arg8[%add3A_30, %dma_start3A_146] : memref<10240x64xf32, #tpu.memory_space<vmem_shared>> -> memref<128x64xf32, #tpu.memory_space<vmem_shared>>
      tpu.enqueue_dma source(%arg18 : memref<128x64xf32, #tpu.memory_space<vmem>>) target(%dma_start3A_147 : memref<128x64xf32, #tpu.memory_space<vmem_shared>>) target_semaphore(%run_scoped3A : memref<!tpu.dma_semaphore, #tpu.memory_space<semaphore_mem>>)
      %dma_wait3A_148 = arith.constant 0 : i32
      %dma_wait3A_149 = tpu.memref_slice %arg8[%add3A_30, %dma_wait3A_148] : memref<10240x64xf32, #tpu.memory_space<vmem_shared>> -> memref<128x64xf32, #tpu.memory_space<vmem_shared>>
      %dma_wait3A_150 = arith.constant 0 : i32
      %dma_wait3A_151 = tpu.memref_slice %arg8[%add3A_30, %dma_wait3A_150] : memref<10240x64xf32, #tpu.memory_space<vmem_shared>> -> memref<128x64xf32, #tpu.memory_space<vmem_shared>>
      tpu.wait_dma2 semaphore(%run_scoped3A : memref<!tpu.dma_semaphore, #tpu.memory_space<semaphore_mem>>) src(%arg18 : memref<128x64xf32, #tpu.memory_space<vmem>>) dst(%dma_wait3A_151 : memref<128x64xf32, #tpu.memory_space<vmem_shared>>)
      tpu.yield
    }) : () -> ()
    %add3A_31 = arith.constant 256 : i32
    %add3A_32 = arith.addi %mul3A_0, %add3A_31 : i32
    "tpu.region"() ({
      %run_scoped3A = tpu.sem_alloc : memref<!tpu.dma_semaphore, #tpu.memory_space<semaphore_mem>>
      %dma_start3A_144 = tpu.memref_slice %arg9[%add3A_32] : memref<10240xf32, #tpu.memory_space<vmem_shared>> -> memref<128xf32, #tpu.memory_space<vmem_shared>>
      %dma_start3A_145 = tpu.memref_slice %arg9[%add3A_32] : memref<10240xf32, #tpu.memory_space<vmem_shared>> -> memref<128xf32, #tpu.memory_space<vmem_shared>>
      tpu.enqueue_dma source(%arg16 : memref<128xf32, #tpu.memory_space<vmem>>) target(%dma_start3A_145 : memref<128xf32, #tpu.memory_space<vmem_shared>>) target_semaphore(%run_scoped3A : memref<!tpu.dma_semaphore, #tpu.memory_space<semaphore_mem>>)
      %dma_wait3A_146 = tpu.memref_slice %arg9[%add3A_32] : memref<10240xf32, #tpu.memory_space<vmem_shared>> -> memref<128xf32, #tpu.memory_space<vmem_shared>>
      %dma_wait3A_147 = tpu.memref_slice %arg9[%add3A_32] : memref<10240xf32, #tpu.memory_space<vmem_shared>> -> memref<128xf32, #tpu.memory_space<vmem_shared>>
      tpu.wait_dma2 semaphore(%run_scoped3A : memref<!tpu.dma_semaphore, #tpu.memory_space<semaphore_mem>>) src(%arg16 : memref<128xf32, #tpu.memory_space<vmem>>) dst(%dma_wait3A_147 : memref<128xf32, #tpu.memory_space<vmem_shared>>)
      tpu.yield
    }) : () -> ()
    %add3A_33 = arith.constant 384 : i32
    %add3A_34 = arith.addi %mul3A_0, %add3A_33 : i32
    "tpu.region"() ({
      %run_scoped3A = tpu.sem_alloc : memref<!tpu.dma_semaphore, #tpu.memory_space<semaphore_mem>>
      %dma_start3A_144 = arith.constant 0 : i32
      %dma_start3A_145 = tpu.memref_slice %arg8[%add3A_34, %dma_start3A_144] : memref<10240x64xf32, #tpu.memory_space<vmem_shared>> -> memref<128x64xf32, #tpu.memory_space<vmem_shared>>
      %dma_start3A_146 = arith.constant 0 : i32
      %dma_start3A_147 = tpu.memref_slice %arg8[%add3A_34, %dma_start3A_146] : memref<10240x64xf32, #tpu.memory_space<vmem_shared>> -> memref<128x64xf32, #tpu.memory_space<vmem_shared>>
      tpu.enqueue_dma source(%arg18 : memref<128x64xf32, #tpu.memory_space<vmem>>) target(%dma_start3A_147 : memref<128x64xf32, #tpu.memory_space<vmem_shared>>) target_semaphore(%run_scoped3A : memref<!tpu.dma_semaphore, #tpu.memory_space<semaphore_mem>>)
      %dma_wait3A_148 = arith.constant 0 : i32
      %dma_wait3A_149 = tpu.memref_slice %arg8[%add3A_34, %dma_wait3A_148] : memref<10240x64xf32, #tpu.memory_space<vmem_shared>> -> memref<128x64xf32, #tpu.memory_space<vmem_shared>>
      %dma_wait3A_150 = arith.constant 0 : i32
      %dma_wait3A_151 = tpu.memref_slice %arg8[%add3A_34, %dma_wait3A_150] : memref<10240x64xf32, #tpu.memory_space<vmem_shared>> -> memref<128x64xf32, #tpu.memory_space<vmem_shared>>
      tpu.wait_dma2 semaphore(%run_scoped3A : memref<!tpu.dma_semaphore, #tpu.memory_space<semaphore_mem>>) src(%arg18 : memref<128x64xf32, #tpu.memory_space<vmem>>) dst(%dma_wait3A_151 : memref<128x64xf32, #tpu.memory_space<vmem_shared>>)
      tpu.yield
    }) : () -> ()
    %add3A_35 = arith.constant 384 : i32
    %add3A_36 = arith.addi %mul3A_0, %add3A_35 : i32
    "tpu.region"() ({
      %run_scoped3A = tpu.sem_alloc : memref<!tpu.dma_semaphore, #tpu.memory_space<semaphore_mem>>
      %dma_start3A_144 = tpu.memref_slice %arg9[%add3A_36] : memref<10240xf32, #tpu.memory_space<vmem_shared>> -> memref<128xf32, #tpu.memory_space<vmem_shared>>
      %dma_start3A_145 = tpu.memref_slice %arg9[%add3A_36] : memref<10240xf32, #tpu.memory_space<vmem_shared>> -> memref<128xf32, #tpu.memory_space<vmem_shared>>
      tpu.enqueue_dma source(%arg16 : memref<128xf32, #tpu.memory_space<vmem>>) target(%dma_start3A_145 : memref<128xf32, #tpu.memory_space<vmem_shared>>) target_semaphore(%run_scoped3A : memref<!tpu.dma_semaphore, #tpu.memory_space<semaphore_mem>>)
      %dma_wait3A_146 = tpu.memref_slice %arg9[%add3A_36] : memref<10240xf32, #tpu.memory_space<vmem_shared>> -> memref<128xf32, #tpu.memory_space<vmem_shared>>
      %dma_wait3A_147 = tpu.memref_slice %arg9[%add3A_36] : memref<10240xf32, #tpu.memory_space<vmem_shared>> -> memref<128xf32, #tpu.memory_space<vmem_shared>>
      tpu.wait_dma2 semaphore(%run_scoped3A : memref<!tpu.dma_semaphore, #tpu.memory_space<semaphore_mem>>) src(%arg16 : memref<128xf32, #tpu.memory_space<vmem>>) dst(%dma_wait3A_147 : memref<128xf32, #tpu.memory_space<vmem_shared>>)
      tpu.yield
    }) : () -> ()
    %add3A_37 = arith.constant 512 : i32
    %add3A_38 = arith.addi %mul3A_0, %add3A_37 : i32
    "tpu.region"() ({
      %run_scoped3A = tpu.sem_alloc : memref<!tpu.dma_semaphore, #tpu.memory_space<semaphore_mem>>
      %dma_start3A_144 = arith.constant 0 : i32
      %dma_start3A_145 = tpu.memref_slice %arg8[%add3A_38, %dma_start3A_144] : memref<10240x64xf32, #tpu.memory_space<vmem_shared>> -> memref<128x64xf32, #tpu.memory_space<vmem_shared>>
      %dma_start3A_146 = arith.constant 0 : i32
      %dma_start3A_147 = tpu.memref_slice %arg8[%add3A_38, %dma_start3A_146] : memref<10240x64xf32, #tpu.memory_space<vmem_shared>> -> memref<128x64xf32, #tpu.memory_space<vmem_shared>>
      tpu.enqueue_dma source(%arg18 : memref<128x64xf32, #tpu.memory_space<vmem>>) target(%dma_start3A_147 : memref<128x64xf32, #tpu.memory_space<vmem_shared>>) target_semaphore(%run_scoped3A : memref<!tpu.dma_semaphore, #tpu.memory_space<semaphore_mem>>)
      %dma_wait3A_148 = arith.constant 0 : i32
      %dma_wait3A_149 = tpu.memref_slice %arg8[%add3A_38, %dma_wait3A_148] : memref<10240x64xf32, #tpu.memory_space<vmem_shared>> -> memref<128x64xf32, #tpu.memory_space<vmem_shared>>
      %dma_wait3A_150 = arith.constant 0 : i32
      %dma_wait3A_151 = tpu.memref_slice %arg8[%add3A_38, %dma_wait3A_150] : memref<10240x64xf32, #tpu.memory_space<vmem_shared>> -> memref<128x64xf32, #tpu.memory_space<vmem_shared>>
      tpu.wait_dma2 semaphore(%run_scoped3A : memref<!tpu.dma_semaphore, #tpu.memory_space<semaphore_mem>>) src(%arg18 : memref<128x64xf32, #tpu.memory_space<vmem>>) dst(%dma_wait3A_151 : memref<128x64xf32, #tpu.memory_space<vmem_shared>>)
      tpu.yield
    }) : () -> ()
    %add3A_39 = arith.constant 512 : i32
    %add3A_40 = arith.addi %mul3A_0, %add3A_39 : i32
    "tpu.region"() ({
      %run_scoped3A = tpu.sem_alloc : memref<!tpu.dma_semaphore, #tpu.memory_space<semaphore_mem>>
      %dma_start3A_144 = tpu.memref_slice %arg9[%add3A_40] : memref<10240xf32, #tpu.memory_space<vmem_shared>> -> memref<128xf32, #tpu.memory_space<vmem_shared>>
      %dma_start3A_145 = tpu.memref_slice %arg9[%add3A_40] : memref<10240xf32, #tpu.memory_space<vmem_shared>> -> memref<128xf32, #tpu.memory_space<vmem_shared>>
      tpu.enqueue_dma source(%arg16 : memref<128xf32, #tpu.memory_space<vmem>>) target(%dma_start3A_145 : memref<128xf32, #tpu.memory_space<vmem_shared>>) target_semaphore(%run_scoped3A : memref<!tpu.dma_semaphore, #tpu.memory_space<semaphore_mem>>)
      %dma_wait3A_146 = tpu.memref_slice %arg9[%add3A_40] : memref<10240xf32, #tpu.memory_space<vmem_shared>> -> memref<128xf32, #tpu.memory_space<vmem_shared>>
      %dma_wait3A_147 = tpu.memref_slice %arg9[%add3A_40] : memref<10240xf32, #tpu.memory_space<vmem_shared>> -> memref<128xf32, #tpu.memory_space<vmem_shared>>
      tpu.wait_dma2 semaphore(%run_scoped3A : memref<!tpu.dma_semaphore, #tpu.memory_space<semaphore_mem>>) src(%arg16 : memref<128xf32, #tpu.memory_space<vmem>>) dst(%dma_wait3A_147 : memref<128xf32, #tpu.memory_space<vmem_shared>>)
      tpu.yield
    }) : () -> ()
    %mul3A_41 = arith.constant 10240 : i32
    %mul3A_42 = arith.muli %arg0, %mul3A_41 : i32
    "tpu.region"() ({
      %run_scoped3A = tpu.sem_alloc : memref<!tpu.dma_semaphore, #tpu.memory_space<semaphore_mem>>
      %dma_start3A_144 = tpu.memref_slice %arg3[%mul3A_42] : memref<20480xf32, #tpu.memory_space<hbm>> -> memref<10240xf32, #tpu.memory_space<hbm>>
      %dma_start3A_145 = tpu.memref_slice %arg3[%mul3A_42] : memref<20480xf32, #tpu.memory_space<hbm>> -> memref<10240xf32, #tpu.memory_space<hbm>>
      tpu.enqueue_dma source(%dma_start3A_145 : memref<10240xf32, #tpu.memory_space<hbm>>) target(%arg10 : memref<10240xf32, #tpu.memory_space<vmem>>) target_semaphore(%run_scoped3A : memref<!tpu.dma_semaphore, #tpu.memory_space<semaphore_mem>>)
      %dma_wait3A_146 = tpu.memref_slice %arg3[%mul3A_42] : memref<20480xf32, #tpu.memory_space<hbm>> -> memref<10240xf32, #tpu.memory_space<hbm>>
      %dma_wait3A_147 = tpu.memref_slice %arg3[%mul3A_42] : memref<20480xf32, #tpu.memory_space<hbm>> -> memref<10240xf32, #tpu.memory_space<hbm>>
      tpu.wait_dma2 semaphore(%run_scoped3A : memref<!tpu.dma_semaphore, #tpu.memory_space<semaphore_mem>>) src(%dma_wait3A_147 : memref<10240xf32, #tpu.memory_space<hbm>>) dst(%arg10 : memref<10240xf32, #tpu.memory_space<vmem>>)
      tpu.yield
    }) : () -> ()
    %mul3A_43 = arith.constant 10240 : i32
    %mul3A_44 = arith.muli %arg0, %mul3A_43 : i32
    "tpu.region"() ({
      %run_scoped3A = tpu.sem_alloc : memref<!tpu.dma_semaphore, #tpu.memory_space<semaphore_mem>>
      %dma_start3A_144 = tpu.memref_slice %arg4[%mul3A_44] : memref<20480xf32, #tpu.memory_space<hbm>> -> memref<10240xf32, #tpu.memory_space<hbm>>
      %dma_start3A_145 = tpu.memref_slice %arg4[%mul3A_44] : memref<20480xf32, #tpu.memory_space<hbm>> -> memref<10240xf32, #tpu.memory_space<hbm>>
      tpu.enqueue_dma source(%dma_start3A_145 : memref<10240xf32, #tpu.memory_space<hbm>>) target(%arg11 : memref<10240xf32, #tpu.memory_space<vmem>>) target_semaphore(%run_scoped3A : memref<!tpu.dma_semaphore, #tpu.memory_space<semaphore_mem>>)
      %dma_wait3A_146 = tpu.memref_slice %arg4[%mul3A_44] : memref<20480xf32, #tpu.memory_space<hbm>> -> memref<10240xf32, #tpu.memory_space<hbm>>
      %dma_wait3A_147 = tpu.memref_slice %arg4[%mul3A_44] : memref<20480xf32, #tpu.memory_space<hbm>> -> memref<10240xf32, #tpu.memory_space<hbm>>
      tpu.wait_dma2 semaphore(%run_scoped3A : memref<!tpu.dma_semaphore, #tpu.memory_space<semaphore_mem>>) src(%dma_wait3A_147 : memref<10240xf32, #tpu.memory_space<hbm>>) dst(%arg11 : memref<10240xf32, #tpu.memory_space<vmem>>)
      tpu.yield
    }) : () -> ()
    %barrier3A = arith.constant 0 : index
    tpu.barrier barrier_id(%barrier3A)
    %mul3A_45 = arith.constant 0 : i32
    %mul3A_46 = arith.muli %arg0, %mul3A_45 : i32
    %mul3A_47 = arith.constant 20992 : i32
    %mul3A_48 = arith.muli %arg1, %mul3A_47 : i32
    %add3A_49 = arith.addi %mul3A_46, %mul3A_48 : i32
    %mul3A_50 = arith.constant 10240 : i32
    %mul3A_51 = arith.muli %arg0, %mul3A_50 : i32
    %dma_start3A = arith.constant 0 : i32
    %dma_start3A_52 = tpu.memref_slice %arg5[%dma_start3A, %add3A_49] : memref<2x335872xi32, #tpu.memory_space<hbm>> -> memref<2x128xi32, #tpu.memory_space<hbm>>
    %dma_start3A_53 = arith.constant 0 : i32
    %dma_start3A_54 = tpu.memref_slice %arg5[%dma_start3A_53, %add3A_49] : memref<2x335872xi32, #tpu.memory_space<hbm>> -> memref<2x128xi32, #tpu.memory_space<hbm>>
    tpu.enqueue_dma source(%dma_start3A_54 : memref<2x128xi32, #tpu.memory_space<hbm>>) target(%arg12 : memref<2x128xi32, #tpu.memory_space<vmem>>) target_semaphore(%arg20 : memref<!tpu.dma_semaphore, #tpu.memory_space<semaphore_mem>>)
    %scan3A_55 = arith.constant 0 : i32
    %scan3A_56 = arith.constant 0 : i32
    %scan3A_57 = arith.constant 82 : i32
    %scan3A_58 = arith.addi %scan3A_56, %scan3A_57 : i32
    %scan3A_59 = arith.constant 1 : i32
    scf.for %scan3A_144 = %scan3A_56 to %scan3A_58 step %scan3A_59  : i32 {
      %mul3A_145 = arith.constant 2 : i32
      %mul3A_146 = arith.muli %scan3A_144, %mul3A_145 : i32
      %add3A_147 = arith.constant 0 : i32
      %add3A_148 = arith.addi %mul3A_146, %add3A_147 : i32
      %mul3A_149 = arith.constant 128 : i32
      %mul3A_150 = arith.muli %add3A_148, %mul3A_149 : i32
      %add3A_151 = arith.addi %add3A_49, %mul3A_150 : i32
      %dma_wait3A_152 = arith.constant 0 : i32
      %dma_wait3A_153 = arith.constant 0 : i32
      %dma_wait3A_154 = tpu.memref_slice %arg5[%dma_wait3A_152, %dma_wait3A_153] : memref<2x335872xi32, #tpu.memory_space<hbm>> -> memref<2x128xi32, #tpu.memory_space<hbm>>
      %dma_wait3A_155 = arith.constant 0 : i32
      %dma_wait3A_156 = arith.constant 0 : i32
      %dma_wait3A_157 = tpu.memref_slice %arg5[%dma_wait3A_155, %dma_wait3A_156] : memref<2x335872xi32, #tpu.memory_space<hbm>> -> memref<2x128xi32, #tpu.memory_space<hbm>>
      tpu.wait_dma2 semaphore(%arg20 : memref<!tpu.dma_semaphore, #tpu.memory_space<semaphore_mem>>) src(%dma_wait3A_157 : memref<2x128xi32, #tpu.memory_space<hbm>>) dst(%arg12 : memref<2x128xi32, #tpu.memory_space<vmem>>)
      %scan3A_158 = arith.constant 0 : i32
      %scan3A_159 = arith.constant 0 : i32
      %scan3A_160 = arith.constant 8 : i32
      %scan3A_161 = arith.addi %scan3A_159, %scan3A_160 : i32
      %scan3A_162 = arith.constant 1 : i32
      scf.for %scan3A_246 = %scan3A_159 to %scan3A_161 step %scan3A_162  : i32 {
        %mul3A_247 = arith.constant 16 : i32
        %mul3A_248 = arith.muli %scan3A_246, %mul3A_247 : i32
        %get3A = arith.constant 0 : i32
        %get3A_249 = arith.index_cast %get3A : i32 to index
        %get3A_250 = arith.index_cast %mul3A_248 : i32 to index
        %get3A_251 = tpu.vector_load %arg12[%get3A_249, %get3A_250] {strides = array<i32>} : memref<2x128xi32, #tpu.memory_space<vmem>>, vector<16xi32>,
        %get3A_252 = arith.constant 1 : i32
        %get3A_253 = arith.index_cast %get3A_252 : i32 to index
        %get3A_254 = arith.index_cast %mul3A_248 : i32 to index
        %get3A_255 = tpu.vector_load %arg12[%get3A_253, %get3A_254] {strides = array<i32>} : memref<2x128xi32, #tpu.memory_space<vmem>>, vector<16xi32>,
        %gather3A = tpu.vector_load_idx %arg10[%get3A_251] : memref<10240xf32, #tpu.memory_space<vmem>>[vector<16xi32>], vector<16xf32>,
        %gather3A_256 = tpu.vector_load_idx %arg11[%get3A_255] : memref<10240xf32, #tpu.memory_space<vmem>>[vector<16xi32>], vector<16xf32>,
        %add3A_257 = arith.addf %gather3A, %gather3A_256 : vector<16xf32>
        %ge3A = arith.constant 0.000000e+00 : f32
        %ge3A_258 = vector.broadcast %ge3A : f32 to vector<16xf32>
        %ge3A_259 = arith.cmpf oge, %add3A_257, %ge3A_258 : vector<16xf32>
        %mul3A_260 = arith.constant 2.000000e-01 : f32
        %mul3A_261 = vector.broadcast %mul3A_260 : f32 to vector<16xf32>
        %mul3A_262 = arith.mulf %mul3A_261, %add3A_257 : vector<16xf32>
        %select_n3A = arith.select %ge3A_259, %add3A_257, %mul3A_262 : vector<16xi1>, vector<16xf32>
        %exp3A = math.exp %select_n3A : vector<16xf32>
        %swap3A_263 = arith.index_cast %mul3A_248 : i32 to index
        %swap3A_264 = tpu.vector_load %arg16[%swap3A_263] {strides = array<i32>} : memref<128xf32, #tpu.memory_space<vmem>>, vector<16xf32>,
        tpu.vector_store %arg16[%swap3A_263], %exp3A {strides = array<i32>} : memref<128xf32, #tpu.memory_space<vmem>>, vector<16xf32>,
        %add3A_265 = vector.broadcast %mul3A_51 : i32 to vector<16xi32>
        %add3A_266 = arith.addi %get3A_251, %add3A_265 : vector<16xi32>
        %swap3A_267 = arith.index_cast %mul3A_248 : i32 to index
        %swap3A_268 = tpu.vector_load %arg14[%swap3A_267] {strides = array<i32>} : memref<128xi32, #tpu.memory_space<vmem>>, vector<16xi32>,
        tpu.vector_store %arg14[%swap3A_267], %add3A_266 {strides = array<i32>} : memref<128xi32, #tpu.memory_space<vmem>>, vector<16xi32>,
      }
      %scan3A_163 = arith.constant 8 : i32
      %dma_start3A_164 = arith.constant 0 : i32
      %dma_start3A_165 = arith.constant 0 : i32
      %dma_start3A_166 = tpu.memref_slice %arg2[%dma_start3A_164, %dma_start3A_165] : memref<20480x64xf32, #tpu.memory_space<hbm>> -> memref<20480x64xf32, #tpu.memory_space<hbm>>
      tpu.enqueue_indirect_dma source(%dma_start3A_166 : memref<20480x64xf32, #tpu.memory_space<hbm>>) target(%arg18 : memref<128x64xf32, #tpu.memory_space<vmem>>) offsets(%arg14 : memref<128xi32, #tpu.memory_space<vmem>>) semaphore(%arg22 : memref<!tpu.dma_semaphore, #tpu.memory_space<semaphore_mem>>)
      %gt3A = arith.constant 0 : i32
      %gt3A_167 = arith.cmpi sgt, %scan3A_144, %gt3A : i32
      %convert_element_type3A = arith.extui %gt3A_167 : i1 to i32
      %cond3A = arith.constant 0 : i32
      %cond3A_168 = arith.cmpi ne, %convert_element_type3A, %cond3A : i32
      scf.if %cond3A_168 {
        %dma_wait3A_246 = arith.constant 1 : i32
        %dma_wait3A_247 = arith.constant 0 : i32
        %dma_wait3A_248 = tpu.memref_slice %arg13[%dma_wait3A_246, %dma_wait3A_247] : memref<2x128xi32, #tpu.memory_space<vmem>> -> memref<1x128xi32, #tpu.memory_space<vmem>>
        %dma_wait3A_249 = tpu.memref_squeeze %dma_wait3A_248 : memref<1x128xi32, #tpu.memory_space<vmem>> -> memref<128xi32, #tpu.memory_space<vmem>>
        %dma_wait3A_250 = arith.constant 0 : i32
        %dma_wait3A_251 = arith.constant 0 : i32
        %dma_wait3A_252 = tpu.memref_slice %arg8[%dma_wait3A_250, %dma_wait3A_251] : memref<10240x64xf32, #tpu.memory_space<vmem_shared>> -> memref<10240x64xf32, #tpu.memory_space<vmem_shared>>
        tpu.wait_indirect_dma semaphore(%arg24 : memref<!tpu.dma_semaphore, #tpu.memory_space<semaphore_mem>>) src(%arg19 : memref<128x64xf32, #tpu.memory_space<vmem>>) dst(%dma_wait3A_252 : memref<10240x64xf32, #tpu.memory_space<vmem_shared>>)
        %dma_wait3A_253 = arith.constant 1 : i32
        %dma_wait3A_254 = arith.constant 0 : i32
        %dma_wait3A_255 = tpu.memref_slice %arg13[%dma_wait3A_253, %dma_wait3A_254] : memref<2x128xi32, #tpu.memory_space<vmem>> -> memref<1x128xi32, #tpu.memory_space<vmem>>
        %dma_wait3A_256 = tpu.memref_squeeze %dma_wait3A_255 : memref<1x128xi32, #tpu.memory_space<vmem>> -> memref<128xi32, #tpu.memory_space<vmem>>
        %dma_wait3A_257 = arith.constant 0 : i32
        %dma_wait3A_258 = tpu.memref_slice %arg9[%dma_wait3A_257] : memref<10240xf32, #tpu.memory_space<vmem_shared>> -> memref<10240xf32, #tpu.memory_space<vmem_shared>>
        tpu.wait_indirect_dma semaphore(%arg26 : memref<!tpu.dma_semaphore, #tpu.memory_space<semaphore_mem>>) src(%arg17 : memref<128xf32, #tpu.memory_space<vmem>>) dst(%dma_wait3A_258 : memref<10240xf32, #tpu.memory_space<vmem_shared>>)
      } else {
      }
      %add3A_169 = arith.constant 128 : i32
      %add3A_170 = arith.addi %add3A_151, %add3A_169 : i32
      %dma_start3A_171 = arith.constant 0 : i32
      %dma_start3A_172 = tpu.memref_slice %arg5[%dma_start3A_171, %add3A_170] : memref<2x335872xi32, #tpu.memory_space<hbm>> -> memref<2x128xi32, #tpu.memory_space<hbm>>
      %dma_start3A_173 = arith.constant 0 : i32
      %dma_start3A_174 = tpu.memref_slice %arg5[%dma_start3A_173, %add3A_170] : memref<2x335872xi32, #tpu.memory_space<hbm>> -> memref<2x128xi32, #tpu.memory_space<hbm>>
      tpu.enqueue_dma source(%dma_start3A_174 : memref<2x128xi32, #tpu.memory_space<hbm>>) target(%arg13 : memref<2x128xi32, #tpu.memory_space<vmem>>) target_semaphore(%arg21 : memref<!tpu.dma_semaphore, #tpu.memory_space<semaphore_mem>>)
      %dma_wait3A_175 = arith.constant 0 : i32
      %dma_wait3A_176 = arith.constant 0 : i32
      %dma_wait3A_177 = tpu.memref_slice %arg2[%dma_wait3A_175, %dma_wait3A_176] : memref<20480x64xf32, #tpu.memory_space<hbm>> -> memref<20480x64xf32, #tpu.memory_space<hbm>>
      tpu.wait_indirect_dma semaphore(%arg22 : memref<!tpu.dma_semaphore, #tpu.memory_space<semaphore_mem>>) src(%dma_wait3A_177 : memref<20480x64xf32, #tpu.memory_space<hbm>>) dst(%arg18 : memref<128x64xf32, #tpu.memory_space<vmem>>)
      %dma_start3A_178 = arith.constant 1 : i32
      %dma_start3A_179 = arith.constant 0 : i32
      %dma_start3A_180 = tpu.memref_slice %arg12[%dma_start3A_178, %dma_start3A_179] : memref<2x128xi32, #tpu.memory_space<vmem>> -> memref<1x128xi32, #tpu.memory_space<vmem>>
      %dma_start3A_181 = tpu.memref_squeeze %dma_start3A_180 : memref<1x128xi32, #tpu.memory_space<vmem>> -> memref<128xi32, #tpu.memory_space<vmem>>
      %dma_start3A_182 = arith.constant 0 : i32
      %dma_start3A_183 = arith.constant 0 : i32
      %dma_start3A_184 = tpu.memref_slice %arg8[%dma_start3A_182, %dma_start3A_183] : memref<10240x64xf32, #tpu.memory_space<vmem_shared>> -> memref<10240x64xf32, #tpu.memory_space<vmem_shared>>
      tpu.enqueue_indirect_dma source(%arg18 : memref<128x64xf32, #tpu.memory_space<vmem>>) target(%dma_start3A_184 : memref<10240x64xf32, #tpu.memory_space<vmem_shared>>) offsets(%dma_start3A_181 : memref<128xi32, #tpu.memory_space<vmem>>) semaphore(%arg23 : memref<!tpu.dma_semaphore, #tpu.memory_space<semaphore_mem>>) {add = true}
      %dma_start3A_185 = arith.constant 1 : i32
      %dma_start3A_186 = arith.constant 0 : i32
      %dma_start3A_187 = tpu.memref_slice %arg12[%dma_start3A_185, %dma_start3A_186] : memref<2x128xi32, #tpu.memory_space<vmem>> -> memref<1x128xi32, #tpu.memory_space<vmem>>
      %dma_start3A_188 = tpu.memref_squeeze %dma_start3A_187 : memref<1x128xi32, #tpu.memory_space<vmem>> -> memref<128xi32, #tpu.memory_space<vmem>>
      %dma_start3A_189 = arith.constant 0 : i32
      %dma_start3A_190 = tpu.memref_slice %arg9[%dma_start3A_189] : memref<10240xf32, #tpu.memory_space<vmem_shared>> -> memref<10240xf32, #tpu.memory_space<vmem_shared>>
      tpu.enqueue_indirect_dma source(%arg16 : memref<128xf32, #tpu.memory_space<vmem>>) target(%dma_start3A_190 : memref<10240xf32, #tpu.memory_space<vmem_shared>>) offsets(%dma_start3A_188 : memref<128xi32, #tpu.memory_space<vmem>>) semaphore(%arg25 : memref<!tpu.dma_semaphore, #tpu.memory_space<semaphore_mem>>) {add = true}
      %mul3A_191 = arith.constant 2 : i32
      %mul3A_192 = arith.muli %scan3A_144, %mul3A_191 : i32
      %add3A_193 = arith.constant 1 : i32
      %add3A_194 = arith.addi %mul3A_192, %add3A_193 : i32
      %mul3A_195 = arith.constant 128 : i32
      %mul3A_196 = arith.muli %add3A_194, %mul3A_195 : i32
      %add3A_197 = arith.addi %add3A_49, %mul3A_196 : i32
      %dma_wait3A_198 = arith.constant 0 : i32
      %dma_wait3A_199 = arith.constant 0 : i32
      %dma_wait3A_200 = tpu.memref_slice %arg5[%dma_wait3A_198, %dma_wait3A_199] : memref<2x335872xi32, #tpu.memory_space<hbm>> -> memref<2x128xi32, #tpu.memory_space<hbm>>
      %dma_wait3A_201 = arith.constant 0 : i32
      %dma_wait3A_202 = arith.constant 0 : i32
      %dma_wait3A_203 = tpu.memref_slice %arg5[%dma_wait3A_201, %dma_wait3A_202] : memref<2x335872xi32, #tpu.memory_space<hbm>> -> memref<2x128xi32, #tpu.memory_space<hbm>>
      tpu.wait_dma2 semaphore(%arg21 : memref<!tpu.dma_semaphore, #tpu.memory_space<semaphore_mem>>) src(%dma_wait3A_203 : memref<2x128xi32, #tpu.memory_space<hbm>>) dst(%arg13 : memref<2x128xi32, #tpu.memory_space<vmem>>)
      %scan3A_204 = arith.constant 0 : i32
      %scan3A_205 = arith.constant 0 : i32
      %scan3A_206 = arith.constant 8 : i32
      %scan3A_207 = arith.addi %scan3A_205, %scan3A_206 : i32
      %scan3A_208 = arith.constant 1 : i32
      scf.for %scan3A_246 = %scan3A_205 to %scan3A_207 step %scan3A_208  : i32 {
        %mul3A_247 = arith.constant 16 : i32
        %mul3A_248 = arith.muli %scan3A_246, %mul3A_247 : i32
        %get3A = arith.constant 0 : i32
        %get3A_249 = arith.index_cast %get3A : i32 to index
        %get3A_250 = arith.index_cast %mul3A_248 : i32 to index
        %get3A_251 = tpu.vector_load %arg13[%get3A_249, %get3A_250] {strides = array<i32>} : memref<2x128xi32, #tpu.memory_space<vmem>>, vector<16xi32>,
        %get3A_252 = arith.constant 1 : i32
        %get3A_253 = arith.index_cast %get3A_252 : i32 to index
        %get3A_254 = arith.index_cast %mul3A_248 : i32 to index
        %get3A_255 = tpu.vector_load %arg13[%get3A_253, %get3A_254] {strides = array<i32>} : memref<2x128xi32, #tpu.memory_space<vmem>>, vector<16xi32>,
        %gather3A = tpu.vector_load_idx %arg10[%get3A_251] : memref<10240xf32, #tpu.memory_space<vmem>>[vector<16xi32>], vector<16xf32>,
        %gather3A_256 = tpu.vector_load_idx %arg11[%get3A_255] : memref<10240xf32, #tpu.memory_space<vmem>>[vector<16xi32>], vector<16xf32>,
        %add3A_257 = arith.addf %gather3A, %gather3A_256 : vector<16xf32>
        %ge3A = arith.constant 0.000000e+00 : f32
        %ge3A_258 = vector.broadcast %ge3A : f32 to vector<16xf32>
        %ge3A_259 = arith.cmpf oge, %add3A_257, %ge3A_258 : vector<16xf32>
        %mul3A_260 = arith.constant 2.000000e-01 : f32
        %mul3A_261 = vector.broadcast %mul3A_260 : f32 to vector<16xf32>
        %mul3A_262 = arith.mulf %mul3A_261, %add3A_257 : vector<16xf32>
        %select_n3A = arith.select %ge3A_259, %add3A_257, %mul3A_262 : vector<16xi1>, vector<16xf32>
        %exp3A = math.exp %select_n3A : vector<16xf32>
        %swap3A_263 = arith.index_cast %mul3A_248 : i32 to index
        %swap3A_264 = tpu.vector_load %arg17[%swap3A_263] {strides = array<i32>} : memref<128xf32, #tpu.memory_space<vmem>>, vector<16xf32>,
        tpu.vector_store %arg17[%swap3A_263], %exp3A {strides = array<i32>} : memref<128xf32, #tpu.memory_space<vmem>>, vector<16xf32>,
        %add3A_265 = vector.broadcast %mul3A_51 : i32 to vector<16xi32>
        %add3A_266 = arith.addi %get3A_251, %add3A_265 : vector<16xi32>
        %swap3A_267 = arith.index_cast %mul3A_248 : i32 to index
        %swap3A_268 = tpu.vector_load %arg15[%swap3A_267] {strides = array<i32>} : memref<128xi32, #tpu.memory_space<vmem>>, vector<16xi32>,
        tpu.vector_store %arg15[%swap3A_267], %add3A_266 {strides = array<i32>} : memref<128xi32, #tpu.memory_space<vmem>>, vector<16xi32>,
      }
      %scan3A_209 = arith.constant 8 : i32
      %dma_start3A_210 = arith.constant 0 : i32
      %dma_start3A_211 = arith.constant 0 : i32
      %dma_start3A_212 = tpu.memref_slice %arg2[%dma_start3A_210, %dma_start3A_211] : memref<20480x64xf32, #tpu.memory_space<hbm>> -> memref<20480x64xf32, #tpu.memory_space<hbm>>
      tpu.enqueue_indirect_dma source(%dma_start3A_212 : memref<20480x64xf32, #tpu.memory_space<hbm>>) target(%arg19 : memref<128x64xf32, #tpu.memory_space<vmem>>) offsets(%arg15 : memref<128xi32, #tpu.memory_space<vmem>>) semaphore(%arg22 : memref<!tpu.dma_semaphore, #tpu.memory_space<semaphore_mem>>)
      %dma_wait3A_213 = arith.constant 1 : i32
      %dma_wait3A_214 = arith.constant 0 : i32
      %dma_wait3A_215 = tpu.memref_slice %arg12[%dma_wait3A_213, %dma_wait3A_214] : memref<2x128xi32, #tpu.memory_space<vmem>> -> memref<1x128xi32, #tpu.memory_space<vmem>>
      %dma_wait3A_216 = tpu.memref_squeeze %dma_wait3A_215 : memref<1x128xi32, #tpu.memory_space<vmem>> -> memref<128xi32, #tpu.memory_space<vmem>>
      %dma_wait3A_217 = arith.constant 0 : i32
      %dma_wait3A_218 = arith.constant 0 : i32
      %dma_wait3A_219 = tpu.memref_slice %arg8[%dma_wait3A_217, %dma_wait3A_218] : memref<10240x64xf32, #tpu.memory_space<vmem_shared>> -> memref<10240x64xf32, #tpu.memory_space<vmem_shared>>
      tpu.wait_indirect_dma semaphore(%arg23 : memref<!tpu.dma_semaphore, #tpu.memory_space<semaphore_mem>>) src(%arg18 : memref<128x64xf32, #tpu.memory_space<vmem>>) dst(%dma_wait3A_219 : memref<10240x64xf32, #tpu.memory_space<vmem_shared>>)
      %dma_wait3A_220 = arith.constant 1 : i32
      %dma_wait3A_221 = arith.constant 0 : i32
      %dma_wait3A_222 = tpu.memref_slice %arg12[%dma_wait3A_220, %dma_wait3A_221] : memref<2x128xi32, #tpu.memory_space<vmem>> -> memref<1x128xi32, #tpu.memory_space<vmem>>
      %dma_wait3A_223 = tpu.memref_squeeze %dma_wait3A_222 : memref<1x128xi32, #tpu.memory_space<vmem>> -> memref<128xi32, #tpu.memory_space<vmem>>
      %dma_wait3A_224 = arith.constant 0 : i32
      %dma_wait3A_225 = tpu.memref_slice %arg9[%dma_wait3A_224] : memref<10240xf32, #tpu.memory_space<vmem_shared>> -> memref<10240xf32, #tpu.memory_space<vmem_shared>>
      tpu.wait_indirect_dma semaphore(%arg25 : memref<!tpu.dma_semaphore, #tpu.memory_space<semaphore_mem>>) src(%arg16 : memref<128xf32, #tpu.memory_space<vmem>>) dst(%dma_wait3A_225 : memref<10240xf32, #tpu.memory_space<vmem_shared>>)
      %lt3A = arith.constant 81 : i32
      %lt3A_226 = arith.cmpi slt, %scan3A_144, %lt3A : i32
      %convert_element_type3A_227 = arith.extui %lt3A_226 : i1 to i32
      %cond3A_228 = arith.constant 0 : i32
      %cond3A_229 = arith.cmpi ne, %convert_element_type3A_227, %cond3A_228 : i32
      scf.if %cond3A_229 {
        %add3A_246 = arith.constant 128 : i32
        %add3A_247 = arith.addi %add3A_197, %add3A_246 : i32
        %dma_start3A_248 = arith.constant 0 : i32
        %dma_start3A_249 = tpu.memref_slice %arg5[%dma_start3A_248, %add3A_247] : memref<2x335872xi32, #tpu.memory_space<hbm>> -> memref<2x128xi32, #tpu.memory_space<hbm>>
        %dma_start3A_250 = arith.constant 0 : i32
        %dma_start3A_251 = tpu.memref_slice %arg5[%dma_start3A_250, %add3A_247] : memref<2x335872xi32, #tpu.memory_space<hbm>> -> memref<2x128xi32, #tpu.memory_space<hbm>>
        tpu.enqueue_dma source(%dma_start3A_251 : memref<2x128xi32, #tpu.memory_space<hbm>>) target(%arg12 : memref<2x128xi32, #tpu.memory_space<vmem>>) target_semaphore(%arg20 : memref<!tpu.dma_semaphore, #tpu.memory_space<semaphore_mem>>)
      } else {
      }
      %dma_wait3A_230 = arith.constant 0 : i32
      %dma_wait3A_231 = arith.constant 0 : i32
      %dma_wait3A_232 = tpu.memref_slice %arg2[%dma_wait3A_230, %dma_wait3A_231] : memref<20480x64xf32, #tpu.memory_space<hbm>> -> memref<20480x64xf32, #tpu.memory_space<hbm>>
      tpu.wait_indirect_dma semaphore(%arg22 : memref<!tpu.dma_semaphore, #tpu.memory_space<semaphore_mem>>) src(%dma_wait3A_232 : memref<20480x64xf32, #tpu.memory_space<hbm>>) dst(%arg19 : memref<128x64xf32, #tpu.memory_space<vmem>>)
      %dma_start3A_233 = arith.constant 1 : i32
      %dma_start3A_234 = arith.constant 0 : i32
      %dma_start3A_235 = tpu.memref_slice %arg13[%dma_start3A_233, %dma_start3A_234] : memref<2x128xi32, #tpu.memory_space<vmem>> -> memref<1x128xi32, #tpu.memory_space<vmem>>
      %dma_start3A_236 = tpu.memref_squeeze %dma_start3A_235 : memref<1x128xi32, #tpu.memory_space<vmem>> -> memref<128xi32, #tpu.memory_space<vmem>>
      %dma_start3A_237 = arith.constant 0 : i32
      %dma_start3A_238 = arith.constant 0 : i32
      %dma_start3A_239 = tpu.memref_slice %arg8[%dma_start3A_237, %dma_start3A_238] : memref<10240x64xf32, #tpu.memory_space<vmem_shared>> -> memref<10240x64xf32, #tpu.memory_space<vmem_shared>>
      tpu.enqueue_indirect_dma source(%arg19 : memref<128x64xf32, #tpu.memory_space<vmem>>) target(%dma_start3A_239 : memref<10240x64xf32, #tpu.memory_space<vmem_shared>>) offsets(%dma_start3A_236 : memref<128xi32, #tpu.memory_space<vmem>>) semaphore(%arg24 : memref<!tpu.dma_semaphore, #tpu.memory_space<semaphore_mem>>) {add = true}
      %dma_start3A_240 = arith.constant 1 : i32
      %dma_start3A_241 = arith.constant 0 : i32
      %dma_start3A_242 = tpu.memref_slice %arg13[%dma_start3A_240, %dma_start3A_241] : memref<2x128xi32, #tpu.memory_space<vmem>> -> memref<1x128xi32, #tpu.memory_space<vmem>>
      %dma_start3A_243 = tpu.memref_squeeze %dma_start3A_242 : memref<1x128xi32, #tpu.memory_space<vmem>> -> memref<128xi32, #tpu.memory_space<vmem>>
      %dma_start3A_244 = arith.constant 0 : i32
      %dma_start3A_245 = tpu.memref_slice %arg9[%dma_start3A_244] : memref<10240xf32, #tpu.memory_space<vmem_shared>> -> memref<10240xf32, #tpu.memory_space<vmem_shared>>
      tpu.enqueue_indirect_dma source(%arg17 : memref<128xf32, #tpu.memory_space<vmem>>) target(%dma_start3A_245 : memref<10240xf32, #tpu.memory_space<vmem_shared>>) offsets(%dma_start3A_243 : memref<128xi32, #tpu.memory_space<vmem>>) semaphore(%arg26 : memref<!tpu.dma_semaphore, #tpu.memory_space<semaphore_mem>>) {add = true}
    }
    %scan3A_60 = arith.constant 82 : i32
    %dma_wait3A = arith.constant 1 : i32
    %dma_wait3A_61 = arith.constant 0 : i32
    %dma_wait3A_62 = tpu.memref_slice %arg13[%dma_wait3A, %dma_wait3A_61] : memref<2x128xi32, #tpu.memory_space<vmem>> -> memref<1x128xi32, #tpu.memory_space<vmem>>
    %dma_wait3A_63 = tpu.memref_squeeze %dma_wait3A_62 : memref<1x128xi32, #tpu.memory_space<vmem>> -> memref<128xi32, #tpu.memory_space<vmem>>
    %dma_wait3A_64 = arith.constant 0 : i32
    %dma_wait3A_65 = arith.constant 0 : i32
    %dma_wait3A_66 = tpu.memref_slice %arg8[%dma_wait3A_64, %dma_wait3A_65] : memref<10240x64xf32, #tpu.memory_space<vmem_shared>> -> memref<10240x64xf32, #tpu.memory_space<vmem_shared>>
    tpu.wait_indirect_dma semaphore(%arg24 : memref<!tpu.dma_semaphore, #tpu.memory_space<semaphore_mem>>) src(%arg19 : memref<128x64xf32, #tpu.memory_space<vmem>>) dst(%dma_wait3A_66 : memref<10240x64xf32, #tpu.memory_space<vmem_shared>>)
    %dma_wait3A_67 = arith.constant 1 : i32
    %dma_wait3A_68 = arith.constant 0 : i32
    %dma_wait3A_69 = tpu.memref_slice %arg13[%dma_wait3A_67, %dma_wait3A_68] : memref<2x128xi32, #tpu.memory_space<vmem>> -> memref<1x128xi32, #tpu.memory_space<vmem>>
    %dma_wait3A_70 = tpu.memref_squeeze %dma_wait3A_69 : memref<1x128xi32, #tpu.memory_space<vmem>> -> memref<128xi32, #tpu.memory_space<vmem>>
    %dma_wait3A_71 = arith.constant 0 : i32
    %dma_wait3A_72 = tpu.memref_slice %arg9[%dma_wait3A_71] : memref<10240xf32, #tpu.memory_space<vmem_shared>> -> memref<10240xf32, #tpu.memory_space<vmem_shared>>
    tpu.wait_indirect_dma semaphore(%arg26 : memref<!tpu.dma_semaphore, #tpu.memory_space<semaphore_mem>>) src(%arg17 : memref<128xf32, #tpu.memory_space<vmem>>) dst(%dma_wait3A_72 : memref<10240xf32, #tpu.memory_space<vmem_shared>>)
    %barrier3A_73 = arith.constant 0 : index
    tpu.barrier barrier_id(%barrier3A_73)
    %add3A_74 = arith.constant 0 : i32
    %add3A_75 = arith.addi %mul3A_0, %add3A_74 : i32
    "tpu.region"() ({
      %run_scoped3A = tpu.sem_alloc : memref<!tpu.dma_semaphore, #tpu.memory_space<semaphore_mem>>
      %dma_start3A_144 = arith.constant 0 : i32
      %dma_start3A_145 = tpu.memref_slice %arg8[%add3A_75, %dma_start3A_144] : memref<10240x64xf32, #tpu.memory_space<vmem_shared>> -> memref<128x64xf32, #tpu.memory_space<vmem_shared>>
      %dma_start3A_146 = arith.constant 0 : i32
      %dma_start3A_147 = tpu.memref_slice %arg8[%add3A_75, %dma_start3A_146] : memref<10240x64xf32, #tpu.memory_space<vmem_shared>> -> memref<128x64xf32, #tpu.memory_space<vmem_shared>>
      tpu.enqueue_dma source(%dma_start3A_147 : memref<128x64xf32, #tpu.memory_space<vmem_shared>>) target(%arg18 : memref<128x64xf32, #tpu.memory_space<vmem>>) target_semaphore(%run_scoped3A : memref<!tpu.dma_semaphore, #tpu.memory_space<semaphore_mem>>)
      %dma_wait3A_148 = arith.constant 0 : i32
      %dma_wait3A_149 = tpu.memref_slice %arg8[%add3A_75, %dma_wait3A_148] : memref<10240x64xf32, #tpu.memory_space<vmem_shared>> -> memref<128x64xf32, #tpu.memory_space<vmem_shared>>
      %dma_wait3A_150 = arith.constant 0 : i32
      %dma_wait3A_151 = tpu.memref_slice %arg8[%add3A_75, %dma_wait3A_150] : memref<10240x64xf32, #tpu.memory_space<vmem_shared>> -> memref<128x64xf32, #tpu.memory_space<vmem_shared>>
      tpu.wait_dma2 semaphore(%run_scoped3A : memref<!tpu.dma_semaphore, #tpu.memory_space<semaphore_mem>>) src(%dma_wait3A_151 : memref<128x64xf32, #tpu.memory_space<vmem_shared>>) dst(%arg18 : memref<128x64xf32, #tpu.memory_space<vmem>>)
      tpu.yield
    }) : () -> ()
    %mul3A_76 = arith.constant 10240 : i32
    %mul3A_77 = arith.muli %arg0, %mul3A_76 : i32
    %add3A_78 = arith.addi %mul3A_77, %mul3A_0 : i32
    %add3A_79 = arith.constant 0 : i32
    %add3A_80 = arith.addi %add3A_78, %add3A_79 : i32
    "tpu.region"() ({
      %run_scoped3A = tpu.sem_alloc : memref<!tpu.dma_semaphore, #tpu.memory_space<semaphore_mem>>
      %dma_start3A_144 = arith.constant 0 : i32
      %dma_start3A_145 = tpu.memref_slice %arg6[%add3A_80, %dma_start3A_144] : memref<20480x64xf32, #tpu.memory_space<hbm>> -> memref<128x64xf32, #tpu.memory_space<hbm>>
      %dma_start3A_146 = arith.constant 0 : i32
      %dma_start3A_147 = tpu.memref_slice %arg6[%add3A_80, %dma_start3A_146] : memref<20480x64xf32, #tpu.memory_space<hbm>> -> memref<128x64xf32, #tpu.memory_space<hbm>>
      tpu.enqueue_dma source(%arg18 : memref<128x64xf32, #tpu.memory_space<vmem>>) target(%dma_start3A_147 : memref<128x64xf32, #tpu.memory_space<hbm>>) target_semaphore(%run_scoped3A : memref<!tpu.dma_semaphore, #tpu.memory_space<semaphore_mem>>)
      %dma_wait3A_148 = arith.constant 0 : i32
      %dma_wait3A_149 = tpu.memref_slice %arg6[%add3A_80, %dma_wait3A_148] : memref<20480x64xf32, #tpu.memory_space<hbm>> -> memref<128x64xf32, #tpu.memory_space<hbm>>
      %dma_wait3A_150 = arith.constant 0 : i32
      %dma_wait3A_151 = tpu.memref_slice %arg6[%add3A_80, %dma_wait3A_150] : memref<20480x64xf32, #tpu.memory_space<hbm>> -> memref<128x64xf32, #tpu.memory_space<hbm>>
      tpu.wait_dma2 semaphore(%run_scoped3A : memref<!tpu.dma_semaphore, #tpu.memory_space<semaphore_mem>>) src(%arg18 : memref<128x64xf32, #tpu.memory_space<vmem>>) dst(%dma_wait3A_151 : memref<128x64xf32, #tpu.memory_space<hbm>>)
      tpu.yield
    }) : () -> ()
    %add3A_81 = arith.constant 0 : i32
    %add3A_82 = arith.addi %mul3A_0, %add3A_81 : i32
    "tpu.region"() ({
      %run_scoped3A = tpu.sem_alloc : memref<!tpu.dma_semaphore, #tpu.memory_space<semaphore_mem>>
      %dma_start3A_144 = tpu.memref_slice %arg9[%add3A_82] : memref<10240xf32, #tpu.memory_space<vmem_shared>> -> memref<128xf32, #tpu.memory_space<vmem_shared>>
      %dma_start3A_145 = tpu.memref_slice %arg9[%add3A_82] : memref<10240xf32, #tpu.memory_space<vmem_shared>> -> memref<128xf32, #tpu.memory_space<vmem_shared>>
      tpu.enqueue_dma source(%dma_start3A_145 : memref<128xf32, #tpu.memory_space<vmem_shared>>) target(%arg16 : memref<128xf32, #tpu.memory_space<vmem>>) target_semaphore(%run_scoped3A : memref<!tpu.dma_semaphore, #tpu.memory_space<semaphore_mem>>)
      %dma_wait3A_146 = tpu.memref_slice %arg9[%add3A_82] : memref<10240xf32, #tpu.memory_space<vmem_shared>> -> memref<128xf32, #tpu.memory_space<vmem_shared>>
      %dma_wait3A_147 = tpu.memref_slice %arg9[%add3A_82] : memref<10240xf32, #tpu.memory_space<vmem_shared>> -> memref<128xf32, #tpu.memory_space<vmem_shared>>
      tpu.wait_dma2 semaphore(%run_scoped3A : memref<!tpu.dma_semaphore, #tpu.memory_space<semaphore_mem>>) src(%dma_wait3A_147 : memref<128xf32, #tpu.memory_space<vmem_shared>>) dst(%arg16 : memref<128xf32, #tpu.memory_space<vmem>>)
      tpu.yield
    }) : () -> ()
    %mul3A_83 = arith.constant 10240 : i32
    %mul3A_84 = arith.muli %arg0, %mul3A_83 : i32
    %add3A_85 = arith.addi %mul3A_84, %mul3A_0 : i32
    %add3A_86 = arith.constant 0 : i32
    %add3A_87 = arith.addi %add3A_85, %add3A_86 : i32
    "tpu.region"() ({
      %run_scoped3A = tpu.sem_alloc : memref<!tpu.dma_semaphore, #tpu.memory_space<semaphore_mem>>
      %dma_start3A_144 = tpu.memref_slice %arg7[%add3A_87] : memref<20480xf32, #tpu.memory_space<hbm>> -> memref<128xf32, #tpu.memory_space<hbm>>
      %dma_start3A_145 = tpu.memref_slice %arg7[%add3A_87] : memref<20480xf32, #tpu.memory_space<hbm>> -> memref<128xf32, #tpu.memory_space<hbm>>
      tpu.enqueue_dma source(%arg16 : memref<128xf32, #tpu.memory_space<vmem>>) target(%dma_start3A_145 : memref<128xf32, #tpu.memory_space<hbm>>) target_semaphore(%run_scoped3A : memref<!tpu.dma_semaphore, #tpu.memory_space<semaphore_mem>>)
      %dma_wait3A_146 = tpu.memref_slice %arg7[%add3A_87] : memref<20480xf32, #tpu.memory_space<hbm>> -> memref<128xf32, #tpu.memory_space<hbm>>
      %dma_wait3A_147 = tpu.memref_slice %arg7[%add3A_87] : memref<20480xf32, #tpu.memory_space<hbm>> -> memref<128xf32, #tpu.memory_space<hbm>>
      tpu.wait_dma2 semaphore(%run_scoped3A : memref<!tpu.dma_semaphore, #tpu.memory_space<semaphore_mem>>) src(%arg16 : memref<128xf32, #tpu.memory_space<vmem>>) dst(%dma_wait3A_147 : memref<128xf32, #tpu.memory_space<hbm>>)
      tpu.yield
    }) : () -> ()
    %add3A_88 = arith.constant 128 : i32
    %add3A_89 = arith.addi %mul3A_0, %add3A_88 : i32
    "tpu.region"() ({
      %run_scoped3A = tpu.sem_alloc : memref<!tpu.dma_semaphore, #tpu.memory_space<semaphore_mem>>
      %dma_start3A_144 = arith.constant 0 : i32
      %dma_start3A_145 = tpu.memref_slice %arg8[%add3A_89, %dma_start3A_144] : memref<10240x64xf32, #tpu.memory_space<vmem_shared>> -> memref<128x64xf32, #tpu.memory_space<vmem_shared>>
      %dma_start3A_146 = arith.constant 0 : i32
      %dma_start3A_147 = tpu.memref_slice %arg8[%add3A_89, %dma_start3A_146] : memref<10240x64xf32, #tpu.memory_space<vmem_shared>> -> memref<128x64xf32, #tpu.memory_space<vmem_shared>>
      tpu.enqueue_dma source(%dma_start3A_147 : memref<128x64xf32, #tpu.memory_space<vmem_shared>>) target(%arg18 : memref<128x64xf32, #tpu.memory_space<vmem>>) target_semaphore(%run_scoped3A : memref<!tpu.dma_semaphore, #tpu.memory_space<semaphore_mem>>)
      %dma_wait3A_148 = arith.constant 0 : i32
      %dma_wait3A_149 = tpu.memref_slice %arg8[%add3A_89, %dma_wait3A_148] : memref<10240x64xf32, #tpu.memory_space<vmem_shared>> -> memref<128x64xf32, #tpu.memory_space<vmem_shared>>
      %dma_wait3A_150 = arith.constant 0 : i32
      %dma_wait3A_151 = tpu.memref_slice %arg8[%add3A_89, %dma_wait3A_150] : memref<10240x64xf32, #tpu.memory_space<vmem_shared>> -> memref<128x64xf32, #tpu.memory_space<vmem_shared>>
      tpu.wait_dma2 semaphore(%run_scoped3A : memref<!tpu.dma_semaphore, #tpu.memory_space<semaphore_mem>>) src(%dma_wait3A_151 : memref<128x64xf32, #tpu.memory_space<vmem_shared>>) dst(%arg18 : memref<128x64xf32, #tpu.memory_space<vmem>>)
      tpu.yield
    }) : () -> ()
    %mul3A_90 = arith.constant 10240 : i32
    %mul3A_91 = arith.muli %arg0, %mul3A_90 : i32
    %add3A_92 = arith.addi %mul3A_91, %mul3A_0 : i32
    %add3A_93 = arith.constant 128 : i32
    %add3A_94 = arith.addi %add3A_92, %add3A_93 : i32
    "tpu.region"() ({
      %run_scoped3A = tpu.sem_alloc : memref<!tpu.dma_semaphore, #tpu.memory_space<semaphore_mem>>
      %dma_start3A_144 = arith.constant 0 : i32
      %dma_start3A_145 = tpu.memref_slice %arg6[%add3A_94, %dma_start3A_144] : memref<20480x64xf32, #tpu.memory_space<hbm>> -> memref<128x64xf32, #tpu.memory_space<hbm>>
      %dma_start3A_146 = arith.constant 0 : i32
      %dma_start3A_147 = tpu.memref_slice %arg6[%add3A_94, %dma_start3A_146] : memref<20480x64xf32, #tpu.memory_space<hbm>> -> memref<128x64xf32, #tpu.memory_space<hbm>>
      tpu.enqueue_dma source(%arg18 : memref<128x64xf32, #tpu.memory_space<vmem>>) target(%dma_start3A_147 : memref<128x64xf32, #tpu.memory_space<hbm>>) target_semaphore(%run_scoped3A : memref<!tpu.dma_semaphore, #tpu.memory_space<semaphore_mem>>)
      %dma_wait3A_148 = arith.constant 0 : i32
      %dma_wait3A_149 = tpu.memref_slice %arg6[%add3A_94, %dma_wait3A_148] : memref<20480x64xf32, #tpu.memory_space<hbm>> -> memref<128x64xf32, #tpu.memory_space<hbm>>
      %dma_wait3A_150 = arith.constant 0 : i32
      %dma_wait3A_151 = tpu.memref_slice %arg6[%add3A_94, %dma_wait3A_150] : memref<20480x64xf32, #tpu.memory_space<hbm>> -> memref<128x64xf32, #tpu.memory_space<hbm>>
      tpu.wait_dma2 semaphore(%run_scoped3A : memref<!tpu.dma_semaphore, #tpu.memory_space<semaphore_mem>>) src(%arg18 : memref<128x64xf32, #tpu.memory_space<vmem>>) dst(%dma_wait3A_151 : memref<128x64xf32, #tpu.memory_space<hbm>>)
      tpu.yield
    }) : () -> ()
    %add3A_95 = arith.constant 128 : i32
    %add3A_96 = arith.addi %mul3A_0, %add3A_95 : i32
    "tpu.region"() ({
      %run_scoped3A = tpu.sem_alloc : memref<!tpu.dma_semaphore, #tpu.memory_space<semaphore_mem>>
      %dma_start3A_144 = tpu.memref_slice %arg9[%add3A_96] : memref<10240xf32, #tpu.memory_space<vmem_shared>> -> memref<128xf32, #tpu.memory_space<vmem_shared>>
      %dma_start3A_145 = tpu.memref_slice %arg9[%add3A_96] : memref<10240xf32, #tpu.memory_space<vmem_shared>> -> memref<128xf32, #tpu.memory_space<vmem_shared>>
      tpu.enqueue_dma source(%dma_start3A_145 : memref<128xf32, #tpu.memory_space<vmem_shared>>) target(%arg16 : memref<128xf32, #tpu.memory_space<vmem>>) target_semaphore(%run_scoped3A : memref<!tpu.dma_semaphore, #tpu.memory_space<semaphore_mem>>)
      %dma_wait3A_146 = tpu.memref_slice %arg9[%add3A_96] : memref<10240xf32, #tpu.memory_space<vmem_shared>> -> memref<128xf32, #tpu.memory_space<vmem_shared>>
      %dma_wait3A_147 = tpu.memref_slice %arg9[%add3A_96] : memref<10240xf32, #tpu.memory_space<vmem_shared>> -> memref<128xf32, #tpu.memory_space<vmem_shared>>
      tpu.wait_dma2 semaphore(%run_scoped3A : memref<!tpu.dma_semaphore, #tpu.memory_space<semaphore_mem>>) src(%dma_wait3A_147 : memref<128xf32, #tpu.memory_space<vmem_shared>>) dst(%arg16 : memref<128xf32, #tpu.memory_space<vmem>>)
      tpu.yield
    }) : () -> ()
    %mul3A_97 = arith.constant 10240 : i32
    %mul3A_98 = arith.muli %arg0, %mul3A_97 : i32
    %add3A_99 = arith.addi %mul3A_98, %mul3A_0 : i32
    %add3A_100 = arith.constant 128 : i32
    %add3A_101 = arith.addi %add3A_99, %add3A_100 : i32
    "tpu.region"() ({
      %run_scoped3A = tpu.sem_alloc : memref<!tpu.dma_semaphore, #tpu.memory_space<semaphore_mem>>
      %dma_start3A_144 = tpu.memref_slice %arg7[%add3A_101] : memref<20480xf32, #tpu.memory_space<hbm>> -> memref<128xf32, #tpu.memory_space<hbm>>
      %dma_start3A_145 = tpu.memref_slice %arg7[%add3A_101] : memref<20480xf32, #tpu.memory_space<hbm>> -> memref<128xf32, #tpu.memory_space<hbm>>
      tpu.enqueue_dma source(%arg16 : memref<128xf32, #tpu.memory_space<vmem>>) target(%dma_start3A_145 : memref<128xf32, #tpu.memory_space<hbm>>) target_semaphore(%run_scoped3A : memref<!tpu.dma_semaphore, #tpu.memory_space<semaphore_mem>>)
      %dma_wait3A_146 = tpu.memref_slice %arg7[%add3A_101] : memref<20480xf32, #tpu.memory_space<hbm>> -> memref<128xf32, #tpu.memory_space<hbm>>
      %dma_wait3A_147 = tpu.memref_slice %arg7[%add3A_101] : memref<20480xf32, #tpu.memory_space<hbm>> -> memref<128xf32, #tpu.memory_space<hbm>>
      tpu.wait_dma2 semaphore(%run_scoped3A : memref<!tpu.dma_semaphore, #tpu.memory_space<semaphore_mem>>) src(%arg16 : memref<128xf32, #tpu.memory_space<vmem>>) dst(%dma_wait3A_147 : memref<128xf32, #tpu.memory_space<hbm>>)
      tpu.yield
    }) : () -> ()
    %add3A_102 = arith.constant 256 : i32
    %add3A_103 = arith.addi %mul3A_0, %add3A_102 : i32
    "tpu.region"() ({
      %run_scoped3A = tpu.sem_alloc : memref<!tpu.dma_semaphore, #tpu.memory_space<semaphore_mem>>
      %dma_start3A_144 = arith.constant 0 : i32
      %dma_start3A_145 = tpu.memref_slice %arg8[%add3A_103, %dma_start3A_144] : memref<10240x64xf32, #tpu.memory_space<vmem_shared>> -> memref<128x64xf32, #tpu.memory_space<vmem_shared>>
      %dma_start3A_146 = arith.constant 0 : i32
      %dma_start3A_147 = tpu.memref_slice %arg8[%add3A_103, %dma_start3A_146] : memref<10240x64xf32, #tpu.memory_space<vmem_shared>> -> memref<128x64xf32, #tpu.memory_space<vmem_shared>>
      tpu.enqueue_dma source(%dma_start3A_147 : memref<128x64xf32, #tpu.memory_space<vmem_shared>>) target(%arg18 : memref<128x64xf32, #tpu.memory_space<vmem>>) target_semaphore(%run_scoped3A : memref<!tpu.dma_semaphore, #tpu.memory_space<semaphore_mem>>)
      %dma_wait3A_148 = arith.constant 0 : i32
      %dma_wait3A_149 = tpu.memref_slice %arg8[%add3A_103, %dma_wait3A_148] : memref<10240x64xf32, #tpu.memory_space<vmem_shared>> -> memref<128x64xf32, #tpu.memory_space<vmem_shared>>
      %dma_wait3A_150 = arith.constant 0 : i32
      %dma_wait3A_151 = tpu.memref_slice %arg8[%add3A_103, %dma_wait3A_150] : memref<10240x64xf32, #tpu.memory_space<vmem_shared>> -> memref<128x64xf32, #tpu.memory_space<vmem_shared>>
      tpu.wait_dma2 semaphore(%run_scoped3A : memref<!tpu.dma_semaphore, #tpu.memory_space<semaphore_mem>>) src(%dma_wait3A_151 : memref<128x64xf32, #tpu.memory_space<vmem_shared>>) dst(%arg18 : memref<128x64xf32, #tpu.memory_space<vmem>>)
      tpu.yield
    }) : () -> ()
    %mul3A_104 = arith.constant 10240 : i32
    %mul3A_105 = arith.muli %arg0, %mul3A_104 : i32
    %add3A_106 = arith.addi %mul3A_105, %mul3A_0 : i32
    %add3A_107 = arith.constant 256 : i32
    %add3A_108 = arith.addi %add3A_106, %add3A_107 : i32
    "tpu.region"() ({
      %run_scoped3A = tpu.sem_alloc : memref<!tpu.dma_semaphore, #tpu.memory_space<semaphore_mem>>
      %dma_start3A_144 = arith.constant 0 : i32
      %dma_start3A_145 = tpu.memref_slice %arg6[%add3A_108, %dma_start3A_144] : memref<20480x64xf32, #tpu.memory_space<hbm>> -> memref<128x64xf32, #tpu.memory_space<hbm>>
      %dma_start3A_146 = arith.constant 0 : i32
      %dma_start3A_147 = tpu.memref_slice %arg6[%add3A_108, %dma_start3A_146] : memref<20480x64xf32, #tpu.memory_space<hbm>> -> memref<128x64xf32, #tpu.memory_space<hbm>>
      tpu.enqueue_dma source(%arg18 : memref<128x64xf32, #tpu.memory_space<vmem>>) target(%dma_start3A_147 : memref<128x64xf32, #tpu.memory_space<hbm>>) target_semaphore(%run_scoped3A : memref<!tpu.dma_semaphore, #tpu.memory_space<semaphore_mem>>)
      %dma_wait3A_148 = arith.constant 0 : i32
      %dma_wait3A_149 = tpu.memref_slice %arg6[%add3A_108, %dma_wait3A_148] : memref<20480x64xf32, #tpu.memory_space<hbm>> -> memref<128x64xf32, #tpu.memory_space<hbm>>
      %dma_wait3A_150 = arith.constant 0 : i32
      %dma_wait3A_151 = tpu.memref_slice %arg6[%add3A_108, %dma_wait3A_150] : memref<20480x64xf32, #tpu.memory_space<hbm>> -> memref<128x64xf32, #tpu.memory_space<hbm>>
      tpu.wait_dma2 semaphore(%run_scoped3A : memref<!tpu.dma_semaphore, #tpu.memory_space<semaphore_mem>>) src(%arg18 : memref<128x64xf32, #tpu.memory_space<vmem>>) dst(%dma_wait3A_151 : memref<128x64xf32, #tpu.memory_space<hbm>>)
      tpu.yield
    }) : () -> ()
    %add3A_109 = arith.constant 256 : i32
    %add3A_110 = arith.addi %mul3A_0, %add3A_109 : i32
    "tpu.region"() ({
      %run_scoped3A = tpu.sem_alloc : memref<!tpu.dma_semaphore, #tpu.memory_space<semaphore_mem>>
      %dma_start3A_144 = tpu.memref_slice %arg9[%add3A_110] : memref<10240xf32, #tpu.memory_space<vmem_shared>> -> memref<128xf32, #tpu.memory_space<vmem_shared>>
      %dma_start3A_145 = tpu.memref_slice %arg9[%add3A_110] : memref<10240xf32, #tpu.memory_space<vmem_shared>> -> memref<128xf32, #tpu.memory_space<vmem_shared>>
      tpu.enqueue_dma source(%dma_start3A_145 : memref<128xf32, #tpu.memory_space<vmem_shared>>) target(%arg16 : memref<128xf32, #tpu.memory_space<vmem>>) target_semaphore(%run_scoped3A : memref<!tpu.dma_semaphore, #tpu.memory_space<semaphore_mem>>)
      %dma_wait3A_146 = tpu.memref_slice %arg9[%add3A_110] : memref<10240xf32, #tpu.memory_space<vmem_shared>> -> memref<128xf32, #tpu.memory_space<vmem_shared>>
      %dma_wait3A_147 = tpu.memref_slice %arg9[%add3A_110] : memref<10240xf32, #tpu.memory_space<vmem_shared>> -> memref<128xf32, #tpu.memory_space<vmem_shared>>
      tpu.wait_dma2 semaphore(%run_scoped3A : memref<!tpu.dma_semaphore, #tpu.memory_space<semaphore_mem>>) src(%dma_wait3A_147 : memref<128xf32, #tpu.memory_space<vmem_shared>>) dst(%arg16 : memref<128xf32, #tpu.memory_space<vmem>>)
      tpu.yield
    }) : () -> ()
    %mul3A_111 = arith.constant 10240 : i32
    %mul3A_112 = arith.muli %arg0, %mul3A_111 : i32
    %add3A_113 = arith.addi %mul3A_112, %mul3A_0 : i32
    %add3A_114 = arith.constant 256 : i32
    %add3A_115 = arith.addi %add3A_113, %add3A_114 : i32
    "tpu.region"() ({
      %run_scoped3A = tpu.sem_alloc : memref<!tpu.dma_semaphore, #tpu.memory_space<semaphore_mem>>
      %dma_start3A_144 = tpu.memref_slice %arg7[%add3A_115] : memref<20480xf32, #tpu.memory_space<hbm>> -> memref<128xf32, #tpu.memory_space<hbm>>
      %dma_start3A_145 = tpu.memref_slice %arg7[%add3A_115] : memref<20480xf32, #tpu.memory_space<hbm>> -> memref<128xf32, #tpu.memory_space<hbm>>
      tpu.enqueue_dma source(%arg16 : memref<128xf32, #tpu.memory_space<vmem>>) target(%dma_start3A_145 : memref<128xf32, #tpu.memory_space<hbm>>) target_semaphore(%run_scoped3A : memref<!tpu.dma_semaphore, #tpu.memory_space<semaphore_mem>>)
      %dma_wait3A_146 = tpu.memref_slice %arg7[%add3A_115] : memref<20480xf32, #tpu.memory_space<hbm>> -> memref<128xf32, #tpu.memory_space<hbm>>
      %dma_wait3A_147 = tpu.memref_slice %arg7[%add3A_115] : memref<20480xf32, #tpu.memory_space<hbm>> -> memref<128xf32, #tpu.memory_space<hbm>>
      tpu.wait_dma2 semaphore(%run_scoped3A : memref<!tpu.dma_semaphore, #tpu.memory_space<semaphore_mem>>) src(%arg16 : memref<128xf32, #tpu.memory_space<vmem>>) dst(%dma_wait3A_147 : memref<128xf32, #tpu.memory_space<hbm>>)
      tpu.yield
    }) : () -> ()
    %add3A_116 = arith.constant 384 : i32
    %add3A_117 = arith.addi %mul3A_0, %add3A_116 : i32
    "tpu.region"() ({
      %run_scoped3A = tpu.sem_alloc : memref<!tpu.dma_semaphore, #tpu.memory_space<semaphore_mem>>
      %dma_start3A_144 = arith.constant 0 : i32
      %dma_start3A_145 = tpu.memref_slice %arg8[%add3A_117, %dma_start3A_144] : memref<10240x64xf32, #tpu.memory_space<vmem_shared>> -> memref<128x64xf32, #tpu.memory_space<vmem_shared>>
      %dma_start3A_146 = arith.constant 0 : i32
      %dma_start3A_147 = tpu.memref_slice %arg8[%add3A_117, %dma_start3A_146] : memref<10240x64xf32, #tpu.memory_space<vmem_shared>> -> memref<128x64xf32, #tpu.memory_space<vmem_shared>>
      tpu.enqueue_dma source(%dma_start3A_147 : memref<128x64xf32, #tpu.memory_space<vmem_shared>>) target(%arg18 : memref<128x64xf32, #tpu.memory_space<vmem>>) target_semaphore(%run_scoped3A : memref<!tpu.dma_semaphore, #tpu.memory_space<semaphore_mem>>)
      %dma_wait3A_148 = arith.constant 0 : i32
      %dma_wait3A_149 = tpu.memref_slice %arg8[%add3A_117, %dma_wait3A_148] : memref<10240x64xf32, #tpu.memory_space<vmem_shared>> -> memref<128x64xf32, #tpu.memory_space<vmem_shared>>
      %dma_wait3A_150 = arith.constant 0 : i32
      %dma_wait3A_151 = tpu.memref_slice %arg8[%add3A_117, %dma_wait3A_150] : memref<10240x64xf32, #tpu.memory_space<vmem_shared>> -> memref<128x64xf32, #tpu.memory_space<vmem_shared>>
      tpu.wait_dma2 semaphore(%run_scoped3A : memref<!tpu.dma_semaphore, #tpu.memory_space<semaphore_mem>>) src(%dma_wait3A_151 : memref<128x64xf32, #tpu.memory_space<vmem_shared>>) dst(%arg18 : memref<128x64xf32, #tpu.memory_space<vmem>>)
      tpu.yield
    }) : () -> ()
    %mul3A_118 = arith.constant 10240 : i32
    %mul3A_119 = arith.muli %arg0, %mul3A_118 : i32
    %add3A_120 = arith.addi %mul3A_119, %mul3A_0 : i32
    %add3A_121 = arith.constant 384 : i32
    %add3A_122 = arith.addi %add3A_120, %add3A_121 : i32
    "tpu.region"() ({
      %run_scoped3A = tpu.sem_alloc : memref<!tpu.dma_semaphore, #tpu.memory_space<semaphore_mem>>
      %dma_start3A_144 = arith.constant 0 : i32
      %dma_start3A_145 = tpu.memref_slice %arg6[%add3A_122, %dma_start3A_144] : memref<20480x64xf32, #tpu.memory_space<hbm>> -> memref<128x64xf32, #tpu.memory_space<hbm>>
      %dma_start3A_146 = arith.constant 0 : i32
      %dma_start3A_147 = tpu.memref_slice %arg6[%add3A_122, %dma_start3A_146] : memref<20480x64xf32, #tpu.memory_space<hbm>> -> memref<128x64xf32, #tpu.memory_space<hbm>>
      tpu.enqueue_dma source(%arg18 : memref<128x64xf32, #tpu.memory_space<vmem>>) target(%dma_start3A_147 : memref<128x64xf32, #tpu.memory_space<hbm>>) target_semaphore(%run_scoped3A : memref<!tpu.dma_semaphore, #tpu.memory_space<semaphore_mem>>)
      %dma_wait3A_148 = arith.constant 0 : i32
      %dma_wait3A_149 = tpu.memref_slice %arg6[%add3A_122, %dma_wait3A_148] : memref<20480x64xf32, #tpu.memory_space<hbm>> -> memref<128x64xf32, #tpu.memory_space<hbm>>
      %dma_wait3A_150 = arith.constant 0 : i32
      %dma_wait3A_151 = tpu.memref_slice %arg6[%add3A_122, %dma_wait3A_150] : memref<20480x64xf32, #tpu.memory_space<hbm>> -> memref<128x64xf32, #tpu.memory_space<hbm>>
      tpu.wait_dma2 semaphore(%run_scoped3A : memref<!tpu.dma_semaphore, #tpu.memory_space<semaphore_mem>>) src(%arg18 : memref<128x64xf32, #tpu.memory_space<vmem>>) dst(%dma_wait3A_151 : memref<128x64xf32, #tpu.memory_space<hbm>>)
      tpu.yield
    }) : () -> ()
    %add3A_123 = arith.constant 384 : i32
    %add3A_124 = arith.addi %mul3A_0, %add3A_123 : i32
    "tpu.region"() ({
      %run_scoped3A = tpu.sem_alloc : memref<!tpu.dma_semaphore, #tpu.memory_space<semaphore_mem>>
      %dma_start3A_144 = tpu.memref_slice %arg9[%add3A_124] : memref<10240xf32, #tpu.memory_space<vmem_shared>> -> memref<128xf32, #tpu.memory_space<vmem_shared>>
      %dma_start3A_145 = tpu.memref_slice %arg9[%add3A_124] : memref<10240xf32, #tpu.memory_space<vmem_shared>> -> memref<128xf32, #tpu.memory_space<vmem_shared>>
      tpu.enqueue_dma source(%dma_start3A_145 : memref<128xf32, #tpu.memory_space<vmem_shared>>) target(%arg16 : memref<128xf32, #tpu.memory_space<vmem>>) target_semaphore(%run_scoped3A : memref<!tpu.dma_semaphore, #tpu.memory_space<semaphore_mem>>)
      %dma_wait3A_146 = tpu.memref_slice %arg9[%add3A_124] : memref<10240xf32, #tpu.memory_space<vmem_shared>> -> memref<128xf32, #tpu.memory_space<vmem_shared>>
      %dma_wait3A_147 = tpu.memref_slice %arg9[%add3A_124] : memref<10240xf32, #tpu.memory_space<vmem_shared>> -> memref<128xf32, #tpu.memory_space<vmem_shared>>
      tpu.wait_dma2 semaphore(%run_scoped3A : memref<!tpu.dma_semaphore, #tpu.memory_space<semaphore_mem>>) src(%dma_wait3A_147 : memref<128xf32, #tpu.memory_space<vmem_shared>>) dst(%arg16 : memref<128xf32, #tpu.memory_space<vmem>>)
      tpu.yield
    }) : () -> ()
    %mul3A_125 = arith.constant 10240 : i32
    %mul3A_126 = arith.muli %arg0, %mul3A_125 : i32
    %add3A_127 = arith.addi %mul3A_126, %mul3A_0 : i32
    %add3A_128 = arith.constant 384 : i32
    %add3A_129 = arith.addi %add3A_127, %add3A_128 : i32
    "tpu.region"() ({
      %run_scoped3A = tpu.sem_alloc : memref<!tpu.dma_semaphore, #tpu.memory_space<semaphore_mem>>
      %dma_start3A_144 = tpu.memref_slice %arg7[%add3A_129] : memref<20480xf32, #tpu.memory_space<hbm>> -> memref<128xf32, #tpu.memory_space<hbm>>
      %dma_start3A_145 = tpu.memref_slice %arg7[%add3A_129] : memref<20480xf32, #tpu.memory_space<hbm>> -> memref<128xf32, #tpu.memory_space<hbm>>
      tpu.enqueue_dma source(%arg16 : memref<128xf32, #tpu.memory_space<vmem>>) target(%dma_start3A_145 : memref<128xf32, #tpu.memory_space<hbm>>) target_semaphore(%run_scoped3A : memref<!tpu.dma_semaphore, #tpu.memory_space<semaphore_mem>>)
      %dma_wait3A_146 = tpu.memref_slice %arg7[%add3A_129] : memref<20480xf32, #tpu.memory_space<hbm>> -> memref<128xf32, #tpu.memory_space<hbm>>
      %dma_wait3A_147 = tpu.memref_slice %arg7[%add3A_129] : memref<20480xf32, #tpu.memory_space<hbm>> -> memref<128xf32, #tpu.memory_space<hbm>>
      tpu.wait_dma2 semaphore(%run_scoped3A : memref<!tpu.dma_semaphore, #tpu.memory_space<semaphore_mem>>) src(%arg16 : memref<128xf32, #tpu.memory_space<vmem>>) dst(%dma_wait3A_147 : memref<128xf32, #tpu.memory_space<hbm>>)
      tpu.yield
    }) : () -> ()
    %add3A_130 = arith.constant 512 : i32
    %add3A_131 = arith.addi %mul3A_0, %add3A_130 : i32
    "tpu.region"() ({
      %run_scoped3A = tpu.sem_alloc : memref<!tpu.dma_semaphore, #tpu.memory_space<semaphore_mem>>
      %dma_start3A_144 = arith.constant 0 : i32
      %dma_start3A_145 = tpu.memref_slice %arg8[%add3A_131, %dma_start3A_144] : memref<10240x64xf32, #tpu.memory_space<vmem_shared>> -> memref<128x64xf32, #tpu.memory_space<vmem_shared>>
      %dma_start3A_146 = arith.constant 0 : i32
      %dma_start3A_147 = tpu.memref_slice %arg8[%add3A_131, %dma_start3A_146] : memref<10240x64xf32, #tpu.memory_space<vmem_shared>> -> memref<128x64xf32, #tpu.memory_space<vmem_shared>>
      tpu.enqueue_dma source(%dma_start3A_147 : memref<128x64xf32, #tpu.memory_space<vmem_shared>>) target(%arg18 : memref<128x64xf32, #tpu.memory_space<vmem>>) target_semaphore(%run_scoped3A : memref<!tpu.dma_semaphore, #tpu.memory_space<semaphore_mem>>)
      %dma_wait3A_148 = arith.constant 0 : i32
      %dma_wait3A_149 = tpu.memref_slice %arg8[%add3A_131, %dma_wait3A_148] : memref<10240x64xf32, #tpu.memory_space<vmem_shared>> -> memref<128x64xf32, #tpu.memory_space<vmem_shared>>
      %dma_wait3A_150 = arith.constant 0 : i32
      %dma_wait3A_151 = tpu.memref_slice %arg8[%add3A_131, %dma_wait3A_150] : memref<10240x64xf32, #tpu.memory_space<vmem_shared>> -> memref<128x64xf32, #tpu.memory_space<vmem_shared>>
      tpu.wait_dma2 semaphore(%run_scoped3A : memref<!tpu.dma_semaphore, #tpu.memory_space<semaphore_mem>>) src(%dma_wait3A_151 : memref<128x64xf32, #tpu.memory_space<vmem_shared>>) dst(%arg18 : memref<128x64xf32, #tpu.memory_space<vmem>>)
      tpu.yield
    }) : () -> ()
    %mul3A_132 = arith.constant 10240 : i32
    %mul3A_133 = arith.muli %arg0, %mul3A_132 : i32
    %add3A_134 = arith.addi %mul3A_133, %mul3A_0 : i32
    %add3A_135 = arith.constant 512 : i32
    %add3A_136 = arith.addi %add3A_134, %add3A_135 : i32
    "tpu.region"() ({
      %run_scoped3A = tpu.sem_alloc : memref<!tpu.dma_semaphore, #tpu.memory_space<semaphore_mem>>
      %dma_start3A_144 = arith.constant 0 : i32
      %dma_start3A_145 = tpu.memref_slice %arg6[%add3A_136, %dma_start3A_144] : memref<20480x64xf32, #tpu.memory_space<hbm>> -> memref<128x64xf32, #tpu.memory_space<hbm>>
      %dma_start3A_146 = arith.constant 0 : i32
      %dma_start3A_147 = tpu.memref_slice %arg6[%add3A_136, %dma_start3A_146] : memref<20480x64xf32, #tpu.memory_space<hbm>> -> memref<128x64xf32, #tpu.memory_space<hbm>>
      tpu.enqueue_dma source(%arg18 : memref<128x64xf32, #tpu.memory_space<vmem>>) target(%dma_start3A_147 : memref<128x64xf32, #tpu.memory_space<hbm>>) target_semaphore(%run_scoped3A : memref<!tpu.dma_semaphore, #tpu.memory_space<semaphore_mem>>)
      %dma_wait3A_148 = arith.constant 0 : i32
      %dma_wait3A_149 = tpu.memref_slice %arg6[%add3A_136, %dma_wait3A_148] : memref<20480x64xf32, #tpu.memory_space<hbm>> -> memref<128x64xf32, #tpu.memory_space<hbm>>
      %dma_wait3A_150 = arith.constant 0 : i32
      %dma_wait3A_151 = tpu.memref_slice %arg6[%add3A_136, %dma_wait3A_150] : memref<20480x64xf32, #tpu.memory_space<hbm>> -> memref<128x64xf32, #tpu.memory_space<hbm>>
      tpu.wait_dma2 semaphore(%run_scoped3A : memref<!tpu.dma_semaphore, #tpu.memory_space<semaphore_mem>>) src(%arg18 : memref<128x64xf32, #tpu.memory_space<vmem>>) dst(%dma_wait3A_151 : memref<128x64xf32, #tpu.memory_space<hbm>>)
      tpu.yield
    }) : () -> ()
    %add3A_137 = arith.constant 512 : i32
    %add3A_138 = arith.addi %mul3A_0, %add3A_137 : i32
    "tpu.region"() ({
      %run_scoped3A = tpu.sem_alloc : memref<!tpu.dma_semaphore, #tpu.memory_space<semaphore_mem>>
      %dma_start3A_144 = tpu.memref_slice %arg9[%add3A_138] : memref<10240xf32, #tpu.memory_space<vmem_shared>> -> memref<128xf32, #tpu.memory_space<vmem_shared>>
      %dma_start3A_145 = tpu.memref_slice %arg9[%add3A_138] : memref<10240xf32, #tpu.memory_space<vmem_shared>> -> memref<128xf32, #tpu.memory_space<vmem_shared>>
      tpu.enqueue_dma source(%dma_start3A_145 : memref<128xf32, #tpu.memory_space<vmem_shared>>) target(%arg16 : memref<128xf32, #tpu.memory_space<vmem>>) target_semaphore(%run_scoped3A : memref<!tpu.dma_semaphore, #tpu.memory_space<semaphore_mem>>)
      %dma_wait3A_146 = tpu.memref_slice %arg9[%add3A_138] : memref<10240xf32, #tpu.memory_space<vmem_shared>> -> memref<128xf32, #tpu.memory_space<vmem_shared>>
      %dma_wait3A_147 = tpu.memref_slice %arg9[%add3A_138] : memref<10240xf32, #tpu.memory_space<vmem_shared>> -> memref<128xf32, #tpu.memory_space<vmem_shared>>
      tpu.wait_dma2 semaphore(%run_scoped3A : memref<!tpu.dma_semaphore, #tpu.memory_space<semaphore_mem>>) src(%dma_wait3A_147 : memref<128xf32, #tpu.memory_space<vmem_shared>>) dst(%arg16 : memref<128xf32, #tpu.memory_space<vmem>>)
      tpu.yield
    }) : () -> ()
    %mul3A_139 = arith.constant 10240 : i32
    %mul3A_140 = arith.muli %arg0, %mul3A_139 : i32
    %add3A_141 = arith.addi %mul3A_140, %mul3A_0 : i32
    %add3A_142 = arith.constant 512 : i32
    %add3A_143 = arith.addi %add3A_141, %add3A_142 : i32
    "tpu.region"() ({
      %run_scoped3A = tpu.sem_alloc : memref<!tpu.dma_semaphore, #tpu.memory_space<semaphore_mem>>
      %dma_start3A_144 = tpu.memref_slice %arg7[%add3A_143] : memref<20480xf32, #tpu.memory_space<hbm>> -> memref<128xf32, #tpu.memory_space<hbm>>
      %dma_start3A_145 = tpu.memref_slice %arg7[%add3A_143] : memref<20480xf32, #tpu.memory_space<hbm>> -> memref<128xf32, #tpu.memory_space<hbm>>
      tpu.enqueue_dma source(%arg16 : memref<128xf32, #tpu.memory_space<vmem>>) target(%dma_start3A_145 : memref<128xf32, #tpu.memory_space<hbm>>) target_semaphore(%run_scoped3A : memref<!tpu.dma_semaphore, #tpu.memory_space<semaphore_mem>>)
      %dma_wait3A_146 = tpu.memref_slice %arg7[%add3A_143] : memref<20480xf32, #tpu.memory_space<hbm>> -> memref<128xf32, #tpu.memory_space<hbm>>
      %dma_wait3A_147 = tpu.memref_slice %arg7[%add3A_143] : memref<20480xf32, #tpu.memory_space<hbm>> -> memref<128xf32, #tpu.memory_space<hbm>>
      tpu.wait_dma2 semaphore(%run_scoped3A : memref<!tpu.dma_semaphore, #tpu.memory_space<semaphore_mem>>) src(%arg16 : memref<128xf32, #tpu.memory_space<vmem>>) dst(%dma_wait3A_147 : memref<128xf32, #tpu.memory_space<hbm>>)
      tpu.yield
    }) : () -> ()
    return
  }
}

#map = affine_map<(d0, d1) -> (0, 0)>
#map1 = affine_map<(d0, d1) -> (0)>
module attributes {stable_mosaic.version = 14 : i64} {
  func.func @sc_edge(%arg0: i32, %arg1: i32, %arg2: memref<10240x64xf32, #tpu.memory_space<hbm>>, %arg3: memref<10240xf32, #tpu.memory_space<hbm>>, %arg4: memref<10240xf32, #tpu.memory_space<hbm>>, %arg5: memref<2x335872xi32, #tpu.memory_space<hbm>>, %arg6: memref<20480x64xf32, #tpu.memory_space<hbm>>, %arg7: memref<20480xf32, #tpu.memory_space<hbm>>, %arg8: memref<10240x64xf32, #tpu.memory_space<vmem_shared>>, %arg9: memref<10240xf32, #tpu.memory_space<vmem_shared>>, %arg10: memref<10240xf32, #tpu.memory_space<vmem>>, %arg11: memref<10240xf32, #tpu.memory_space<vmem>>, %arg12: memref<2x128xi32, #tpu.memory_space<vmem>>, %arg13: memref<2x128xi32, #tpu.memory_space<vmem>>, %arg14: memref<128xi32, #tpu.memory_space<vmem>>, %arg15: memref<128xi32, #tpu.memory_space<vmem>>, %arg16: memref<128xf32, #tpu.memory_space<vmem>>, %arg17: memref<128xf32, #tpu.memory_space<vmem>>, %arg18: memref<128x64xf32, #tpu.memory_space<vmem>>, %arg19: memref<128x64xf32, #tpu.memory_space<vmem>>, %arg20: memref<!tpu.dma_semaphore, #tpu.memory_space<semaphore_mem>>, %arg21: memref<!tpu.dma_semaphore, #tpu.memory_space<semaphore_mem>>, %arg22: memref<!tpu.dma_semaphore, #tpu.memory_space<semaphore_mem>>, %arg23: memref<!tpu.dma_semaphore, #tpu.memory_space<semaphore_mem>>, %arg24: memref<!tpu.dma_semaphore, #tpu.memory_space<semaphore_mem>>, %arg25: memref<!tpu.dma_semaphore, #tpu.memory_space<semaphore_mem>>, %arg26: memref<!tpu.dma_semaphore, #tpu.memory_space<semaphore_mem>>) attributes {dimension_semantics = [#tpu.dimension_semantics<core_parallel>, #tpu.dimension_semantics<subcore_parallel>], iteration_bounds = array<i64: 2, 16>, scalar_prefetch = 0 : i64, scratch_operands = 19 : i64, tpu.core_type = #tpu.core_type<sc_vector_subcore>, window_params = [{transform_indices = #map}, {transform_indices = #map1}, {transform_indices = #map1}, {transform_indices = #map}, {transform_indices = #map}, {transform_indices = #map1}]} {
    %mul3A = arith.constant 640 : i32
    %mul3A_0 = arith.muli %arg1, %mul3A : i32
    %broadcast_in_dim3A = arith.constant 0.000000e+00 : f32
    %broadcast_in_dim3A_1 = vector.broadcast %broadcast_in_dim3A : f32 to vector<16xf32>
    %scan3A = arith.constant 0 : i32
    %scan3A_2 = arith.constant 0 : i32
    %scan3A_3 = arith.constant 128 : i32
    %scan3A_4 = arith.addi %scan3A_2, %scan3A_3 : i32
    %scan3A_5 = arith.constant 1 : i32
    scf.for %scan3A_144 = %scan3A_2 to %scan3A_4 step %scan3A_5  : i32 {
      %swap3A_145 = arith.index_cast %scan3A_144 : i32 to index
      %swap3A_146 = arith.constant 0 : index
      %swap3A_147 = tpu.vector_load %arg18[%swap3A_145, %swap3A_146] {strides = array<i32>} : memref<128x64xf32, #tpu.memory_space<vmem>>, vector<16xf32>,
      tpu.vector_store %arg18[%swap3A_145, %swap3A_146], %broadcast_in_dim3A_1 {strides = array<i32>} : memref<128x64xf32, #tpu.memory_space<vmem>>, vector<16xf32>,
      %swap3A_148 = arith.index_cast %scan3A_144 : i32 to index
      %swap3A_149 = arith.constant 16 : index
      %swap3A_150 = tpu.vector_load %arg18[%swap3A_148, %swap3A_149] {strides = array<i32>} : memref<128x64xf32, #tpu.memory_space<vmem>>, vector<16xf32>,
      tpu.vector_store %arg18[%swap3A_148, %swap3A_149], %broadcast_in_dim3A_1 {strides = array<i32>} : memref<128x64xf32, #tpu.memory_space<vmem>>, vector<16xf32>,
      %swap3A_151 = arith.index_cast %scan3A_144 : i32 to index
      %swap3A_152 = arith.constant 32 : index
      %swap3A_153 = tpu.vector_load %arg18[%swap3A_151, %swap3A_152] {strides = array<i32>} : memref<128x64xf32, #tpu.memory_space<vmem>>, vector<16xf32>,
      tpu.vector_store %arg18[%swap3A_151, %swap3A_152], %broadcast_in_dim3A_1 {strides = array<i32>} : memref<128x64xf32, #tpu.memory_space<vmem>>, vector<16xf32>,
      %swap3A_154 = arith.index_cast %scan3A_144 : i32 to index
      %swap3A_155 = arith.constant 48 : index
      %swap3A_156 = tpu.vector_load %arg18[%swap3A_154, %swap3A_155] {strides = array<i32>} : memref<128x64xf32, #tpu.memory_space<vmem>>, vector<16xf32>,
      tpu.vector_store %arg18[%swap3A_154, %swap3A_155], %broadcast_in_dim3A_1 {strides = array<i32>} : memref<128x64xf32, #tpu.memory_space<vmem>>, vector<16xf32>,
    }
    %scan3A_6 = arith.constant 128 : i32
    %swap3A = arith.constant 0 : index
    %swap3A_7 = tpu.vector_load %arg16[%swap3A] {strides = array<i32>} : memref<128xf32, #tpu.memory_space<vmem>>, vector<16xf32>,
    tpu.vector_store %arg16[%swap3A], %broadcast_in_dim3A_1 {strides = array<i32>} : memref<128xf32, #tpu.memory_space<vmem>>, vector<16xf32>,
    %swap3A_8 = arith.constant 16 : index
    %swap3A_9 = tpu.vector_load %arg16[%swap3A_8] {strides = array<i32>} : memref<128xf32, #tpu.memory_space<vmem>>, vector<16xf32>,
    tpu.vector_store %arg16[%swap3A_8], %broadcast_in_dim3A_1 {strides = array<i32>} : memref<128xf32, #tpu.memory_space<vmem>>, vector<16xf32>,
    %swap3A_10 = arith.constant 32 : index
    %swap3A_11 = tpu.vector_load %arg16[%swap3A_10] {strides = array<i32>} : memref<128xf32, #tpu.memory_space<vmem>>, vector<16xf32>,
    tpu.vector_store %arg16[%swap3A_10], %broadcast_in_dim3A_1 {strides = array<i32>} : memref<128xf32, #tpu.memory_space<vmem>>, vector<16xf32>,
    %swap3A_12 = arith.constant 48 : index
    %swap3A_13 = tpu.vector_load %arg16[%swap3A_12] {strides = array<i32>} : memref<128xf32, #tpu.memory_space<vmem>>, vector<16xf32>,
    tpu.vector_store %arg16[%swap3A_12], %broadcast_in_dim3A_1 {strides = array<i32>} : memref<128xf32, #tpu.memory_space<vmem>>, vector<16xf32>,
    %swap3A_14 = arith.constant 64 : index
    %swap3A_15 = tpu.vector_load %arg16[%swap3A_14] {strides = array<i32>} : memref<128xf32, #tpu.memory_space<vmem>>, vector<16xf32>,
    tpu.vector_store %arg16[%swap3A_14], %broadcast_in_dim3A_1 {strides = array<i32>} : memref<128xf32, #tpu.memory_space<vmem>>, vector<16xf32>,
    %swap3A_16 = arith.constant 80 : index
    %swap3A_17 = tpu.vector_load %arg16[%swap3A_16] {strides = array<i32>} : memref<128xf32, #tpu.memory_space<vmem>>, vector<16xf32>,
    tpu.vector_store %arg16[%swap3A_16], %broadcast_in_dim3A_1 {strides = array<i32>} : memref<128xf32, #tpu.memory_space<vmem>>, vector<16xf32>,
    %swap3A_18 = arith.constant 96 : index
    %swap3A_19 = tpu.vector_load %arg16[%swap3A_18] {strides = array<i32>} : memref<128xf32, #tpu.memory_space<vmem>>, vector<16xf32>,
    tpu.vector_store %arg16[%swap3A_18], %broadcast_in_dim3A_1 {strides = array<i32>} : memref<128xf32, #tpu.memory_space<vmem>>, vector<16xf32>,
    %swap3A_20 = arith.constant 112 : index
    %swap3A_21 = tpu.vector_load %arg16[%swap3A_20] {strides = array<i32>} : memref<128xf32, #tpu.memory_space<vmem>>, vector<16xf32>,
    tpu.vector_store %arg16[%swap3A_20], %broadcast_in_dim3A_1 {strides = array<i32>} : memref<128xf32, #tpu.memory_space<vmem>>, vector<16xf32>,
    %add3A = arith.constant 0 : i32
    %add3A_22 = arith.addi %mul3A_0, %add3A : i32
    "tpu.region"() ({
      %run_scoped3A = tpu.sem_alloc : memref<!tpu.dma_semaphore, #tpu.memory_space<semaphore_mem>>
      %dma_start3A_144 = arith.constant 0 : i32
      %dma_start3A_145 = tpu.memref_slice %arg8[%add3A_22, %dma_start3A_144] : memref<10240x64xf32, #tpu.memory_space<vmem_shared>> -> memref<128x64xf32, #tpu.memory_space<vmem_shared>>
      %dma_start3A_146 = arith.constant 0 : i32
      %dma_start3A_147 = tpu.memref_slice %arg8[%add3A_22, %dma_start3A_146] : memref<10240x64xf32, #tpu.memory_space<vmem_shared>> -> memref<128x64xf32, #tpu.memory_space<vmem_shared>>
      tpu.enqueue_dma source(%arg18 : memref<128x64xf32, #tpu.memory_space<vmem>>) target(%dma_start3A_147 : memref<128x64xf32, #tpu.memory_space<vmem_shared>>) target_semaphore(%run_scoped3A : memref<!tpu.dma_semaphore, #tpu.memory_space<semaphore_mem>>)
      %dma_wait3A_148 = arith.constant 0 : i32
      %dma_wait3A_149 = tpu.memref_slice %arg8[%add3A_22, %dma_wait3A_148] : memref<10240x64xf32, #tpu.memory_space<vmem_shared>> -> memref<128x64xf32, #tpu.memory_space<vmem_shared>>
      %dma_wait3A_150 = arith.constant 0 : i32
      %dma_wait3A_151 = tpu.memref_slice %arg8[%add3A_22, %dma_wait3A_150] : memref<10240x64xf32, #tpu.memory_space<vmem_shared>> -> memref<128x64xf32, #tpu.memory_space<vmem_shared>>
      tpu.wait_dma2 semaphore(%run_scoped3A : memref<!tpu.dma_semaphore, #tpu.memory_space<semaphore_mem>>) src(%arg18 : memref<128x64xf32, #tpu.memory_space<vmem>>) dst(%dma_wait3A_151 : memref<128x64xf32, #tpu.memory_space<vmem_shared>>)
      tpu.yield
    }) : () -> ()
    %add3A_23 = arith.constant 0 : i32
    %add3A_24 = arith.addi %mul3A_0, %add3A_23 : i32
    "tpu.region"() ({
      %run_scoped3A = tpu.sem_alloc : memref<!tpu.dma_semaphore, #tpu.memory_space<semaphore_mem>>
      %dma_start3A_144 = tpu.memref_slice %arg9[%add3A_24] : memref<10240xf32, #tpu.memory_space<vmem_shared>> -> memref<128xf32, #tpu.memory_space<vmem_shared>>
      %dma_start3A_145 = tpu.memref_slice %arg9[%add3A_24] : memref<10240xf32, #tpu.memory_space<vmem_shared>> -> memref<128xf32, #tpu.memory_space<vmem_shared>>
      tpu.enqueue_dma source(%arg16 : memref<128xf32, #tpu.memory_space<vmem>>) target(%dma_start3A_145 : memref<128xf32, #tpu.memory_space<vmem_shared>>) target_semaphore(%run_scoped3A : memref<!tpu.dma_semaphore, #tpu.memory_space<semaphore_mem>>)
      %dma_wait3A_146 = tpu.memref_slice %arg9[%add3A_24] : memref<10240xf32, #tpu.memory_space<vmem_shared>> -> memref<128xf32, #tpu.memory_space<vmem_shared>>
      %dma_wait3A_147 = tpu.memref_slice %arg9[%add3A_24] : memref<10240xf32, #tpu.memory_space<vmem_shared>> -> memref<128xf32, #tpu.memory_space<vmem_shared>>
      tpu.wait_dma2 semaphore(%run_scoped3A : memref<!tpu.dma_semaphore, #tpu.memory_space<semaphore_mem>>) src(%arg16 : memref<128xf32, #tpu.memory_space<vmem>>) dst(%dma_wait3A_147 : memref<128xf32, #tpu.memory_space<vmem_shared>>)
      tpu.yield
    }) : () -> ()
    %add3A_25 = arith.constant 128 : i32
    %add3A_26 = arith.addi %mul3A_0, %add3A_25 : i32
    "tpu.region"() ({
      %run_scoped3A = tpu.sem_alloc : memref<!tpu.dma_semaphore, #tpu.memory_space<semaphore_mem>>
      %dma_start3A_144 = arith.constant 0 : i32
      %dma_start3A_145 = tpu.memref_slice %arg8[%add3A_26, %dma_start3A_144] : memref<10240x64xf32, #tpu.memory_space<vmem_shared>> -> memref<128x64xf32, #tpu.memory_space<vmem_shared>>
      %dma_start3A_146 = arith.constant 0 : i32
      %dma_start3A_147 = tpu.memref_slice %arg8[%add3A_26, %dma_start3A_146] : memref<10240x64xf32, #tpu.memory_space<vmem_shared>> -> memref<128x64xf32, #tpu.memory_space<vmem_shared>>
      tpu.enqueue_dma source(%arg18 : memref<128x64xf32, #tpu.memory_space<vmem>>) target(%dma_start3A_147 : memref<128x64xf32, #tpu.memory_space<vmem_shared>>) target_semaphore(%run_scoped3A : memref<!tpu.dma_semaphore, #tpu.memory_space<semaphore_mem>>)
      %dma_wait3A_148 = arith.constant 0 : i32
      %dma_wait3A_149 = tpu.memref_slice %arg8[%add3A_26, %dma_wait3A_148] : memref<10240x64xf32, #tpu.memory_space<vmem_shared>> -> memref<128x64xf32, #tpu.memory_space<vmem_shared>>
      %dma_wait3A_150 = arith.constant 0 : i32
      %dma_wait3A_151 = tpu.memref_slice %arg8[%add3A_26, %dma_wait3A_150] : memref<10240x64xf32, #tpu.memory_space<vmem_shared>> -> memref<128x64xf32, #tpu.memory_space<vmem_shared>>
      tpu.wait_dma2 semaphore(%run_scoped3A : memref<!tpu.dma_semaphore, #tpu.memory_space<semaphore_mem>>) src(%arg18 : memref<128x64xf32, #tpu.memory_space<vmem>>) dst(%dma_wait3A_151 : memref<128x64xf32, #tpu.memory_space<vmem_shared>>)
      tpu.yield
    }) : () -> ()
    %add3A_27 = arith.constant 128 : i32
    %add3A_28 = arith.addi %mul3A_0, %add3A_27 : i32
    "tpu.region"() ({
      %run_scoped3A = tpu.sem_alloc : memref<!tpu.dma_semaphore, #tpu.memory_space<semaphore_mem>>
      %dma_start3A_144 = tpu.memref_slice %arg9[%add3A_28] : memref<10240xf32, #tpu.memory_space<vmem_shared>> -> memref<128xf32, #tpu.memory_space<vmem_shared>>
      %dma_start3A_145 = tpu.memref_slice %arg9[%add3A_28] : memref<10240xf32, #tpu.memory_space<vmem_shared>> -> memref<128xf32, #tpu.memory_space<vmem_shared>>
      tpu.enqueue_dma source(%arg16 : memref<128xf32, #tpu.memory_space<vmem>>) target(%dma_start3A_145 : memref<128xf32, #tpu.memory_space<vmem_shared>>) target_semaphore(%run_scoped3A : memref<!tpu.dma_semaphore, #tpu.memory_space<semaphore_mem>>)
      %dma_wait3A_146 = tpu.memref_slice %arg9[%add3A_28] : memref<10240xf32, #tpu.memory_space<vmem_shared>> -> memref<128xf32, #tpu.memory_space<vmem_shared>>
      %dma_wait3A_147 = tpu.memref_slice %arg9[%add3A_28] : memref<10240xf32, #tpu.memory_space<vmem_shared>> -> memref<128xf32, #tpu.memory_space<vmem_shared>>
      tpu.wait_dma2 semaphore(%run_scoped3A : memref<!tpu.dma_semaphore, #tpu.memory_space<semaphore_mem>>) src(%arg16 : memref<128xf32, #tpu.memory_space<vmem>>) dst(%dma_wait3A_147 : memref<128xf32, #tpu.memory_space<vmem_shared>>)
      tpu.yield
    }) : () -> ()
    %add3A_29 = arith.constant 256 : i32
    %add3A_30 = arith.addi %mul3A_0, %add3A_29 : i32
    "tpu.region"() ({
      %run_scoped3A = tpu.sem_alloc : memref<!tpu.dma_semaphore, #tpu.memory_space<semaphore_mem>>
      %dma_start3A_144 = arith.constant 0 : i32
      %dma_start3A_145 = tpu.memref_slice %arg8[%add3A_30, %dma_start3A_144] : memref<10240x64xf32, #tpu.memory_space<vmem_shared>> -> memref<128x64xf32, #tpu.memory_space<vmem_shared>>
      %dma_start3A_146 = arith.constant 0 : i32
      %dma_start3A_147 = tpu.memref_slice %arg8[%add3A_30, %dma_start3A_146] : memref<10240x64xf32, #tpu.memory_space<vmem_shared>> -> memref<128x64xf32, #tpu.memory_space<vmem_shared>>
      tpu.enqueue_dma source(%arg18 : memref<128x64xf32, #tpu.memory_space<vmem>>) target(%dma_start3A_147 : memref<128x64xf32, #tpu.memory_space<vmem_shared>>) target_semaphore(%run_scoped3A : memref<!tpu.dma_semaphore, #tpu.memory_space<semaphore_mem>>)
      %dma_wait3A_148 = arith.constant 0 : i32
      %dma_wait3A_149 = tpu.memref_slice %arg8[%add3A_30, %dma_wait3A_148] : memref<10240x64xf32, #tpu.memory_space<vmem_shared>> -> memref<128x64xf32, #tpu.memory_space<vmem_shared>>
      %dma_wait3A_150 = arith.constant 0 : i32
      %dma_wait3A_151 = tpu.memref_slice %arg8[%add3A_30, %dma_wait3A_150] : memref<10240x64xf32, #tpu.memory_space<vmem_shared>> -> memref<128x64xf32, #tpu.memory_space<vmem_shared>>
      tpu.wait_dma2 semaphore(%run_scoped3A : memref<!tpu.dma_semaphore, #tpu.memory_space<semaphore_mem>>) src(%arg18 : memref<128x64xf32, #tpu.memory_space<vmem>>) dst(%dma_wait3A_151 : memref<128x64xf32, #tpu.memory_space<vmem_shared>>)
      tpu.yield
    }) : () -> ()
    %add3A_31 = arith.constant 256 : i32
    %add3A_32 = arith.addi %mul3A_0, %add3A_31 : i32
    "tpu.region"() ({
      %run_scoped3A = tpu.sem_alloc : memref<!tpu.dma_semaphore, #tpu.memory_space<semaphore_mem>>
      %dma_start3A_144 = tpu.memref_slice %arg9[%add3A_32] : memref<10240xf32, #tpu.memory_space<vmem_shared>> -> memref<128xf32, #tpu.memory_space<vmem_shared>>
      %dma_start3A_145 = tpu.memref_slice %arg9[%add3A_32] : memref<10240xf32, #tpu.memory_space<vmem_shared>> -> memref<128xf32, #tpu.memory_space<vmem_shared>>
      tpu.enqueue_dma source(%arg16 : memref<128xf32, #tpu.memory_space<vmem>>) target(%dma_start3A_145 : memref<128xf32, #tpu.memory_space<vmem_shared>>) target_semaphore(%run_scoped3A : memref<!tpu.dma_semaphore, #tpu.memory_space<semaphore_mem>>)
      %dma_wait3A_146 = tpu.memref_slice %arg9[%add3A_32] : memref<10240xf32, #tpu.memory_space<vmem_shared>> -> memref<128xf32, #tpu.memory_space<vmem_shared>>
      %dma_wait3A_147 = tpu.memref_slice %arg9[%add3A_32] : memref<10240xf32, #tpu.memory_space<vmem_shared>> -> memref<128xf32, #tpu.memory_space<vmem_shared>>
      tpu.wait_dma2 semaphore(%run_scoped3A : memref<!tpu.dma_semaphore, #tpu.memory_space<semaphore_mem>>) src(%arg16 : memref<128xf32, #tpu.memory_space<vmem>>) dst(%dma_wait3A_147 : memref<128xf32, #tpu.memory_space<vmem_shared>>)
      tpu.yield
    }) : () -> ()
    %add3A_33 = arith.constant 384 : i32
    %add3A_34 = arith.addi %mul3A_0, %add3A_33 : i32
    "tpu.region"() ({
      %run_scoped3A = tpu.sem_alloc : memref<!tpu.dma_semaphore, #tpu.memory_space<semaphore_mem>>
      %dma_start3A_144 = arith.constant 0 : i32
      %dma_start3A_145 = tpu.memref_slice %arg8[%add3A_34, %dma_start3A_144] : memref<10240x64xf32, #tpu.memory_space<vmem_shared>> -> memref<128x64xf32, #tpu.memory_space<vmem_shared>>
      %dma_start3A_146 = arith.constant 0 : i32
      %dma_start3A_147 = tpu.memref_slice %arg8[%add3A_34, %dma_start3A_146] : memref<10240x64xf32, #tpu.memory_space<vmem_shared>> -> memref<128x64xf32, #tpu.memory_space<vmem_shared>>
      tpu.enqueue_dma source(%arg18 : memref<128x64xf32, #tpu.memory_space<vmem>>) target(%dma_start3A_147 : memref<128x64xf32, #tpu.memory_space<vmem_shared>>) target_semaphore(%run_scoped3A : memref<!tpu.dma_semaphore, #tpu.memory_space<semaphore_mem>>)
      %dma_wait3A_148 = arith.constant 0 : i32
      %dma_wait3A_149 = tpu.memref_slice %arg8[%add3A_34, %dma_wait3A_148] : memref<10240x64xf32, #tpu.memory_space<vmem_shared>> -> memref<128x64xf32, #tpu.memory_space<vmem_shared>>
      %dma_wait3A_150 = arith.constant 0 : i32
      %dma_wait3A_151 = tpu.memref_slice %arg8[%add3A_34, %dma_wait3A_150] : memref<10240x64xf32, #tpu.memory_space<vmem_shared>> -> memref<128x64xf32, #tpu.memory_space<vmem_shared>>
      tpu.wait_dma2 semaphore(%run_scoped3A : memref<!tpu.dma_semaphore, #tpu.memory_space<semaphore_mem>>) src(%arg18 : memref<128x64xf32, #tpu.memory_space<vmem>>) dst(%dma_wait3A_151 : memref<128x64xf32, #tpu.memory_space<vmem_shared>>)
      tpu.yield
    }) : () -> ()
    %add3A_35 = arith.constant 384 : i32
    %add3A_36 = arith.addi %mul3A_0, %add3A_35 : i32
    "tpu.region"() ({
      %run_scoped3A = tpu.sem_alloc : memref<!tpu.dma_semaphore, #tpu.memory_space<semaphore_mem>>
      %dma_start3A_144 = tpu.memref_slice %arg9[%add3A_36] : memref<10240xf32, #tpu.memory_space<vmem_shared>> -> memref<128xf32, #tpu.memory_space<vmem_shared>>
      %dma_start3A_145 = tpu.memref_slice %arg9[%add3A_36] : memref<10240xf32, #tpu.memory_space<vmem_shared>> -> memref<128xf32, #tpu.memory_space<vmem_shared>>
      tpu.enqueue_dma source(%arg16 : memref<128xf32, #tpu.memory_space<vmem>>) target(%dma_start3A_145 : memref<128xf32, #tpu.memory_space<vmem_shared>>) target_semaphore(%run_scoped3A : memref<!tpu.dma_semaphore, #tpu.memory_space<semaphore_mem>>)
      %dma_wait3A_146 = tpu.memref_slice %arg9[%add3A_36] : memref<10240xf32, #tpu.memory_space<vmem_shared>> -> memref<128xf32, #tpu.memory_space<vmem_shared>>
      %dma_wait3A_147 = tpu.memref_slice %arg9[%add3A_36] : memref<10240xf32, #tpu.memory_space<vmem_shared>> -> memref<128xf32, #tpu.memory_space<vmem_shared>>
      tpu.wait_dma2 semaphore(%run_scoped3A : memref<!tpu.dma_semaphore, #tpu.memory_space<semaphore_mem>>) src(%arg16 : memref<128xf32, #tpu.memory_space<vmem>>) dst(%dma_wait3A_147 : memref<128xf32, #tpu.memory_space<vmem_shared>>)
      tpu.yield
    }) : () -> ()
    %add3A_37 = arith.constant 512 : i32
    %add3A_38 = arith.addi %mul3A_0, %add3A_37 : i32
    "tpu.region"() ({
      %run_scoped3A = tpu.sem_alloc : memref<!tpu.dma_semaphore, #tpu.memory_space<semaphore_mem>>
      %dma_start3A_144 = arith.constant 0 : i32
      %dma_start3A_145 = tpu.memref_slice %arg8[%add3A_38, %dma_start3A_144] : memref<10240x64xf32, #tpu.memory_space<vmem_shared>> -> memref<128x64xf32, #tpu.memory_space<vmem_shared>>
      %dma_start3A_146 = arith.constant 0 : i32
      %dma_start3A_147 = tpu.memref_slice %arg8[%add3A_38, %dma_start3A_146] : memref<10240x64xf32, #tpu.memory_space<vmem_shared>> -> memref<128x64xf32, #tpu.memory_space<vmem_shared>>
      tpu.enqueue_dma source(%arg18 : memref<128x64xf32, #tpu.memory_space<vmem>>) target(%dma_start3A_147 : memref<128x64xf32, #tpu.memory_space<vmem_shared>>) target_semaphore(%run_scoped3A : memref<!tpu.dma_semaphore, #tpu.memory_space<semaphore_mem>>)
      %dma_wait3A_148 = arith.constant 0 : i32
      %dma_wait3A_149 = tpu.memref_slice %arg8[%add3A_38, %dma_wait3A_148] : memref<10240x64xf32, #tpu.memory_space<vmem_shared>> -> memref<128x64xf32, #tpu.memory_space<vmem_shared>>
      %dma_wait3A_150 = arith.constant 0 : i32
      %dma_wait3A_151 = tpu.memref_slice %arg8[%add3A_38, %dma_wait3A_150] : memref<10240x64xf32, #tpu.memory_space<vmem_shared>> -> memref<128x64xf32, #tpu.memory_space<vmem_shared>>
      tpu.wait_dma2 semaphore(%run_scoped3A : memref<!tpu.dma_semaphore, #tpu.memory_space<semaphore_mem>>) src(%arg18 : memref<128x64xf32, #tpu.memory_space<vmem>>) dst(%dma_wait3A_151 : memref<128x64xf32, #tpu.memory_space<vmem_shared>>)
      tpu.yield
    }) : () -> ()
    %add3A_39 = arith.constant 512 : i32
    %add3A_40 = arith.addi %mul3A_0, %add3A_39 : i32
    "tpu.region"() ({
      %run_scoped3A = tpu.sem_alloc : memref<!tpu.dma_semaphore, #tpu.memory_space<semaphore_mem>>
      %dma_start3A_144 = tpu.memref_slice %arg9[%add3A_40] : memref<10240xf32, #tpu.memory_space<vmem_shared>> -> memref<128xf32, #tpu.memory_space<vmem_shared>>
      %dma_start3A_145 = tpu.memref_slice %arg9[%add3A_40] : memref<10240xf32, #tpu.memory_space<vmem_shared>> -> memref<128xf32, #tpu.memory_space<vmem_shared>>
      tpu.enqueue_dma source(%arg16 : memref<128xf32, #tpu.memory_space<vmem>>) target(%dma_start3A_145 : memref<128xf32, #tpu.memory_space<vmem_shared>>) target_semaphore(%run_scoped3A : memref<!tpu.dma_semaphore, #tpu.memory_space<semaphore_mem>>)
      %dma_wait3A_146 = tpu.memref_slice %arg9[%add3A_40] : memref<10240xf32, #tpu.memory_space<vmem_shared>> -> memref<128xf32, #tpu.memory_space<vmem_shared>>
      %dma_wait3A_147 = tpu.memref_slice %arg9[%add3A_40] : memref<10240xf32, #tpu.memory_space<vmem_shared>> -> memref<128xf32, #tpu.memory_space<vmem_shared>>
      tpu.wait_dma2 semaphore(%run_scoped3A : memref<!tpu.dma_semaphore, #tpu.memory_space<semaphore_mem>>) src(%arg16 : memref<128xf32, #tpu.memory_space<vmem>>) dst(%dma_wait3A_147 : memref<128xf32, #tpu.memory_space<vmem_shared>>)
      tpu.yield
    }) : () -> ()
    %mul3A_41 = arith.constant 0 : i32
    %mul3A_42 = arith.muli %arg0, %mul3A_41 : i32
    "tpu.region"() ({
      %run_scoped3A = tpu.sem_alloc : memref<!tpu.dma_semaphore, #tpu.memory_space<semaphore_mem>>
      %dma_start3A_144 = tpu.memref_slice %arg3[%mul3A_42] : memref<10240xf32, #tpu.memory_space<hbm>> -> memref<10240xf32, #tpu.memory_space<hbm>>
      %dma_start3A_145 = tpu.memref_slice %arg3[%mul3A_42] : memref<10240xf32, #tpu.memory_space<hbm>> -> memref<10240xf32, #tpu.memory_space<hbm>>
      tpu.enqueue_dma source(%dma_start3A_145 : memref<10240xf32, #tpu.memory_space<hbm>>) target(%arg10 : memref<10240xf32, #tpu.memory_space<vmem>>) target_semaphore(%run_scoped3A : memref<!tpu.dma_semaphore, #tpu.memory_space<semaphore_mem>>)
      %dma_wait3A_146 = tpu.memref_slice %arg3[%mul3A_42] : memref<10240xf32, #tpu.memory_space<hbm>> -> memref<10240xf32, #tpu.memory_space<hbm>>
      %dma_wait3A_147 = tpu.memref_slice %arg3[%mul3A_42] : memref<10240xf32, #tpu.memory_space<hbm>> -> memref<10240xf32, #tpu.memory_space<hbm>>
      tpu.wait_dma2 semaphore(%run_scoped3A : memref<!tpu.dma_semaphore, #tpu.memory_space<semaphore_mem>>) src(%dma_wait3A_147 : memref<10240xf32, #tpu.memory_space<hbm>>) dst(%arg10 : memref<10240xf32, #tpu.memory_space<vmem>>)
      tpu.yield
    }) : () -> ()
    %mul3A_43 = arith.constant 0 : i32
    %mul3A_44 = arith.muli %arg0, %mul3A_43 : i32
    "tpu.region"() ({
      %run_scoped3A = tpu.sem_alloc : memref<!tpu.dma_semaphore, #tpu.memory_space<semaphore_mem>>
      %dma_start3A_144 = tpu.memref_slice %arg4[%mul3A_44] : memref<10240xf32, #tpu.memory_space<hbm>> -> memref<10240xf32, #tpu.memory_space<hbm>>
      %dma_start3A_145 = tpu.memref_slice %arg4[%mul3A_44] : memref<10240xf32, #tpu.memory_space<hbm>> -> memref<10240xf32, #tpu.memory_space<hbm>>
      tpu.enqueue_dma source(%dma_start3A_145 : memref<10240xf32, #tpu.memory_space<hbm>>) target(%arg11 : memref<10240xf32, #tpu.memory_space<vmem>>) target_semaphore(%run_scoped3A : memref<!tpu.dma_semaphore, #tpu.memory_space<semaphore_mem>>)
      %dma_wait3A_146 = tpu.memref_slice %arg4[%mul3A_44] : memref<10240xf32, #tpu.memory_space<hbm>> -> memref<10240xf32, #tpu.memory_space<hbm>>
      %dma_wait3A_147 = tpu.memref_slice %arg4[%mul3A_44] : memref<10240xf32, #tpu.memory_space<hbm>> -> memref<10240xf32, #tpu.memory_space<hbm>>
      tpu.wait_dma2 semaphore(%run_scoped3A : memref<!tpu.dma_semaphore, #tpu.memory_space<semaphore_mem>>) src(%dma_wait3A_147 : memref<10240xf32, #tpu.memory_space<hbm>>) dst(%arg11 : memref<10240xf32, #tpu.memory_space<vmem>>)
      tpu.yield
    }) : () -> ()
    %barrier3A = arith.constant 0 : index
    tpu.barrier barrier_id(%barrier3A)
    %mul3A_45 = arith.constant 167936 : i32
    %mul3A_46 = arith.muli %arg0, %mul3A_45 : i32
    %mul3A_47 = arith.constant 10496 : i32
    %mul3A_48 = arith.muli %arg1, %mul3A_47 : i32
    %add3A_49 = arith.addi %mul3A_46, %mul3A_48 : i32
    %mul3A_50 = arith.constant 0 : i32
    %mul3A_51 = arith.muli %arg0, %mul3A_50 : i32
    %dma_start3A = arith.constant 0 : i32
    %dma_start3A_52 = tpu.memref_slice %arg5[%dma_start3A, %add3A_49] : memref<2x335872xi32, #tpu.memory_space<hbm>> -> memref<2x128xi32, #tpu.memory_space<hbm>>
    %dma_start3A_53 = arith.constant 0 : i32
    %dma_start3A_54 = tpu.memref_slice %arg5[%dma_start3A_53, %add3A_49] : memref<2x335872xi32, #tpu.memory_space<hbm>> -> memref<2x128xi32, #tpu.memory_space<hbm>>
    tpu.enqueue_dma source(%dma_start3A_54 : memref<2x128xi32, #tpu.memory_space<hbm>>) target(%arg12 : memref<2x128xi32, #tpu.memory_space<vmem>>) target_semaphore(%arg20 : memref<!tpu.dma_semaphore, #tpu.memory_space<semaphore_mem>>)
    %scan3A_55 = arith.constant 0 : i32
    %scan3A_56 = arith.constant 0 : i32
    %scan3A_57 = arith.constant 41 : i32
    %scan3A_58 = arith.addi %scan3A_56, %scan3A_57 : i32
    %scan3A_59 = arith.constant 1 : i32
    scf.for %scan3A_144 = %scan3A_56 to %scan3A_58 step %scan3A_59  : i32 {
      %mul3A_145 = arith.constant 2 : i32
      %mul3A_146 = arith.muli %scan3A_144, %mul3A_145 : i32
      %add3A_147 = arith.constant 0 : i32
      %add3A_148 = arith.addi %mul3A_146, %add3A_147 : i32
      %mul3A_149 = arith.constant 128 : i32
      %mul3A_150 = arith.muli %add3A_148, %mul3A_149 : i32
      %add3A_151 = arith.addi %add3A_49, %mul3A_150 : i32
      %dma_wait3A_152 = arith.constant 0 : i32
      %dma_wait3A_153 = arith.constant 0 : i32
      %dma_wait3A_154 = tpu.memref_slice %arg5[%dma_wait3A_152, %dma_wait3A_153] : memref<2x335872xi32, #tpu.memory_space<hbm>> -> memref<2x128xi32, #tpu.memory_space<hbm>>
      %dma_wait3A_155 = arith.constant 0 : i32
      %dma_wait3A_156 = arith.constant 0 : i32
      %dma_wait3A_157 = tpu.memref_slice %arg5[%dma_wait3A_155, %dma_wait3A_156] : memref<2x335872xi32, #tpu.memory_space<hbm>> -> memref<2x128xi32, #tpu.memory_space<hbm>>
      tpu.wait_dma2 semaphore(%arg20 : memref<!tpu.dma_semaphore, #tpu.memory_space<semaphore_mem>>) src(%dma_wait3A_157 : memref<2x128xi32, #tpu.memory_space<hbm>>) dst(%arg12 : memref<2x128xi32, #tpu.memory_space<vmem>>)
      %scan3A_158 = arith.constant 0 : i32
      %scan3A_159 = arith.constant 0 : i32
      %scan3A_160 = arith.constant 8 : i32
      %scan3A_161 = arith.addi %scan3A_159, %scan3A_160 : i32
      %scan3A_162 = arith.constant 1 : i32
      scf.for %scan3A_246 = %scan3A_159 to %scan3A_161 step %scan3A_162  : i32 {
        %mul3A_247 = arith.constant 16 : i32
        %mul3A_248 = arith.muli %scan3A_246, %mul3A_247 : i32
        %get3A = arith.constant 0 : i32
        %get3A_249 = arith.index_cast %get3A : i32 to index
        %get3A_250 = arith.index_cast %mul3A_248 : i32 to index
        %get3A_251 = tpu.vector_load %arg12[%get3A_249, %get3A_250] {strides = array<i32>} : memref<2x128xi32, #tpu.memory_space<vmem>>, vector<16xi32>,
        %get3A_252 = arith.constant 1 : i32
        %get3A_253 = arith.index_cast %get3A_252 : i32 to index
        %get3A_254 = arith.index_cast %mul3A_248 : i32 to index
        %get3A_255 = tpu.vector_load %arg12[%get3A_253, %get3A_254] {strides = array<i32>} : memref<2x128xi32, #tpu.memory_space<vmem>>, vector<16xi32>,
        %gather3A = tpu.vector_load_idx %arg10[%get3A_251] : memref<10240xf32, #tpu.memory_space<vmem>>[vector<16xi32>], vector<16xf32>,
        %gather3A_256 = tpu.vector_load_idx %arg11[%get3A_255] : memref<10240xf32, #tpu.memory_space<vmem>>[vector<16xi32>], vector<16xf32>,
        %add3A_257 = arith.addf %gather3A, %gather3A_256 : vector<16xf32>
        %ge3A = arith.constant 0.000000e+00 : f32
        %ge3A_258 = vector.broadcast %ge3A : f32 to vector<16xf32>
        %ge3A_259 = arith.cmpf oge, %add3A_257, %ge3A_258 : vector<16xf32>
        %mul3A_260 = arith.constant 2.000000e-01 : f32
        %mul3A_261 = vector.broadcast %mul3A_260 : f32 to vector<16xf32>
        %mul3A_262 = arith.mulf %mul3A_261, %add3A_257 : vector<16xf32>
        %select_n3A = arith.select %ge3A_259, %add3A_257, %mul3A_262 : vector<16xi1>, vector<16xf32>
        %exp3A = math.exp %select_n3A : vector<16xf32>
        %swap3A_263 = arith.index_cast %mul3A_248 : i32 to index
        %swap3A_264 = tpu.vector_load %arg16[%swap3A_263] {strides = array<i32>} : memref<128xf32, #tpu.memory_space<vmem>>, vector<16xf32>,
        tpu.vector_store %arg16[%swap3A_263], %exp3A {strides = array<i32>} : memref<128xf32, #tpu.memory_space<vmem>>, vector<16xf32>,
        %add3A_265 = vector.broadcast %mul3A_51 : i32 to vector<16xi32>
        %add3A_266 = arith.addi %get3A_251, %add3A_265 : vector<16xi32>
        %swap3A_267 = arith.index_cast %mul3A_248 : i32 to index
        %swap3A_268 = tpu.vector_load %arg14[%swap3A_267] {strides = array<i32>} : memref<128xi32, #tpu.memory_space<vmem>>, vector<16xi32>,
        tpu.vector_store %arg14[%swap3A_267], %add3A_266 {strides = array<i32>} : memref<128xi32, #tpu.memory_space<vmem>>, vector<16xi32>,
      }
      %scan3A_163 = arith.constant 8 : i32
      %dma_start3A_164 = arith.constant 0 : i32
      %dma_start3A_165 = arith.constant 0 : i32
      %dma_start3A_166 = tpu.memref_slice %arg2[%dma_start3A_164, %dma_start3A_165] : memref<10240x64xf32, #tpu.memory_space<hbm>> -> memref<10240x64xf32, #tpu.memory_space<hbm>>
      tpu.enqueue_indirect_dma source(%dma_start3A_166 : memref<10240x64xf32, #tpu.memory_space<hbm>>) target(%arg18 : memref<128x64xf32, #tpu.memory_space<vmem>>) offsets(%arg14 : memref<128xi32, #tpu.memory_space<vmem>>) semaphore(%arg22 : memref<!tpu.dma_semaphore, #tpu.memory_space<semaphore_mem>>)
      %gt3A = arith.constant 0 : i32
      %gt3A_167 = arith.cmpi sgt, %scan3A_144, %gt3A : i32
      %convert_element_type3A = arith.extui %gt3A_167 : i1 to i32
      %cond3A = arith.constant 0 : i32
      %cond3A_168 = arith.cmpi ne, %convert_element_type3A, %cond3A : i32
      scf.if %cond3A_168 {
        %dma_wait3A_246 = arith.constant 1 : i32
        %dma_wait3A_247 = arith.constant 0 : i32
        %dma_wait3A_248 = tpu.memref_slice %arg13[%dma_wait3A_246, %dma_wait3A_247] : memref<2x128xi32, #tpu.memory_space<vmem>> -> memref<1x128xi32, #tpu.memory_space<vmem>>
        %dma_wait3A_249 = tpu.memref_squeeze %dma_wait3A_248 : memref<1x128xi32, #tpu.memory_space<vmem>> -> memref<128xi32, #tpu.memory_space<vmem>>
        %dma_wait3A_250 = arith.constant 0 : i32
        %dma_wait3A_251 = arith.constant 0 : i32
        %dma_wait3A_252 = tpu.memref_slice %arg8[%dma_wait3A_250, %dma_wait3A_251] : memref<10240x64xf32, #tpu.memory_space<vmem_shared>> -> memref<10240x64xf32, #tpu.memory_space<vmem_shared>>
        tpu.wait_indirect_dma semaphore(%arg24 : memref<!tpu.dma_semaphore, #tpu.memory_space<semaphore_mem>>) src(%arg19 : memref<128x64xf32, #tpu.memory_space<vmem>>) dst(%dma_wait3A_252 : memref<10240x64xf32, #tpu.memory_space<vmem_shared>>)
        %dma_wait3A_253 = arith.constant 1 : i32
        %dma_wait3A_254 = arith.constant 0 : i32
        %dma_wait3A_255 = tpu.memref_slice %arg13[%dma_wait3A_253, %dma_wait3A_254] : memref<2x128xi32, #tpu.memory_space<vmem>> -> memref<1x128xi32, #tpu.memory_space<vmem>>
        %dma_wait3A_256 = tpu.memref_squeeze %dma_wait3A_255 : memref<1x128xi32, #tpu.memory_space<vmem>> -> memref<128xi32, #tpu.memory_space<vmem>>
        %dma_wait3A_257 = arith.constant 0 : i32
        %dma_wait3A_258 = tpu.memref_slice %arg9[%dma_wait3A_257] : memref<10240xf32, #tpu.memory_space<vmem_shared>> -> memref<10240xf32, #tpu.memory_space<vmem_shared>>
        tpu.wait_indirect_dma semaphore(%arg26 : memref<!tpu.dma_semaphore, #tpu.memory_space<semaphore_mem>>) src(%arg17 : memref<128xf32, #tpu.memory_space<vmem>>) dst(%dma_wait3A_258 : memref<10240xf32, #tpu.memory_space<vmem_shared>>)
      } else {
      }
      %add3A_169 = arith.constant 128 : i32
      %add3A_170 = arith.addi %add3A_151, %add3A_169 : i32
      %dma_start3A_171 = arith.constant 0 : i32
      %dma_start3A_172 = tpu.memref_slice %arg5[%dma_start3A_171, %add3A_170] : memref<2x335872xi32, #tpu.memory_space<hbm>> -> memref<2x128xi32, #tpu.memory_space<hbm>>
      %dma_start3A_173 = arith.constant 0 : i32
      %dma_start3A_174 = tpu.memref_slice %arg5[%dma_start3A_173, %add3A_170] : memref<2x335872xi32, #tpu.memory_space<hbm>> -> memref<2x128xi32, #tpu.memory_space<hbm>>
      tpu.enqueue_dma source(%dma_start3A_174 : memref<2x128xi32, #tpu.memory_space<hbm>>) target(%arg13 : memref<2x128xi32, #tpu.memory_space<vmem>>) target_semaphore(%arg21 : memref<!tpu.dma_semaphore, #tpu.memory_space<semaphore_mem>>)
      %dma_wait3A_175 = arith.constant 0 : i32
      %dma_wait3A_176 = arith.constant 0 : i32
      %dma_wait3A_177 = tpu.memref_slice %arg2[%dma_wait3A_175, %dma_wait3A_176] : memref<10240x64xf32, #tpu.memory_space<hbm>> -> memref<10240x64xf32, #tpu.memory_space<hbm>>
      tpu.wait_indirect_dma semaphore(%arg22 : memref<!tpu.dma_semaphore, #tpu.memory_space<semaphore_mem>>) src(%dma_wait3A_177 : memref<10240x64xf32, #tpu.memory_space<hbm>>) dst(%arg18 : memref<128x64xf32, #tpu.memory_space<vmem>>)
      %dma_start3A_178 = arith.constant 1 : i32
      %dma_start3A_179 = arith.constant 0 : i32
      %dma_start3A_180 = tpu.memref_slice %arg12[%dma_start3A_178, %dma_start3A_179] : memref<2x128xi32, #tpu.memory_space<vmem>> -> memref<1x128xi32, #tpu.memory_space<vmem>>
      %dma_start3A_181 = tpu.memref_squeeze %dma_start3A_180 : memref<1x128xi32, #tpu.memory_space<vmem>> -> memref<128xi32, #tpu.memory_space<vmem>>
      %dma_start3A_182 = arith.constant 0 : i32
      %dma_start3A_183 = arith.constant 0 : i32
      %dma_start3A_184 = tpu.memref_slice %arg8[%dma_start3A_182, %dma_start3A_183] : memref<10240x64xf32, #tpu.memory_space<vmem_shared>> -> memref<10240x64xf32, #tpu.memory_space<vmem_shared>>
      tpu.enqueue_indirect_dma source(%arg18 : memref<128x64xf32, #tpu.memory_space<vmem>>) target(%dma_start3A_184 : memref<10240x64xf32, #tpu.memory_space<vmem_shared>>) offsets(%dma_start3A_181 : memref<128xi32, #tpu.memory_space<vmem>>) semaphore(%arg23 : memref<!tpu.dma_semaphore, #tpu.memory_space<semaphore_mem>>) {add = true}
      %dma_start3A_185 = arith.constant 1 : i32
      %dma_start3A_186 = arith.constant 0 : i32
      %dma_start3A_187 = tpu.memref_slice %arg12[%dma_start3A_185, %dma_start3A_186] : memref<2x128xi32, #tpu.memory_space<vmem>> -> memref<1x128xi32, #tpu.memory_space<vmem>>
      %dma_start3A_188 = tpu.memref_squeeze %dma_start3A_187 : memref<1x128xi32, #tpu.memory_space<vmem>> -> memref<128xi32, #tpu.memory_space<vmem>>
      %dma_start3A_189 = arith.constant 0 : i32
      %dma_start3A_190 = tpu.memref_slice %arg9[%dma_start3A_189] : memref<10240xf32, #tpu.memory_space<vmem_shared>> -> memref<10240xf32, #tpu.memory_space<vmem_shared>>
      tpu.enqueue_indirect_dma source(%arg16 : memref<128xf32, #tpu.memory_space<vmem>>) target(%dma_start3A_190 : memref<10240xf32, #tpu.memory_space<vmem_shared>>) offsets(%dma_start3A_188 : memref<128xi32, #tpu.memory_space<vmem>>) semaphore(%arg25 : memref<!tpu.dma_semaphore, #tpu.memory_space<semaphore_mem>>) {add = true}
      %mul3A_191 = arith.constant 2 : i32
      %mul3A_192 = arith.muli %scan3A_144, %mul3A_191 : i32
      %add3A_193 = arith.constant 1 : i32
      %add3A_194 = arith.addi %mul3A_192, %add3A_193 : i32
      %mul3A_195 = arith.constant 128 : i32
      %mul3A_196 = arith.muli %add3A_194, %mul3A_195 : i32
      %add3A_197 = arith.addi %add3A_49, %mul3A_196 : i32
      %dma_wait3A_198 = arith.constant 0 : i32
      %dma_wait3A_199 = arith.constant 0 : i32
      %dma_wait3A_200 = tpu.memref_slice %arg5[%dma_wait3A_198, %dma_wait3A_199] : memref<2x335872xi32, #tpu.memory_space<hbm>> -> memref<2x128xi32, #tpu.memory_space<hbm>>
      %dma_wait3A_201 = arith.constant 0 : i32
      %dma_wait3A_202 = arith.constant 0 : i32
      %dma_wait3A_203 = tpu.memref_slice %arg5[%dma_wait3A_201, %dma_wait3A_202] : memref<2x335872xi32, #tpu.memory_space<hbm>> -> memref<2x128xi32, #tpu.memory_space<hbm>>
      tpu.wait_dma2 semaphore(%arg21 : memref<!tpu.dma_semaphore, #tpu.memory_space<semaphore_mem>>) src(%dma_wait3A_203 : memref<2x128xi32, #tpu.memory_space<hbm>>) dst(%arg13 : memref<2x128xi32, #tpu.memory_space<vmem>>)
      %scan3A_204 = arith.constant 0 : i32
      %scan3A_205 = arith.constant 0 : i32
      %scan3A_206 = arith.constant 8 : i32
      %scan3A_207 = arith.addi %scan3A_205, %scan3A_206 : i32
      %scan3A_208 = arith.constant 1 : i32
      scf.for %scan3A_246 = %scan3A_205 to %scan3A_207 step %scan3A_208  : i32 {
        %mul3A_247 = arith.constant 16 : i32
        %mul3A_248 = arith.muli %scan3A_246, %mul3A_247 : i32
        %get3A = arith.constant 0 : i32
        %get3A_249 = arith.index_cast %get3A : i32 to index
        %get3A_250 = arith.index_cast %mul3A_248 : i32 to index
        %get3A_251 = tpu.vector_load %arg13[%get3A_249, %get3A_250] {strides = array<i32>} : memref<2x128xi32, #tpu.memory_space<vmem>>, vector<16xi32>,
        %get3A_252 = arith.constant 1 : i32
        %get3A_253 = arith.index_cast %get3A_252 : i32 to index
        %get3A_254 = arith.index_cast %mul3A_248 : i32 to index
        %get3A_255 = tpu.vector_load %arg13[%get3A_253, %get3A_254] {strides = array<i32>} : memref<2x128xi32, #tpu.memory_space<vmem>>, vector<16xi32>,
        %gather3A = tpu.vector_load_idx %arg10[%get3A_251] : memref<10240xf32, #tpu.memory_space<vmem>>[vector<16xi32>], vector<16xf32>,
        %gather3A_256 = tpu.vector_load_idx %arg11[%get3A_255] : memref<10240xf32, #tpu.memory_space<vmem>>[vector<16xi32>], vector<16xf32>,
        %add3A_257 = arith.addf %gather3A, %gather3A_256 : vector<16xf32>
        %ge3A = arith.constant 0.000000e+00 : f32
        %ge3A_258 = vector.broadcast %ge3A : f32 to vector<16xf32>
        %ge3A_259 = arith.cmpf oge, %add3A_257, %ge3A_258 : vector<16xf32>
        %mul3A_260 = arith.constant 2.000000e-01 : f32
        %mul3A_261 = vector.broadcast %mul3A_260 : f32 to vector<16xf32>
        %mul3A_262 = arith.mulf %mul3A_261, %add3A_257 : vector<16xf32>
        %select_n3A = arith.select %ge3A_259, %add3A_257, %mul3A_262 : vector<16xi1>, vector<16xf32>
        %exp3A = math.exp %select_n3A : vector<16xf32>
        %swap3A_263 = arith.index_cast %mul3A_248 : i32 to index
        %swap3A_264 = tpu.vector_load %arg17[%swap3A_263] {strides = array<i32>} : memref<128xf32, #tpu.memory_space<vmem>>, vector<16xf32>,
        tpu.vector_store %arg17[%swap3A_263], %exp3A {strides = array<i32>} : memref<128xf32, #tpu.memory_space<vmem>>, vector<16xf32>,
        %add3A_265 = vector.broadcast %mul3A_51 : i32 to vector<16xi32>
        %add3A_266 = arith.addi %get3A_251, %add3A_265 : vector<16xi32>
        %swap3A_267 = arith.index_cast %mul3A_248 : i32 to index
        %swap3A_268 = tpu.vector_load %arg15[%swap3A_267] {strides = array<i32>} : memref<128xi32, #tpu.memory_space<vmem>>, vector<16xi32>,
        tpu.vector_store %arg15[%swap3A_267], %add3A_266 {strides = array<i32>} : memref<128xi32, #tpu.memory_space<vmem>>, vector<16xi32>,
      }
      %scan3A_209 = arith.constant 8 : i32
      %dma_start3A_210 = arith.constant 0 : i32
      %dma_start3A_211 = arith.constant 0 : i32
      %dma_start3A_212 = tpu.memref_slice %arg2[%dma_start3A_210, %dma_start3A_211] : memref<10240x64xf32, #tpu.memory_space<hbm>> -> memref<10240x64xf32, #tpu.memory_space<hbm>>
      tpu.enqueue_indirect_dma source(%dma_start3A_212 : memref<10240x64xf32, #tpu.memory_space<hbm>>) target(%arg19 : memref<128x64xf32, #tpu.memory_space<vmem>>) offsets(%arg15 : memref<128xi32, #tpu.memory_space<vmem>>) semaphore(%arg22 : memref<!tpu.dma_semaphore, #tpu.memory_space<semaphore_mem>>)
      %dma_wait3A_213 = arith.constant 1 : i32
      %dma_wait3A_214 = arith.constant 0 : i32
      %dma_wait3A_215 = tpu.memref_slice %arg12[%dma_wait3A_213, %dma_wait3A_214] : memref<2x128xi32, #tpu.memory_space<vmem>> -> memref<1x128xi32, #tpu.memory_space<vmem>>
      %dma_wait3A_216 = tpu.memref_squeeze %dma_wait3A_215 : memref<1x128xi32, #tpu.memory_space<vmem>> -> memref<128xi32, #tpu.memory_space<vmem>>
      %dma_wait3A_217 = arith.constant 0 : i32
      %dma_wait3A_218 = arith.constant 0 : i32
      %dma_wait3A_219 = tpu.memref_slice %arg8[%dma_wait3A_217, %dma_wait3A_218] : memref<10240x64xf32, #tpu.memory_space<vmem_shared>> -> memref<10240x64xf32, #tpu.memory_space<vmem_shared>>
      tpu.wait_indirect_dma semaphore(%arg23 : memref<!tpu.dma_semaphore, #tpu.memory_space<semaphore_mem>>) src(%arg18 : memref<128x64xf32, #tpu.memory_space<vmem>>) dst(%dma_wait3A_219 : memref<10240x64xf32, #tpu.memory_space<vmem_shared>>)
      %dma_wait3A_220 = arith.constant 1 : i32
      %dma_wait3A_221 = arith.constant 0 : i32
      %dma_wait3A_222 = tpu.memref_slice %arg12[%dma_wait3A_220, %dma_wait3A_221] : memref<2x128xi32, #tpu.memory_space<vmem>> -> memref<1x128xi32, #tpu.memory_space<vmem>>
      %dma_wait3A_223 = tpu.memref_squeeze %dma_wait3A_222 : memref<1x128xi32, #tpu.memory_space<vmem>> -> memref<128xi32, #tpu.memory_space<vmem>>
      %dma_wait3A_224 = arith.constant 0 : i32
      %dma_wait3A_225 = tpu.memref_slice %arg9[%dma_wait3A_224] : memref<10240xf32, #tpu.memory_space<vmem_shared>> -> memref<10240xf32, #tpu.memory_space<vmem_shared>>
      tpu.wait_indirect_dma semaphore(%arg25 : memref<!tpu.dma_semaphore, #tpu.memory_space<semaphore_mem>>) src(%arg16 : memref<128xf32, #tpu.memory_space<vmem>>) dst(%dma_wait3A_225 : memref<10240xf32, #tpu.memory_space<vmem_shared>>)
      %lt3A = arith.constant 40 : i32
      %lt3A_226 = arith.cmpi slt, %scan3A_144, %lt3A : i32
      %convert_element_type3A_227 = arith.extui %lt3A_226 : i1 to i32
      %cond3A_228 = arith.constant 0 : i32
      %cond3A_229 = arith.cmpi ne, %convert_element_type3A_227, %cond3A_228 : i32
      scf.if %cond3A_229 {
        %add3A_246 = arith.constant 128 : i32
        %add3A_247 = arith.addi %add3A_197, %add3A_246 : i32
        %dma_start3A_248 = arith.constant 0 : i32
        %dma_start3A_249 = tpu.memref_slice %arg5[%dma_start3A_248, %add3A_247] : memref<2x335872xi32, #tpu.memory_space<hbm>> -> memref<2x128xi32, #tpu.memory_space<hbm>>
        %dma_start3A_250 = arith.constant 0 : i32
        %dma_start3A_251 = tpu.memref_slice %arg5[%dma_start3A_250, %add3A_247] : memref<2x335872xi32, #tpu.memory_space<hbm>> -> memref<2x128xi32, #tpu.memory_space<hbm>>
        tpu.enqueue_dma source(%dma_start3A_251 : memref<2x128xi32, #tpu.memory_space<hbm>>) target(%arg12 : memref<2x128xi32, #tpu.memory_space<vmem>>) target_semaphore(%arg20 : memref<!tpu.dma_semaphore, #tpu.memory_space<semaphore_mem>>)
      } else {
      }
      %dma_wait3A_230 = arith.constant 0 : i32
      %dma_wait3A_231 = arith.constant 0 : i32
      %dma_wait3A_232 = tpu.memref_slice %arg2[%dma_wait3A_230, %dma_wait3A_231] : memref<10240x64xf32, #tpu.memory_space<hbm>> -> memref<10240x64xf32, #tpu.memory_space<hbm>>
      tpu.wait_indirect_dma semaphore(%arg22 : memref<!tpu.dma_semaphore, #tpu.memory_space<semaphore_mem>>) src(%dma_wait3A_232 : memref<10240x64xf32, #tpu.memory_space<hbm>>) dst(%arg19 : memref<128x64xf32, #tpu.memory_space<vmem>>)
      %dma_start3A_233 = arith.constant 1 : i32
      %dma_start3A_234 = arith.constant 0 : i32
      %dma_start3A_235 = tpu.memref_slice %arg13[%dma_start3A_233, %dma_start3A_234] : memref<2x128xi32, #tpu.memory_space<vmem>> -> memref<1x128xi32, #tpu.memory_space<vmem>>
      %dma_start3A_236 = tpu.memref_squeeze %dma_start3A_235 : memref<1x128xi32, #tpu.memory_space<vmem>> -> memref<128xi32, #tpu.memory_space<vmem>>
      %dma_start3A_237 = arith.constant 0 : i32
      %dma_start3A_238 = arith.constant 0 : i32
      %dma_start3A_239 = tpu.memref_slice %arg8[%dma_start3A_237, %dma_start3A_238] : memref<10240x64xf32, #tpu.memory_space<vmem_shared>> -> memref<10240x64xf32, #tpu.memory_space<vmem_shared>>
      tpu.enqueue_indirect_dma source(%arg19 : memref<128x64xf32, #tpu.memory_space<vmem>>) target(%dma_start3A_239 : memref<10240x64xf32, #tpu.memory_space<vmem_shared>>) offsets(%dma_start3A_236 : memref<128xi32, #tpu.memory_space<vmem>>) semaphore(%arg24 : memref<!tpu.dma_semaphore, #tpu.memory_space<semaphore_mem>>) {add = true}
      %dma_start3A_240 = arith.constant 1 : i32
      %dma_start3A_241 = arith.constant 0 : i32
      %dma_start3A_242 = tpu.memref_slice %arg13[%dma_start3A_240, %dma_start3A_241] : memref<2x128xi32, #tpu.memory_space<vmem>> -> memref<1x128xi32, #tpu.memory_space<vmem>>
      %dma_start3A_243 = tpu.memref_squeeze %dma_start3A_242 : memref<1x128xi32, #tpu.memory_space<vmem>> -> memref<128xi32, #tpu.memory_space<vmem>>
      %dma_start3A_244 = arith.constant 0 : i32
      %dma_start3A_245 = tpu.memref_slice %arg9[%dma_start3A_244] : memref<10240xf32, #tpu.memory_space<vmem_shared>> -> memref<10240xf32, #tpu.memory_space<vmem_shared>>
      tpu.enqueue_indirect_dma source(%arg17 : memref<128xf32, #tpu.memory_space<vmem>>) target(%dma_start3A_245 : memref<10240xf32, #tpu.memory_space<vmem_shared>>) offsets(%dma_start3A_243 : memref<128xi32, #tpu.memory_space<vmem>>) semaphore(%arg26 : memref<!tpu.dma_semaphore, #tpu.memory_space<semaphore_mem>>) {add = true}
    }
    %scan3A_60 = arith.constant 41 : i32
    %dma_wait3A = arith.constant 1 : i32
    %dma_wait3A_61 = arith.constant 0 : i32
    %dma_wait3A_62 = tpu.memref_slice %arg13[%dma_wait3A, %dma_wait3A_61] : memref<2x128xi32, #tpu.memory_space<vmem>> -> memref<1x128xi32, #tpu.memory_space<vmem>>
    %dma_wait3A_63 = tpu.memref_squeeze %dma_wait3A_62 : memref<1x128xi32, #tpu.memory_space<vmem>> -> memref<128xi32, #tpu.memory_space<vmem>>
    %dma_wait3A_64 = arith.constant 0 : i32
    %dma_wait3A_65 = arith.constant 0 : i32
    %dma_wait3A_66 = tpu.memref_slice %arg8[%dma_wait3A_64, %dma_wait3A_65] : memref<10240x64xf32, #tpu.memory_space<vmem_shared>> -> memref<10240x64xf32, #tpu.memory_space<vmem_shared>>
    tpu.wait_indirect_dma semaphore(%arg24 : memref<!tpu.dma_semaphore, #tpu.memory_space<semaphore_mem>>) src(%arg19 : memref<128x64xf32, #tpu.memory_space<vmem>>) dst(%dma_wait3A_66 : memref<10240x64xf32, #tpu.memory_space<vmem_shared>>)
    %dma_wait3A_67 = arith.constant 1 : i32
    %dma_wait3A_68 = arith.constant 0 : i32
    %dma_wait3A_69 = tpu.memref_slice %arg13[%dma_wait3A_67, %dma_wait3A_68] : memref<2x128xi32, #tpu.memory_space<vmem>> -> memref<1x128xi32, #tpu.memory_space<vmem>>
    %dma_wait3A_70 = tpu.memref_squeeze %dma_wait3A_69 : memref<1x128xi32, #tpu.memory_space<vmem>> -> memref<128xi32, #tpu.memory_space<vmem>>
    %dma_wait3A_71 = arith.constant 0 : i32
    %dma_wait3A_72 = tpu.memref_slice %arg9[%dma_wait3A_71] : memref<10240xf32, #tpu.memory_space<vmem_shared>> -> memref<10240xf32, #tpu.memory_space<vmem_shared>>
    tpu.wait_indirect_dma semaphore(%arg26 : memref<!tpu.dma_semaphore, #tpu.memory_space<semaphore_mem>>) src(%arg17 : memref<128xf32, #tpu.memory_space<vmem>>) dst(%dma_wait3A_72 : memref<10240xf32, #tpu.memory_space<vmem_shared>>)
    %barrier3A_73 = arith.constant 0 : index
    tpu.barrier barrier_id(%barrier3A_73)
    %add3A_74 = arith.constant 0 : i32
    %add3A_75 = arith.addi %mul3A_0, %add3A_74 : i32
    "tpu.region"() ({
      %run_scoped3A = tpu.sem_alloc : memref<!tpu.dma_semaphore, #tpu.memory_space<semaphore_mem>>
      %dma_start3A_144 = arith.constant 0 : i32
      %dma_start3A_145 = tpu.memref_slice %arg8[%add3A_75, %dma_start3A_144] : memref<10240x64xf32, #tpu.memory_space<vmem_shared>> -> memref<128x64xf32, #tpu.memory_space<vmem_shared>>
      %dma_start3A_146 = arith.constant 0 : i32
      %dma_start3A_147 = tpu.memref_slice %arg8[%add3A_75, %dma_start3A_146] : memref<10240x64xf32, #tpu.memory_space<vmem_shared>> -> memref<128x64xf32, #tpu.memory_space<vmem_shared>>
      tpu.enqueue_dma source(%dma_start3A_147 : memref<128x64xf32, #tpu.memory_space<vmem_shared>>) target(%arg18 : memref<128x64xf32, #tpu.memory_space<vmem>>) target_semaphore(%run_scoped3A : memref<!tpu.dma_semaphore, #tpu.memory_space<semaphore_mem>>)
      %dma_wait3A_148 = arith.constant 0 : i32
      %dma_wait3A_149 = tpu.memref_slice %arg8[%add3A_75, %dma_wait3A_148] : memref<10240x64xf32, #tpu.memory_space<vmem_shared>> -> memref<128x64xf32, #tpu.memory_space<vmem_shared>>
      %dma_wait3A_150 = arith.constant 0 : i32
      %dma_wait3A_151 = tpu.memref_slice %arg8[%add3A_75, %dma_wait3A_150] : memref<10240x64xf32, #tpu.memory_space<vmem_shared>> -> memref<128x64xf32, #tpu.memory_space<vmem_shared>>
      tpu.wait_dma2 semaphore(%run_scoped3A : memref<!tpu.dma_semaphore, #tpu.memory_space<semaphore_mem>>) src(%dma_wait3A_151 : memref<128x64xf32, #tpu.memory_space<vmem_shared>>) dst(%arg18 : memref<128x64xf32, #tpu.memory_space<vmem>>)
      tpu.yield
    }) : () -> ()
    %mul3A_76 = arith.constant 10240 : i32
    %mul3A_77 = arith.muli %arg0, %mul3A_76 : i32
    %add3A_78 = arith.addi %mul3A_77, %mul3A_0 : i32
    %add3A_79 = arith.constant 0 : i32
    %add3A_80 = arith.addi %add3A_78, %add3A_79 : i32
    "tpu.region"() ({
      %run_scoped3A = tpu.sem_alloc : memref<!tpu.dma_semaphore, #tpu.memory_space<semaphore_mem>>
      %dma_start3A_144 = arith.constant 0 : i32
      %dma_start3A_145 = tpu.memref_slice %arg6[%add3A_80, %dma_start3A_144] : memref<20480x64xf32, #tpu.memory_space<hbm>> -> memref<128x64xf32, #tpu.memory_space<hbm>>
      %dma_start3A_146 = arith.constant 0 : i32
      %dma_start3A_147 = tpu.memref_slice %arg6[%add3A_80, %dma_start3A_146] : memref<20480x64xf32, #tpu.memory_space<hbm>> -> memref<128x64xf32, #tpu.memory_space<hbm>>
      tpu.enqueue_dma source(%arg18 : memref<128x64xf32, #tpu.memory_space<vmem>>) target(%dma_start3A_147 : memref<128x64xf32, #tpu.memory_space<hbm>>) target_semaphore(%run_scoped3A : memref<!tpu.dma_semaphore, #tpu.memory_space<semaphore_mem>>)
      %dma_wait3A_148 = arith.constant 0 : i32
      %dma_wait3A_149 = tpu.memref_slice %arg6[%add3A_80, %dma_wait3A_148] : memref<20480x64xf32, #tpu.memory_space<hbm>> -> memref<128x64xf32, #tpu.memory_space<hbm>>
      %dma_wait3A_150 = arith.constant 0 : i32
      %dma_wait3A_151 = tpu.memref_slice %arg6[%add3A_80, %dma_wait3A_150] : memref<20480x64xf32, #tpu.memory_space<hbm>> -> memref<128x64xf32, #tpu.memory_space<hbm>>
      tpu.wait_dma2 semaphore(%run_scoped3A : memref<!tpu.dma_semaphore, #tpu.memory_space<semaphore_mem>>) src(%arg18 : memref<128x64xf32, #tpu.memory_space<vmem>>) dst(%dma_wait3A_151 : memref<128x64xf32, #tpu.memory_space<hbm>>)
      tpu.yield
    }) : () -> ()
    %add3A_81 = arith.constant 0 : i32
    %add3A_82 = arith.addi %mul3A_0, %add3A_81 : i32
    "tpu.region"() ({
      %run_scoped3A = tpu.sem_alloc : memref<!tpu.dma_semaphore, #tpu.memory_space<semaphore_mem>>
      %dma_start3A_144 = tpu.memref_slice %arg9[%add3A_82] : memref<10240xf32, #tpu.memory_space<vmem_shared>> -> memref<128xf32, #tpu.memory_space<vmem_shared>>
      %dma_start3A_145 = tpu.memref_slice %arg9[%add3A_82] : memref<10240xf32, #tpu.memory_space<vmem_shared>> -> memref<128xf32, #tpu.memory_space<vmem_shared>>
      tpu.enqueue_dma source(%dma_start3A_145 : memref<128xf32, #tpu.memory_space<vmem_shared>>) target(%arg16 : memref<128xf32, #tpu.memory_space<vmem>>) target_semaphore(%run_scoped3A : memref<!tpu.dma_semaphore, #tpu.memory_space<semaphore_mem>>)
      %dma_wait3A_146 = tpu.memref_slice %arg9[%add3A_82] : memref<10240xf32, #tpu.memory_space<vmem_shared>> -> memref<128xf32, #tpu.memory_space<vmem_shared>>
      %dma_wait3A_147 = tpu.memref_slice %arg9[%add3A_82] : memref<10240xf32, #tpu.memory_space<vmem_shared>> -> memref<128xf32, #tpu.memory_space<vmem_shared>>
      tpu.wait_dma2 semaphore(%run_scoped3A : memref<!tpu.dma_semaphore, #tpu.memory_space<semaphore_mem>>) src(%dma_wait3A_147 : memref<128xf32, #tpu.memory_space<vmem_shared>>) dst(%arg16 : memref<128xf32, #tpu.memory_space<vmem>>)
      tpu.yield
    }) : () -> ()
    %mul3A_83 = arith.constant 10240 : i32
    %mul3A_84 = arith.muli %arg0, %mul3A_83 : i32
    %add3A_85 = arith.addi %mul3A_84, %mul3A_0 : i32
    %add3A_86 = arith.constant 0 : i32
    %add3A_87 = arith.addi %add3A_85, %add3A_86 : i32
    "tpu.region"() ({
      %run_scoped3A = tpu.sem_alloc : memref<!tpu.dma_semaphore, #tpu.memory_space<semaphore_mem>>
      %dma_start3A_144 = tpu.memref_slice %arg7[%add3A_87] : memref<20480xf32, #tpu.memory_space<hbm>> -> memref<128xf32, #tpu.memory_space<hbm>>
      %dma_start3A_145 = tpu.memref_slice %arg7[%add3A_87] : memref<20480xf32, #tpu.memory_space<hbm>> -> memref<128xf32, #tpu.memory_space<hbm>>
      tpu.enqueue_dma source(%arg16 : memref<128xf32, #tpu.memory_space<vmem>>) target(%dma_start3A_145 : memref<128xf32, #tpu.memory_space<hbm>>) target_semaphore(%run_scoped3A : memref<!tpu.dma_semaphore, #tpu.memory_space<semaphore_mem>>)
      %dma_wait3A_146 = tpu.memref_slice %arg7[%add3A_87] : memref<20480xf32, #tpu.memory_space<hbm>> -> memref<128xf32, #tpu.memory_space<hbm>>
      %dma_wait3A_147 = tpu.memref_slice %arg7[%add3A_87] : memref<20480xf32, #tpu.memory_space<hbm>> -> memref<128xf32, #tpu.memory_space<hbm>>
      tpu.wait_dma2 semaphore(%run_scoped3A : memref<!tpu.dma_semaphore, #tpu.memory_space<semaphore_mem>>) src(%arg16 : memref<128xf32, #tpu.memory_space<vmem>>) dst(%dma_wait3A_147 : memref<128xf32, #tpu.memory_space<hbm>>)
      tpu.yield
    }) : () -> ()
    %add3A_88 = arith.constant 128 : i32
    %add3A_89 = arith.addi %mul3A_0, %add3A_88 : i32
    "tpu.region"() ({
      %run_scoped3A = tpu.sem_alloc : memref<!tpu.dma_semaphore, #tpu.memory_space<semaphore_mem>>
      %dma_start3A_144 = arith.constant 0 : i32
      %dma_start3A_145 = tpu.memref_slice %arg8[%add3A_89, %dma_start3A_144] : memref<10240x64xf32, #tpu.memory_space<vmem_shared>> -> memref<128x64xf32, #tpu.memory_space<vmem_shared>>
      %dma_start3A_146 = arith.constant 0 : i32
      %dma_start3A_147 = tpu.memref_slice %arg8[%add3A_89, %dma_start3A_146] : memref<10240x64xf32, #tpu.memory_space<vmem_shared>> -> memref<128x64xf32, #tpu.memory_space<vmem_shared>>
      tpu.enqueue_dma source(%dma_start3A_147 : memref<128x64xf32, #tpu.memory_space<vmem_shared>>) target(%arg18 : memref<128x64xf32, #tpu.memory_space<vmem>>) target_semaphore(%run_scoped3A : memref<!tpu.dma_semaphore, #tpu.memory_space<semaphore_mem>>)
      %dma_wait3A_148 = arith.constant 0 : i32
      %dma_wait3A_149 = tpu.memref_slice %arg8[%add3A_89, %dma_wait3A_148] : memref<10240x64xf32, #tpu.memory_space<vmem_shared>> -> memref<128x64xf32, #tpu.memory_space<vmem_shared>>
      %dma_wait3A_150 = arith.constant 0 : i32
      %dma_wait3A_151 = tpu.memref_slice %arg8[%add3A_89, %dma_wait3A_150] : memref<10240x64xf32, #tpu.memory_space<vmem_shared>> -> memref<128x64xf32, #tpu.memory_space<vmem_shared>>
      tpu.wait_dma2 semaphore(%run_scoped3A : memref<!tpu.dma_semaphore, #tpu.memory_space<semaphore_mem>>) src(%dma_wait3A_151 : memref<128x64xf32, #tpu.memory_space<vmem_shared>>) dst(%arg18 : memref<128x64xf32, #tpu.memory_space<vmem>>)
      tpu.yield
    }) : () -> ()
    %mul3A_90 = arith.constant 10240 : i32
    %mul3A_91 = arith.muli %arg0, %mul3A_90 : i32
    %add3A_92 = arith.addi %mul3A_91, %mul3A_0 : i32
    %add3A_93 = arith.constant 128 : i32
    %add3A_94 = arith.addi %add3A_92, %add3A_93 : i32
    "tpu.region"() ({
      %run_scoped3A = tpu.sem_alloc : memref<!tpu.dma_semaphore, #tpu.memory_space<semaphore_mem>>
      %dma_start3A_144 = arith.constant 0 : i32
      %dma_start3A_145 = tpu.memref_slice %arg6[%add3A_94, %dma_start3A_144] : memref<20480x64xf32, #tpu.memory_space<hbm>> -> memref<128x64xf32, #tpu.memory_space<hbm>>
      %dma_start3A_146 = arith.constant 0 : i32
      %dma_start3A_147 = tpu.memref_slice %arg6[%add3A_94, %dma_start3A_146] : memref<20480x64xf32, #tpu.memory_space<hbm>> -> memref<128x64xf32, #tpu.memory_space<hbm>>
      tpu.enqueue_dma source(%arg18 : memref<128x64xf32, #tpu.memory_space<vmem>>) target(%dma_start3A_147 : memref<128x64xf32, #tpu.memory_space<hbm>>) target_semaphore(%run_scoped3A : memref<!tpu.dma_semaphore, #tpu.memory_space<semaphore_mem>>)
      %dma_wait3A_148 = arith.constant 0 : i32
      %dma_wait3A_149 = tpu.memref_slice %arg6[%add3A_94, %dma_wait3A_148] : memref<20480x64xf32, #tpu.memory_space<hbm>> -> memref<128x64xf32, #tpu.memory_space<hbm>>
      %dma_wait3A_150 = arith.constant 0 : i32
      %dma_wait3A_151 = tpu.memref_slice %arg6[%add3A_94, %dma_wait3A_150] : memref<20480x64xf32, #tpu.memory_space<hbm>> -> memref<128x64xf32, #tpu.memory_space<hbm>>
      tpu.wait_dma2 semaphore(%run_scoped3A : memref<!tpu.dma_semaphore, #tpu.memory_space<semaphore_mem>>) src(%arg18 : memref<128x64xf32, #tpu.memory_space<vmem>>) dst(%dma_wait3A_151 : memref<128x64xf32, #tpu.memory_space<hbm>>)
      tpu.yield
    }) : () -> ()
    %add3A_95 = arith.constant 128 : i32
    %add3A_96 = arith.addi %mul3A_0, %add3A_95 : i32
    "tpu.region"() ({
      %run_scoped3A = tpu.sem_alloc : memref<!tpu.dma_semaphore, #tpu.memory_space<semaphore_mem>>
      %dma_start3A_144 = tpu.memref_slice %arg9[%add3A_96] : memref<10240xf32, #tpu.memory_space<vmem_shared>> -> memref<128xf32, #tpu.memory_space<vmem_shared>>
      %dma_start3A_145 = tpu.memref_slice %arg9[%add3A_96] : memref<10240xf32, #tpu.memory_space<vmem_shared>> -> memref<128xf32, #tpu.memory_space<vmem_shared>>
      tpu.enqueue_dma source(%dma_start3A_145 : memref<128xf32, #tpu.memory_space<vmem_shared>>) target(%arg16 : memref<128xf32, #tpu.memory_space<vmem>>) target_semaphore(%run_scoped3A : memref<!tpu.dma_semaphore, #tpu.memory_space<semaphore_mem>>)
      %dma_wait3A_146 = tpu.memref_slice %arg9[%add3A_96] : memref<10240xf32, #tpu.memory_space<vmem_shared>> -> memref<128xf32, #tpu.memory_space<vmem_shared>>
      %dma_wait3A_147 = tpu.memref_slice %arg9[%add3A_96] : memref<10240xf32, #tpu.memory_space<vmem_shared>> -> memref<128xf32, #tpu.memory_space<vmem_shared>>
      tpu.wait_dma2 semaphore(%run_scoped3A : memref<!tpu.dma_semaphore, #tpu.memory_space<semaphore_mem>>) src(%dma_wait3A_147 : memref<128xf32, #tpu.memory_space<vmem_shared>>) dst(%arg16 : memref<128xf32, #tpu.memory_space<vmem>>)
      tpu.yield
    }) : () -> ()
    %mul3A_97 = arith.constant 10240 : i32
    %mul3A_98 = arith.muli %arg0, %mul3A_97 : i32
    %add3A_99 = arith.addi %mul3A_98, %mul3A_0 : i32
    %add3A_100 = arith.constant 128 : i32
    %add3A_101 = arith.addi %add3A_99, %add3A_100 : i32
    "tpu.region"() ({
      %run_scoped3A = tpu.sem_alloc : memref<!tpu.dma_semaphore, #tpu.memory_space<semaphore_mem>>
      %dma_start3A_144 = tpu.memref_slice %arg7[%add3A_101] : memref<20480xf32, #tpu.memory_space<hbm>> -> memref<128xf32, #tpu.memory_space<hbm>>
      %dma_start3A_145 = tpu.memref_slice %arg7[%add3A_101] : memref<20480xf32, #tpu.memory_space<hbm>> -> memref<128xf32, #tpu.memory_space<hbm>>
      tpu.enqueue_dma source(%arg16 : memref<128xf32, #tpu.memory_space<vmem>>) target(%dma_start3A_145 : memref<128xf32, #tpu.memory_space<hbm>>) target_semaphore(%run_scoped3A : memref<!tpu.dma_semaphore, #tpu.memory_space<semaphore_mem>>)
      %dma_wait3A_146 = tpu.memref_slice %arg7[%add3A_101] : memref<20480xf32, #tpu.memory_space<hbm>> -> memref<128xf32, #tpu.memory_space<hbm>>
      %dma_wait3A_147 = tpu.memref_slice %arg7[%add3A_101] : memref<20480xf32, #tpu.memory_space<hbm>> -> memref<128xf32, #tpu.memory_space<hbm>>
      tpu.wait_dma2 semaphore(%run_scoped3A : memref<!tpu.dma_semaphore, #tpu.memory_space<semaphore_mem>>) src(%arg16 : memref<128xf32, #tpu.memory_space<vmem>>) dst(%dma_wait3A_147 : memref<128xf32, #tpu.memory_space<hbm>>)
      tpu.yield
    }) : () -> ()
    %add3A_102 = arith.constant 256 : i32
    %add3A_103 = arith.addi %mul3A_0, %add3A_102 : i32
    "tpu.region"() ({
      %run_scoped3A = tpu.sem_alloc : memref<!tpu.dma_semaphore, #tpu.memory_space<semaphore_mem>>
      %dma_start3A_144 = arith.constant 0 : i32
      %dma_start3A_145 = tpu.memref_slice %arg8[%add3A_103, %dma_start3A_144] : memref<10240x64xf32, #tpu.memory_space<vmem_shared>> -> memref<128x64xf32, #tpu.memory_space<vmem_shared>>
      %dma_start3A_146 = arith.constant 0 : i32
      %dma_start3A_147 = tpu.memref_slice %arg8[%add3A_103, %dma_start3A_146] : memref<10240x64xf32, #tpu.memory_space<vmem_shared>> -> memref<128x64xf32, #tpu.memory_space<vmem_shared>>
      tpu.enqueue_dma source(%dma_start3A_147 : memref<128x64xf32, #tpu.memory_space<vmem_shared>>) target(%arg18 : memref<128x64xf32, #tpu.memory_space<vmem>>) target_semaphore(%run_scoped3A : memref<!tpu.dma_semaphore, #tpu.memory_space<semaphore_mem>>)
      %dma_wait3A_148 = arith.constant 0 : i32
      %dma_wait3A_149 = tpu.memref_slice %arg8[%add3A_103, %dma_wait3A_148] : memref<10240x64xf32, #tpu.memory_space<vmem_shared>> -> memref<128x64xf32, #tpu.memory_space<vmem_shared>>
      %dma_wait3A_150 = arith.constant 0 : i32
      %dma_wait3A_151 = tpu.memref_slice %arg8[%add3A_103, %dma_wait3A_150] : memref<10240x64xf32, #tpu.memory_space<vmem_shared>> -> memref<128x64xf32, #tpu.memory_space<vmem_shared>>
      tpu.wait_dma2 semaphore(%run_scoped3A : memref<!tpu.dma_semaphore, #tpu.memory_space<semaphore_mem>>) src(%dma_wait3A_151 : memref<128x64xf32, #tpu.memory_space<vmem_shared>>) dst(%arg18 : memref<128x64xf32, #tpu.memory_space<vmem>>)
      tpu.yield
    }) : () -> ()
    %mul3A_104 = arith.constant 10240 : i32
    %mul3A_105 = arith.muli %arg0, %mul3A_104 : i32
    %add3A_106 = arith.addi %mul3A_105, %mul3A_0 : i32
    %add3A_107 = arith.constant 256 : i32
    %add3A_108 = arith.addi %add3A_106, %add3A_107 : i32
    "tpu.region"() ({
      %run_scoped3A = tpu.sem_alloc : memref<!tpu.dma_semaphore, #tpu.memory_space<semaphore_mem>>
      %dma_start3A_144 = arith.constant 0 : i32
      %dma_start3A_145 = tpu.memref_slice %arg6[%add3A_108, %dma_start3A_144] : memref<20480x64xf32, #tpu.memory_space<hbm>> -> memref<128x64xf32, #tpu.memory_space<hbm>>
      %dma_start3A_146 = arith.constant 0 : i32
      %dma_start3A_147 = tpu.memref_slice %arg6[%add3A_108, %dma_start3A_146] : memref<20480x64xf32, #tpu.memory_space<hbm>> -> memref<128x64xf32, #tpu.memory_space<hbm>>
      tpu.enqueue_dma source(%arg18 : memref<128x64xf32, #tpu.memory_space<vmem>>) target(%dma_start3A_147 : memref<128x64xf32, #tpu.memory_space<hbm>>) target_semaphore(%run_scoped3A : memref<!tpu.dma_semaphore, #tpu.memory_space<semaphore_mem>>)
      %dma_wait3A_148 = arith.constant 0 : i32
      %dma_wait3A_149 = tpu.memref_slice %arg6[%add3A_108, %dma_wait3A_148] : memref<20480x64xf32, #tpu.memory_space<hbm>> -> memref<128x64xf32, #tpu.memory_space<hbm>>
      %dma_wait3A_150 = arith.constant 0 : i32
      %dma_wait3A_151 = tpu.memref_slice %arg6[%add3A_108, %dma_wait3A_150] : memref<20480x64xf32, #tpu.memory_space<hbm>> -> memref<128x64xf32, #tpu.memory_space<hbm>>
      tpu.wait_dma2 semaphore(%run_scoped3A : memref<!tpu.dma_semaphore, #tpu.memory_space<semaphore_mem>>) src(%arg18 : memref<128x64xf32, #tpu.memory_space<vmem>>) dst(%dma_wait3A_151 : memref<128x64xf32, #tpu.memory_space<hbm>>)
      tpu.yield
    }) : () -> ()
    %add3A_109 = arith.constant 256 : i32
    %add3A_110 = arith.addi %mul3A_0, %add3A_109 : i32
    "tpu.region"() ({
      %run_scoped3A = tpu.sem_alloc : memref<!tpu.dma_semaphore, #tpu.memory_space<semaphore_mem>>
      %dma_start3A_144 = tpu.memref_slice %arg9[%add3A_110] : memref<10240xf32, #tpu.memory_space<vmem_shared>> -> memref<128xf32, #tpu.memory_space<vmem_shared>>
      %dma_start3A_145 = tpu.memref_slice %arg9[%add3A_110] : memref<10240xf32, #tpu.memory_space<vmem_shared>> -> memref<128xf32, #tpu.memory_space<vmem_shared>>
      tpu.enqueue_dma source(%dma_start3A_145 : memref<128xf32, #tpu.memory_space<vmem_shared>>) target(%arg16 : memref<128xf32, #tpu.memory_space<vmem>>) target_semaphore(%run_scoped3A : memref<!tpu.dma_semaphore, #tpu.memory_space<semaphore_mem>>)
      %dma_wait3A_146 = tpu.memref_slice %arg9[%add3A_110] : memref<10240xf32, #tpu.memory_space<vmem_shared>> -> memref<128xf32, #tpu.memory_space<vmem_shared>>
      %dma_wait3A_147 = tpu.memref_slice %arg9[%add3A_110] : memref<10240xf32, #tpu.memory_space<vmem_shared>> -> memref<128xf32, #tpu.memory_space<vmem_shared>>
      tpu.wait_dma2 semaphore(%run_scoped3A : memref<!tpu.dma_semaphore, #tpu.memory_space<semaphore_mem>>) src(%dma_wait3A_147 : memref<128xf32, #tpu.memory_space<vmem_shared>>) dst(%arg16 : memref<128xf32, #tpu.memory_space<vmem>>)
      tpu.yield
    }) : () -> ()
    %mul3A_111 = arith.constant 10240 : i32
    %mul3A_112 = arith.muli %arg0, %mul3A_111 : i32
    %add3A_113 = arith.addi %mul3A_112, %mul3A_0 : i32
    %add3A_114 = arith.constant 256 : i32
    %add3A_115 = arith.addi %add3A_113, %add3A_114 : i32
    "tpu.region"() ({
      %run_scoped3A = tpu.sem_alloc : memref<!tpu.dma_semaphore, #tpu.memory_space<semaphore_mem>>
      %dma_start3A_144 = tpu.memref_slice %arg7[%add3A_115] : memref<20480xf32, #tpu.memory_space<hbm>> -> memref<128xf32, #tpu.memory_space<hbm>>
      %dma_start3A_145 = tpu.memref_slice %arg7[%add3A_115] : memref<20480xf32, #tpu.memory_space<hbm>> -> memref<128xf32, #tpu.memory_space<hbm>>
      tpu.enqueue_dma source(%arg16 : memref<128xf32, #tpu.memory_space<vmem>>) target(%dma_start3A_145 : memref<128xf32, #tpu.memory_space<hbm>>) target_semaphore(%run_scoped3A : memref<!tpu.dma_semaphore, #tpu.memory_space<semaphore_mem>>)
      %dma_wait3A_146 = tpu.memref_slice %arg7[%add3A_115] : memref<20480xf32, #tpu.memory_space<hbm>> -> memref<128xf32, #tpu.memory_space<hbm>>
      %dma_wait3A_147 = tpu.memref_slice %arg7[%add3A_115] : memref<20480xf32, #tpu.memory_space<hbm>> -> memref<128xf32, #tpu.memory_space<hbm>>
      tpu.wait_dma2 semaphore(%run_scoped3A : memref<!tpu.dma_semaphore, #tpu.memory_space<semaphore_mem>>) src(%arg16 : memref<128xf32, #tpu.memory_space<vmem>>) dst(%dma_wait3A_147 : memref<128xf32, #tpu.memory_space<hbm>>)
      tpu.yield
    }) : () -> ()
    %add3A_116 = arith.constant 384 : i32
    %add3A_117 = arith.addi %mul3A_0, %add3A_116 : i32
    "tpu.region"() ({
      %run_scoped3A = tpu.sem_alloc : memref<!tpu.dma_semaphore, #tpu.memory_space<semaphore_mem>>
      %dma_start3A_144 = arith.constant 0 : i32
      %dma_start3A_145 = tpu.memref_slice %arg8[%add3A_117, %dma_start3A_144] : memref<10240x64xf32, #tpu.memory_space<vmem_shared>> -> memref<128x64xf32, #tpu.memory_space<vmem_shared>>
      %dma_start3A_146 = arith.constant 0 : i32
      %dma_start3A_147 = tpu.memref_slice %arg8[%add3A_117, %dma_start3A_146] : memref<10240x64xf32, #tpu.memory_space<vmem_shared>> -> memref<128x64xf32, #tpu.memory_space<vmem_shared>>
      tpu.enqueue_dma source(%dma_start3A_147 : memref<128x64xf32, #tpu.memory_space<vmem_shared>>) target(%arg18 : memref<128x64xf32, #tpu.memory_space<vmem>>) target_semaphore(%run_scoped3A : memref<!tpu.dma_semaphore, #tpu.memory_space<semaphore_mem>>)
      %dma_wait3A_148 = arith.constant 0 : i32
      %dma_wait3A_149 = tpu.memref_slice %arg8[%add3A_117, %dma_wait3A_148] : memref<10240x64xf32, #tpu.memory_space<vmem_shared>> -> memref<128x64xf32, #tpu.memory_space<vmem_shared>>
      %dma_wait3A_150 = arith.constant 0 : i32
      %dma_wait3A_151 = tpu.memref_slice %arg8[%add3A_117, %dma_wait3A_150] : memref<10240x64xf32, #tpu.memory_space<vmem_shared>> -> memref<128x64xf32, #tpu.memory_space<vmem_shared>>
      tpu.wait_dma2 semaphore(%run_scoped3A : memref<!tpu.dma_semaphore, #tpu.memory_space<semaphore_mem>>) src(%dma_wait3A_151 : memref<128x64xf32, #tpu.memory_space<vmem_shared>>) dst(%arg18 : memref<128x64xf32, #tpu.memory_space<vmem>>)
      tpu.yield
    }) : () -> ()
    %mul3A_118 = arith.constant 10240 : i32
    %mul3A_119 = arith.muli %arg0, %mul3A_118 : i32
    %add3A_120 = arith.addi %mul3A_119, %mul3A_0 : i32
    %add3A_121 = arith.constant 384 : i32
    %add3A_122 = arith.addi %add3A_120, %add3A_121 : i32
    "tpu.region"() ({
      %run_scoped3A = tpu.sem_alloc : memref<!tpu.dma_semaphore, #tpu.memory_space<semaphore_mem>>
      %dma_start3A_144 = arith.constant 0 : i32
      %dma_start3A_145 = tpu.memref_slice %arg6[%add3A_122, %dma_start3A_144] : memref<20480x64xf32, #tpu.memory_space<hbm>> -> memref<128x64xf32, #tpu.memory_space<hbm>>
      %dma_start3A_146 = arith.constant 0 : i32
      %dma_start3A_147 = tpu.memref_slice %arg6[%add3A_122, %dma_start3A_146] : memref<20480x64xf32, #tpu.memory_space<hbm>> -> memref<128x64xf32, #tpu.memory_space<hbm>>
      tpu.enqueue_dma source(%arg18 : memref<128x64xf32, #tpu.memory_space<vmem>>) target(%dma_start3A_147 : memref<128x64xf32, #tpu.memory_space<hbm>>) target_semaphore(%run_scoped3A : memref<!tpu.dma_semaphore, #tpu.memory_space<semaphore_mem>>)
      %dma_wait3A_148 = arith.constant 0 : i32
      %dma_wait3A_149 = tpu.memref_slice %arg6[%add3A_122, %dma_wait3A_148] : memref<20480x64xf32, #tpu.memory_space<hbm>> -> memref<128x64xf32, #tpu.memory_space<hbm>>
      %dma_wait3A_150 = arith.constant 0 : i32
      %dma_wait3A_151 = tpu.memref_slice %arg6[%add3A_122, %dma_wait3A_150] : memref<20480x64xf32, #tpu.memory_space<hbm>> -> memref<128x64xf32, #tpu.memory_space<hbm>>
      tpu.wait_dma2 semaphore(%run_scoped3A : memref<!tpu.dma_semaphore, #tpu.memory_space<semaphore_mem>>) src(%arg18 : memref<128x64xf32, #tpu.memory_space<vmem>>) dst(%dma_wait3A_151 : memref<128x64xf32, #tpu.memory_space<hbm>>)
      tpu.yield
    }) : () -> ()
    %add3A_123 = arith.constant 384 : i32
    %add3A_124 = arith.addi %mul3A_0, %add3A_123 : i32
    "tpu.region"() ({
      %run_scoped3A = tpu.sem_alloc : memref<!tpu.dma_semaphore, #tpu.memory_space<semaphore_mem>>
      %dma_start3A_144 = tpu.memref_slice %arg9[%add3A_124] : memref<10240xf32, #tpu.memory_space<vmem_shared>> -> memref<128xf32, #tpu.memory_space<vmem_shared>>
      %dma_start3A_145 = tpu.memref_slice %arg9[%add3A_124] : memref<10240xf32, #tpu.memory_space<vmem_shared>> -> memref<128xf32, #tpu.memory_space<vmem_shared>>
      tpu.enqueue_dma source(%dma_start3A_145 : memref<128xf32, #tpu.memory_space<vmem_shared>>) target(%arg16 : memref<128xf32, #tpu.memory_space<vmem>>) target_semaphore(%run_scoped3A : memref<!tpu.dma_semaphore, #tpu.memory_space<semaphore_mem>>)
      %dma_wait3A_146 = tpu.memref_slice %arg9[%add3A_124] : memref<10240xf32, #tpu.memory_space<vmem_shared>> -> memref<128xf32, #tpu.memory_space<vmem_shared>>
      %dma_wait3A_147 = tpu.memref_slice %arg9[%add3A_124] : memref<10240xf32, #tpu.memory_space<vmem_shared>> -> memref<128xf32, #tpu.memory_space<vmem_shared>>
      tpu.wait_dma2 semaphore(%run_scoped3A : memref<!tpu.dma_semaphore, #tpu.memory_space<semaphore_mem>>) src(%dma_wait3A_147 : memref<128xf32, #tpu.memory_space<vmem_shared>>) dst(%arg16 : memref<128xf32, #tpu.memory_space<vmem>>)
      tpu.yield
    }) : () -> ()
    %mul3A_125 = arith.constant 10240 : i32
    %mul3A_126 = arith.muli %arg0, %mul3A_125 : i32
    %add3A_127 = arith.addi %mul3A_126, %mul3A_0 : i32
    %add3A_128 = arith.constant 384 : i32
    %add3A_129 = arith.addi %add3A_127, %add3A_128 : i32
    "tpu.region"() ({
      %run_scoped3A = tpu.sem_alloc : memref<!tpu.dma_semaphore, #tpu.memory_space<semaphore_mem>>
      %dma_start3A_144 = tpu.memref_slice %arg7[%add3A_129] : memref<20480xf32, #tpu.memory_space<hbm>> -> memref<128xf32, #tpu.memory_space<hbm>>
      %dma_start3A_145 = tpu.memref_slice %arg7[%add3A_129] : memref<20480xf32, #tpu.memory_space<hbm>> -> memref<128xf32, #tpu.memory_space<hbm>>
      tpu.enqueue_dma source(%arg16 : memref<128xf32, #tpu.memory_space<vmem>>) target(%dma_start3A_145 : memref<128xf32, #tpu.memory_space<hbm>>) target_semaphore(%run_scoped3A : memref<!tpu.dma_semaphore, #tpu.memory_space<semaphore_mem>>)
      %dma_wait3A_146 = tpu.memref_slice %arg7[%add3A_129] : memref<20480xf32, #tpu.memory_space<hbm>> -> memref<128xf32, #tpu.memory_space<hbm>>
      %dma_wait3A_147 = tpu.memref_slice %arg7[%add3A_129] : memref<20480xf32, #tpu.memory_space<hbm>> -> memref<128xf32, #tpu.memory_space<hbm>>
      tpu.wait_dma2 semaphore(%run_scoped3A : memref<!tpu.dma_semaphore, #tpu.memory_space<semaphore_mem>>) src(%arg16 : memref<128xf32, #tpu.memory_space<vmem>>) dst(%dma_wait3A_147 : memref<128xf32, #tpu.memory_space<hbm>>)
      tpu.yield
    }) : () -> ()
    %add3A_130 = arith.constant 512 : i32
    %add3A_131 = arith.addi %mul3A_0, %add3A_130 : i32
    "tpu.region"() ({
      %run_scoped3A = tpu.sem_alloc : memref<!tpu.dma_semaphore, #tpu.memory_space<semaphore_mem>>
      %dma_start3A_144 = arith.constant 0 : i32
      %dma_start3A_145 = tpu.memref_slice %arg8[%add3A_131, %dma_start3A_144] : memref<10240x64xf32, #tpu.memory_space<vmem_shared>> -> memref<128x64xf32, #tpu.memory_space<vmem_shared>>
      %dma_start3A_146 = arith.constant 0 : i32
      %dma_start3A_147 = tpu.memref_slice %arg8[%add3A_131, %dma_start3A_146] : memref<10240x64xf32, #tpu.memory_space<vmem_shared>> -> memref<128x64xf32, #tpu.memory_space<vmem_shared>>
      tpu.enqueue_dma source(%dma_start3A_147 : memref<128x64xf32, #tpu.memory_space<vmem_shared>>) target(%arg18 : memref<128x64xf32, #tpu.memory_space<vmem>>) target_semaphore(%run_scoped3A : memref<!tpu.dma_semaphore, #tpu.memory_space<semaphore_mem>>)
      %dma_wait3A_148 = arith.constant 0 : i32
      %dma_wait3A_149 = tpu.memref_slice %arg8[%add3A_131, %dma_wait3A_148] : memref<10240x64xf32, #tpu.memory_space<vmem_shared>> -> memref<128x64xf32, #tpu.memory_space<vmem_shared>>
      %dma_wait3A_150 = arith.constant 0 : i32
      %dma_wait3A_151 = tpu.memref_slice %arg8[%add3A_131, %dma_wait3A_150] : memref<10240x64xf32, #tpu.memory_space<vmem_shared>> -> memref<128x64xf32, #tpu.memory_space<vmem_shared>>
      tpu.wait_dma2 semaphore(%run_scoped3A : memref<!tpu.dma_semaphore, #tpu.memory_space<semaphore_mem>>) src(%dma_wait3A_151 : memref<128x64xf32, #tpu.memory_space<vmem_shared>>) dst(%arg18 : memref<128x64xf32, #tpu.memory_space<vmem>>)
      tpu.yield
    }) : () -> ()
    %mul3A_132 = arith.constant 10240 : i32
    %mul3A_133 = arith.muli %arg0, %mul3A_132 : i32
    %add3A_134 = arith.addi %mul3A_133, %mul3A_0 : i32
    %add3A_135 = arith.constant 512 : i32
    %add3A_136 = arith.addi %add3A_134, %add3A_135 : i32
    "tpu.region"() ({
      %run_scoped3A = tpu.sem_alloc : memref<!tpu.dma_semaphore, #tpu.memory_space<semaphore_mem>>
      %dma_start3A_144 = arith.constant 0 : i32
      %dma_start3A_145 = tpu.memref_slice %arg6[%add3A_136, %dma_start3A_144] : memref<20480x64xf32, #tpu.memory_space<hbm>> -> memref<128x64xf32, #tpu.memory_space<hbm>>
      %dma_start3A_146 = arith.constant 0 : i32
      %dma_start3A_147 = tpu.memref_slice %arg6[%add3A_136, %dma_start3A_146] : memref<20480x64xf32, #tpu.memory_space<hbm>> -> memref<128x64xf32, #tpu.memory_space<hbm>>
      tpu.enqueue_dma source(%arg18 : memref<128x64xf32, #tpu.memory_space<vmem>>) target(%dma_start3A_147 : memref<128x64xf32, #tpu.memory_space<hbm>>) target_semaphore(%run_scoped3A : memref<!tpu.dma_semaphore, #tpu.memory_space<semaphore_mem>>)
      %dma_wait3A_148 = arith.constant 0 : i32
      %dma_wait3A_149 = tpu.memref_slice %arg6[%add3A_136, %dma_wait3A_148] : memref<20480x64xf32, #tpu.memory_space<hbm>> -> memref<128x64xf32, #tpu.memory_space<hbm>>
      %dma_wait3A_150 = arith.constant 0 : i32
      %dma_wait3A_151 = tpu.memref_slice %arg6[%add3A_136, %dma_wait3A_150] : memref<20480x64xf32, #tpu.memory_space<hbm>> -> memref<128x64xf32, #tpu.memory_space<hbm>>
      tpu.wait_dma2 semaphore(%run_scoped3A : memref<!tpu.dma_semaphore, #tpu.memory_space<semaphore_mem>>) src(%arg18 : memref<128x64xf32, #tpu.memory_space<vmem>>) dst(%dma_wait3A_151 : memref<128x64xf32, #tpu.memory_space<hbm>>)
      tpu.yield
    }) : () -> ()
    %add3A_137 = arith.constant 512 : i32
    %add3A_138 = arith.addi %mul3A_0, %add3A_137 : i32
    "tpu.region"() ({
      %run_scoped3A = tpu.sem_alloc : memref<!tpu.dma_semaphore, #tpu.memory_space<semaphore_mem>>
      %dma_start3A_144 = tpu.memref_slice %arg9[%add3A_138] : memref<10240xf32, #tpu.memory_space<vmem_shared>> -> memref<128xf32, #tpu.memory_space<vmem_shared>>
      %dma_start3A_145 = tpu.memref_slice %arg9[%add3A_138] : memref<10240xf32, #tpu.memory_space<vmem_shared>> -> memref<128xf32, #tpu.memory_space<vmem_shared>>
      tpu.enqueue_dma source(%dma_start3A_145 : memref<128xf32, #tpu.memory_space<vmem_shared>>) target(%arg16 : memref<128xf32, #tpu.memory_space<vmem>>) target_semaphore(%run_scoped3A : memref<!tpu.dma_semaphore, #tpu.memory_space<semaphore_mem>>)
      %dma_wait3A_146 = tpu.memref_slice %arg9[%add3A_138] : memref<10240xf32, #tpu.memory_space<vmem_shared>> -> memref<128xf32, #tpu.memory_space<vmem_shared>>
      %dma_wait3A_147 = tpu.memref_slice %arg9[%add3A_138] : memref<10240xf32, #tpu.memory_space<vmem_shared>> -> memref<128xf32, #tpu.memory_space<vmem_shared>>
      tpu.wait_dma2 semaphore(%run_scoped3A : memref<!tpu.dma_semaphore, #tpu.memory_space<semaphore_mem>>) src(%dma_wait3A_147 : memref<128xf32, #tpu.memory_space<vmem_shared>>) dst(%arg16 : memref<128xf32, #tpu.memory_space<vmem>>)
      tpu.yield
    }) : () -> ()
    %mul3A_139 = arith.constant 10240 : i32
    %mul3A_140 = arith.muli %arg0, %mul3A_139 : i32
    %add3A_141 = arith.addi %mul3A_140, %mul3A_0 : i32
    %add3A_142 = arith.constant 512 : i32
    %add3A_143 = arith.addi %add3A_141, %add3A_142 : i32
    "tpu.region"() ({
      %run_scoped3A = tpu.sem_alloc : memref<!tpu.dma_semaphore, #tpu.memory_space<semaphore_mem>>
      %dma_start3A_144 = tpu.memref_slice %arg7[%add3A_143] : memref<20480xf32, #tpu.memory_space<hbm>> -> memref<128xf32, #tpu.memory_space<hbm>>
      %dma_start3A_145 = tpu.memref_slice %arg7[%add3A_143] : memref<20480xf32, #tpu.memory_space<hbm>> -> memref<128xf32, #tpu.memory_space<hbm>>
      tpu.enqueue_dma source(%arg16 : memref<128xf32, #tpu.memory_space<vmem>>) target(%dma_start3A_145 : memref<128xf32, #tpu.memory_space<hbm>>) target_semaphore(%run_scoped3A : memref<!tpu.dma_semaphore, #tpu.memory_space<semaphore_mem>>)
      %dma_wait3A_146 = tpu.memref_slice %arg7[%add3A_143] : memref<20480xf32, #tpu.memory_space<hbm>> -> memref<128xf32, #tpu.memory_space<hbm>>
      %dma_wait3A_147 = tpu.memref_slice %arg7[%add3A_143] : memref<20480xf32, #tpu.memory_space<hbm>> -> memref<128xf32, #tpu.memory_space<hbm>>
      tpu.wait_dma2 semaphore(%run_scoped3A : memref<!tpu.dma_semaphore, #tpu.memory_space<semaphore_mem>>) src(%arg16 : memref<128xf32, #tpu.memory_space<vmem>>) dst(%dma_wait3A_147 : memref<128xf32, #tpu.memory_space<hbm>>)
      tpu.yield
    }) : () -> ()
    return
  }
}

module attributes {stable_mosaic.version = 14 : i64} {
  func.func @_tc1_body(%arg0: i32, %arg1: memref<512x128xf32, #tpu.memory_space<vmem>>, %arg2: memref<128x128xf32, #tpu.memory_space<vmem>>, %arg3: memref<1x128xf32, #tpu.memory_space<vmem>>, %arg4: memref<1x128xf32, #tpu.memory_space<vmem>>, %arg5: memref<2x512x64xf32, #tpu.memory_space<vmem>>, %arg6: memref<2x512xf32, #tpu.memory_space<vmem>>, %arg7: memref<2x512xf32, #tpu.memory_space<vmem>>) attributes {dimension_semantics = [#tpu.dimension_semantics<arbitrary>], iteration_bounds = array<i64: 20>, scalar_prefetch = 0 : i64, scratch_operands = 0 : i64, tpu.core_type = #tpu.core_type<tc>, window_params = [{transform_indices = @transform_0, window_bounds = array<i64: 512, 128>}, {pipeline_mode = #tpu.pipeline_mode<synchronous>, transform_indices = @transform_1, window_bounds = array<i64: 128, 128>}, {pipeline_mode = #tpu.pipeline_mode<synchronous>, transform_indices = @transform_2, window_bounds = array<i64: 1, 128>}, {pipeline_mode = #tpu.pipeline_mode<synchronous>, transform_indices = @transform_3, window_bounds = array<i64: 1, 128>}, {transform_indices = @transform_4, window_bounds = array<i64: 2, 512, 64>}, {transform_indices = @transform_5, window_bounds = array<i64: 2, 512>}, {transform_indices = @transform_6, window_bounds = array<i64: 2, 512>}]} {
    %get3A = arith.constant 0 : index
    %get3A_0 = arith.constant 0 : index
    %get3A_1 = vector.load %arg1[%get3A, %get3A_0] : memref<512x128xf32, #tpu.memory_space<vmem>>, vector<512x128xf32>
    %get3A_2 = arith.constant 0 : index
    %get3A_3 = arith.constant 0 : index
    %get3A_4 = vector.load %arg2[%get3A_2, %get3A_3] : memref<128x128xf32, #tpu.memory_space<vmem>>, vector<128x128xf32>
    %dot_general3A = arith.constant dense<0.000000e+00> : vector<512x128xf32>
    %dot_general3A_5 = tpu.matmul %get3A_1, %get3A_4, %dot_general3A {dimension_numbers = #tpu.dot_dimension_numbers<[1], [0], [0], [1], [0, 0, 1, 1], [], []>, transpose_lhs_hint = false} : vector<512x128xf32>, vector<128x128xf32>, vector<512x128xf32> -> vector<512x128xf32>
    %get3A_6 = arith.constant 0 : index
    %get3A_7 = arith.constant 0 : index
    %get3A_8 = vector.load %arg3[%get3A_6, %get3A_7] : memref<1x128xf32, #tpu.memory_space<vmem>>, vector<1x128xf32>
    %mul3A = vector.broadcast %get3A_8 : vector<1x128xf32> to vector<512x128xf32>
    %mul3A_9 = arith.mulf %dot_general3A_5, %mul3A : vector<512x128xf32>
    %get3A_10 = arith.constant 0 : index
    %get3A_11 = arith.constant 0 : index
    %get3A_12 = vector.load %arg4[%get3A_10, %get3A_11] : memref<1x128xf32, #tpu.memory_space<vmem>>, vector<1x128xf32>
    %mul3A_13 = vector.broadcast %get3A_12 : vector<1x128xf32> to vector<512x128xf32>
    %mul3A_14 = arith.mulf %dot_general3A_5, %mul3A_13 : vector<512x128xf32>
    %slice3A = vector.extract_strided_slice %dot_general3A_5 {offsets = [0, 0], sizes = [512, 64], strides = [1, 1]} : vector<512x128xf32> to vector<512x64xf32>
    %swap3A = arith.constant 0 : index
    %swap3A_15 = arith.constant 0 : index
    %swap3A_16 = arith.constant 0 : index
    %swap3A_17 = vector.load %arg5[%swap3A, %swap3A_15, %swap3A_16] : memref<2x512x64xf32, #tpu.memory_space<vmem>>, vector<1x512x64xf32>
    %swap3A_18 = vector.shape_cast %swap3A_17 : vector<1x512x64xf32> to vector<512x64xf32>
    %swap3A_19 = vector.shape_cast %slice3A : vector<512x64xf32> to vector<1x512x64xf32>
    tpu.vector_store %arg5[%swap3A, %swap3A_15, %swap3A_16], %swap3A_19 {strides = array<i32>} : memref<2x512x64xf32, #tpu.memory_space<vmem>>, vector<1x512x64xf32>,
    %slice3A_20 = vector.extract_strided_slice %dot_general3A_5 {offsets = [0, 64], sizes = [512, 64], strides = [1, 1]} : vector<512x128xf32> to vector<512x64xf32>
    %swap3A_21 = arith.constant 1 : index
    %swap3A_22 = arith.constant 0 : index
    %swap3A_23 = arith.constant 0 : index
    %swap3A_24 = vector.load %arg5[%swap3A_21, %swap3A_22, %swap3A_23] : memref<2x512x64xf32, #tpu.memory_space<vmem>>, vector<1x512x64xf32>
    %swap3A_25 = vector.shape_cast %swap3A_24 : vector<1x512x64xf32> to vector<512x64xf32>
    %swap3A_26 = vector.shape_cast %slice3A_20 : vector<512x64xf32> to vector<1x512x64xf32>
    tpu.vector_store %arg5[%swap3A_21, %swap3A_22, %swap3A_23], %swap3A_26 {strides = array<i32>} : memref<2x512x64xf32, #tpu.memory_space<vmem>>, vector<1x512x64xf32>,
    %slice3A_27 = vector.extract_strided_slice %mul3A_9 {offsets = [0, 0], sizes = [512, 64], strides = [1, 1]} : vector<512x128xf32> to vector<512x64xf32>
    %reduce_sum3A = arith.constant dense<0.000000e+00> : vector<512xf32>
    %reduce_sum3A_28 = vector.multi_reduction <add>, %slice3A_27, %reduce_sum3A [1] : vector<512x64xf32> to vector<512xf32>
    %swap3A_29 = arith.constant 0 : index
    %swap3A_30 = arith.constant 0 : index
    %swap3A_31 = vector.load %arg6[%swap3A_29, %swap3A_30] : memref<2x512xf32, #tpu.memory_space<vmem>>, vector<1x512xf32>
    %swap3A_32 = vector.shape_cast %swap3A_31 : vector<1x512xf32> to vector<512xf32>
    %swap3A_33 = vector.shape_cast %reduce_sum3A_28 : vector<512xf32> to vector<1x512xf32>
    tpu.vector_store %arg6[%swap3A_29, %swap3A_30], %swap3A_33 {strides = array<i32>} : memref<2x512xf32, #tpu.memory_space<vmem>>, vector<1x512xf32>,
    %slice3A_34 = vector.extract_strided_slice %mul3A_9 {offsets = [0, 64], sizes = [512, 64], strides = [1, 1]} : vector<512x128xf32> to vector<512x64xf32>
    %reduce_sum3A_35 = arith.constant dense<0.000000e+00> : vector<512xf32>
    %reduce_sum3A_36 = vector.multi_reduction <add>, %slice3A_34, %reduce_sum3A_35 [1] : vector<512x64xf32> to vector<512xf32>
    %swap3A_37 = arith.constant 1 : index
    %swap3A_38 = arith.constant 0 : index
    %swap3A_39 = vector.load %arg6[%swap3A_37, %swap3A_38] : memref<2x512xf32, #tpu.memory_space<vmem>>, vector<1x512xf32>
    %swap3A_40 = vector.shape_cast %swap3A_39 : vector<1x512xf32> to vector<512xf32>
    %swap3A_41 = vector.shape_cast %reduce_sum3A_36 : vector<512xf32> to vector<1x512xf32>
    tpu.vector_store %arg6[%swap3A_37, %swap3A_38], %swap3A_41 {strides = array<i32>} : memref<2x512xf32, #tpu.memory_space<vmem>>, vector<1x512xf32>,
    %slice3A_42 = vector.extract_strided_slice %mul3A_14 {offsets = [0, 0], sizes = [512, 64], strides = [1, 1]} : vector<512x128xf32> to vector<512x64xf32>
    %reduce_sum3A_43 = arith.constant dense<0.000000e+00> : vector<512xf32>
    %reduce_sum3A_44 = vector.multi_reduction <add>, %slice3A_42, %reduce_sum3A_43 [1] : vector<512x64xf32> to vector<512xf32>
    %swap3A_45 = arith.constant 0 : index
    %swap3A_46 = arith.constant 0 : index
    %swap3A_47 = vector.load %arg7[%swap3A_45, %swap3A_46] : memref<2x512xf32, #tpu.memory_space<vmem>>, vector<1x512xf32>
    %swap3A_48 = vector.shape_cast %swap3A_47 : vector<1x512xf32> to vector<512xf32>
    %swap3A_49 = vector.shape_cast %reduce_sum3A_44 : vector<512xf32> to vector<1x512xf32>
    tpu.vector_store %arg7[%swap3A_45, %swap3A_46], %swap3A_49 {strides = array<i32>} : memref<2x512xf32, #tpu.memory_space<vmem>>, vector<1x512xf32>,
    %slice3A_50 = vector.extract_strided_slice %mul3A_14 {offsets = [0, 64], sizes = [512, 64], strides = [1, 1]} : vector<512x128xf32> to vector<512x64xf32>
    %reduce_sum3A_51 = arith.constant dense<0.000000e+00> : vector<512xf32>
    %reduce_sum3A_52 = vector.multi_reduction <add>, %slice3A_50, %reduce_sum3A_51 [1] : vector<512x64xf32> to vector<512xf32>
    %swap3A_53 = arith.constant 1 : index
    %swap3A_54 = arith.constant 0 : index
    %swap3A_55 = vector.load %arg7[%swap3A_53, %swap3A_54] : memref<2x512xf32, #tpu.memory_space<vmem>>, vector<1x512xf32>
    %swap3A_56 = vector.shape_cast %swap3A_55 : vector<1x512xf32> to vector<512xf32>
    %swap3A_57 = vector.shape_cast %reduce_sum3A_52 : vector<512xf32> to vector<1x512xf32>
    tpu.vector_store %arg7[%swap3A_53, %swap3A_54], %swap3A_57 {strides = array<i32>} : memref<2x512xf32, #tpu.memory_space<vmem>>, vector<1x512xf32>,
    return
  }
  func.func @transform_0(%arg0: i32) -> (i32, i32) {
    %c0_i32 = arith.constant 0 : i32
    %c0_i32_0 = arith.constant 0 : i32
    return %arg0, %c0_i32 : i32, i32
  }
  func.func @transform_1(%arg0: i32) -> (i32, i32) {
    %c0_i32 = arith.constant 0 : i32
    %c0_i32_0 = arith.constant 0 : i32
    %c0_i32_1 = arith.constant 0 : i32
    return %c0_i32, %c0_i32_0 : i32, i32
  }
  func.func @transform_2(%arg0: i32) -> (i32, i32) {
    %c0_i32 = arith.constant 0 : i32
    %c0_i32_0 = arith.constant 0 : i32
    %c0_i32_1 = arith.constant 0 : i32
    return %c0_i32, %c0_i32_0 : i32, i32
  }
  func.func @transform_3(%arg0: i32) -> (i32, i32) {
    %c0_i32 = arith.constant 0 : i32
    %c0_i32_0 = arith.constant 0 : i32
    %c0_i32_1 = arith.constant 0 : i32
    return %c0_i32, %c0_i32_0 : i32, i32
  }
  func.func @transform_4(%arg0: i32) -> (i32, i32, i32) {
    %c0_i32 = arith.constant 0 : i32
    %c0_i32_0 = arith.constant 0 : i32
    %c0_i32_1 = arith.constant 0 : i32
    return %c0_i32, %arg0, %c0_i32_0 : i32, i32, i32
  }
  func.func @transform_5(%arg0: i32) -> (i32, i32) {
    %c0_i32 = arith.constant 0 : i32
    %c0_i32_0 = arith.constant 0 : i32
    return %c0_i32, %arg0 : i32, i32
  }
  func.func @transform_6(%arg0: i32) -> (i32, i32) {
    %c0_i32 = arith.constant 0 : i32
    %c0_i32_0 = arith.constant 0 : i32
    return %c0_i32, %arg0 : i32, i32
  }
}

module attributes {stable_mosaic.version = 14 : i64} {
  func.func @_tc2_body(%arg0: i32, %arg1: memref<2x512x64xf32, #tpu.memory_space<vmem>>, %arg2: memref<2x512xf32, #tpu.memory_space<vmem>>, %arg3: memref<1x128xf32, #tpu.memory_space<vmem>>, %arg4: memref<128x64xf32, #tpu.memory_space<vmem>>, %arg5: memref<1x64xf32, #tpu.memory_space<vmem>>, %arg6: memref<1x64xf32, #tpu.memory_space<vmem>>, %arg7: memref<512x64xf32, #tpu.memory_space<vmem>>, %arg8: memref<1x512xf32, #tpu.memory_space<vmem>>, %arg9: memref<1x512xf32, #tpu.memory_space<vmem>>) attributes {dimension_semantics = [#tpu.dimension_semantics<arbitrary>], iteration_bounds = array<i64: 20>, scalar_prefetch = 0 : i64, scratch_operands = 0 : i64, tpu.core_type = #tpu.core_type<tc>, window_params = [{transform_indices = @transform_0, window_bounds = array<i64: 2, 512, 64>}, {transform_indices = @transform_1, window_bounds = array<i64: 2, 512>}, {pipeline_mode = #tpu.pipeline_mode<synchronous>, transform_indices = @transform_2, window_bounds = array<i64: 1, 128>}, {pipeline_mode = #tpu.pipeline_mode<synchronous>, transform_indices = @transform_3, window_bounds = array<i64: 128, 64>}, {pipeline_mode = #tpu.pipeline_mode<synchronous>, transform_indices = @transform_4, window_bounds = array<i64: 1, 64>}, {pipeline_mode = #tpu.pipeline_mode<synchronous>, transform_indices = @transform_5, window_bounds = array<i64: 1, 64>}, {transform_indices = @transform_6, window_bounds = array<i64: 512, 64>}, {transform_indices = @transform_7, window_bounds = array<i64: 1, 512>}, {transform_indices = @transform_8, window_bounds = array<i64: 1, 512>}]} {
    %get3A = arith.constant 0 : index
    %get3A_0 = arith.constant 0 : index
    %get3A_1 = arith.constant 0 : index
    %get3A_2 = vector.load %arg1[%get3A, %get3A_0, %get3A_1] : memref<2x512x64xf32, #tpu.memory_space<vmem>>, vector<1x512x64xf32>
    %get3A_3 = vector.shape_cast %get3A_2 : vector<1x512x64xf32> to vector<512x64xf32>
    %get3A_4 = arith.constant 0 : index
    %get3A_5 = arith.constant 0 : index
    %get3A_6 = vector.load %arg2[%get3A_4, %get3A_5] : memref<2x512xf32, #tpu.memory_space<vmem>>, vector<1x512xf32>
    %get3A_7 = vector.shape_cast %get3A_6 : vector<1x512xf32> to vector<512xf32>
    %broadcast_in_dim3A = vector.shape_cast %get3A_7 : vector<512xf32> to vector<512x1xf32>
    %add3A = arith.constant 1.000000e-16 : f32
    %add3A_8 = vector.broadcast %add3A : f32 to vector<512x1xf32>
    %add3A_9 = arith.addf %broadcast_in_dim3A, %add3A_8 : vector<512x1xf32>
    %div3A = vector.broadcast %add3A_9 : vector<512x1xf32> to vector<512x64xf32>
    %div3A_10 = arith.divf %get3A_3, %div3A : vector<512x64xf32>
    %get3A_11 = arith.constant 1 : index
    %get3A_12 = arith.constant 0 : index
    %get3A_13 = arith.constant 0 : index
    %get3A_14 = vector.load %arg1[%get3A_11, %get3A_12, %get3A_13] : memref<2x512x64xf32, #tpu.memory_space<vmem>>, vector<1x512x64xf32>
    %get3A_15 = vector.shape_cast %get3A_14 : vector<1x512x64xf32> to vector<512x64xf32>
    %get3A_16 = arith.constant 1 : index
    %get3A_17 = arith.constant 0 : index
    %get3A_18 = vector.load %arg2[%get3A_16, %get3A_17] : memref<2x512xf32, #tpu.memory_space<vmem>>, vector<1x512xf32>
    %get3A_19 = vector.shape_cast %get3A_18 : vector<1x512xf32> to vector<512xf32>
    %broadcast_in_dim3A_20 = vector.shape_cast %get3A_19 : vector<512xf32> to vector<512x1xf32>
    %add3A_21 = arith.constant 1.000000e-16 : f32
    %add3A_22 = vector.broadcast %add3A_21 : f32 to vector<512x1xf32>
    %add3A_23 = arith.addf %broadcast_in_dim3A_20, %add3A_22 : vector<512x1xf32>
    %div3A_24 = vector.broadcast %add3A_23 : vector<512x1xf32> to vector<512x64xf32>
    %div3A_25 = arith.divf %get3A_15, %div3A_24 : vector<512x64xf32>
    %concatenate3A = tpu.concatenate %div3A_10, %div3A_25 in 1 : vector<512x64xf32>, vector<512x64xf32> -> vector<512x128xf32>
    %get3A_26 = arith.constant 0 : index
    %get3A_27 = arith.constant 0 : index
    %get3A_28 = vector.load %arg3[%get3A_26, %get3A_27] : memref<1x128xf32, #tpu.memory_space<vmem>>, vector<1x128xf32>
    %add3A_29 = vector.broadcast %get3A_28 : vector<1x128xf32> to vector<512x128xf32>
    %add3A_30 = arith.addf %concatenate3A, %add3A_29 : vector<512x128xf32>
    %max3A = arith.constant 0.000000e+00 : f32
    %max3A_31 = vector.broadcast %max3A : f32 to vector<512x128xf32>
    %max3A_32 = arith.maximumf %add3A_30, %max3A_31 : vector<512x128xf32>
    %get3A_33 = arith.constant 0 : index
    %get3A_34 = arith.constant 0 : index
    %get3A_35 = vector.load %arg4[%get3A_33, %get3A_34] : memref<128x64xf32, #tpu.memory_space<vmem>>, vector<128x64xf32>
    %dot_general3A = arith.constant dense<0.000000e+00> : vector<512x64xf32>
    %dot_general3A_36 = tpu.matmul %max3A_32, %get3A_35, %dot_general3A {dimension_numbers = #tpu.dot_dimension_numbers<[1], [0], [0], [1], [0, 0, 1, 1], [], []>, transpose_lhs_hint = false} : vector<512x128xf32>, vector<128x64xf32>, vector<512x64xf32> -> vector<512x64xf32>
    %swap3A = arith.constant 0 : index
    %swap3A_37 = arith.constant 0 : index
    %swap3A_38 = vector.load %arg7[%swap3A, %swap3A_37] : memref<512x64xf32, #tpu.memory_space<vmem>>, vector<512x64xf32>
    tpu.vector_store %arg7[%swap3A, %swap3A_37], %dot_general3A_36 {strides = array<i32>} : memref<512x64xf32, #tpu.memory_space<vmem>>, vector<512x64xf32>,
    %get3A_39 = arith.constant 0 : index
    %get3A_40 = arith.constant 0 : index
    %get3A_41 = vector.load %arg5[%get3A_39, %get3A_40] : memref<1x64xf32, #tpu.memory_space<vmem>>, vector<1x64xf32>
    %mul3A = vector.broadcast %get3A_41 : vector<1x64xf32> to vector<512x64xf32>
    %mul3A_42 = arith.mulf %dot_general3A_36, %mul3A : vector<512x64xf32>
    %reduce_sum3A = arith.constant dense<0.000000e+00> : vector<512xf32>
    %reduce_sum3A_43 = vector.multi_reduction <add>, %mul3A_42, %reduce_sum3A [1] : vector<512x64xf32> to vector<512xf32>
    %swap3A_44 = arith.constant 0 : index
    %swap3A_45 = arith.constant 0 : index
    %swap3A_46 = vector.load %arg8[%swap3A_44, %swap3A_45] : memref<1x512xf32, #tpu.memory_space<vmem>>, vector<1x512xf32>
    %swap3A_47 = vector.shape_cast %swap3A_46 : vector<1x512xf32> to vector<512xf32>
    %swap3A_48 = vector.shape_cast %reduce_sum3A_43 : vector<512xf32> to vector<1x512xf32>
    tpu.vector_store %arg8[%swap3A_44, %swap3A_45], %swap3A_48 {strides = array<i32>} : memref<1x512xf32, #tpu.memory_space<vmem>>, vector<1x512xf32>,
    %get3A_49 = arith.constant 0 : index
    %get3A_50 = arith.constant 0 : index
    %get3A_51 = vector.load %arg6[%get3A_49, %get3A_50] : memref<1x64xf32, #tpu.memory_space<vmem>>, vector<1x64xf32>
    %mul3A_52 = vector.broadcast %get3A_51 : vector<1x64xf32> to vector<512x64xf32>
    %mul3A_53 = arith.mulf %dot_general3A_36, %mul3A_52 : vector<512x64xf32>
    %reduce_sum3A_54 = arith.constant dense<0.000000e+00> : vector<512xf32>
    %reduce_sum3A_55 = vector.multi_reduction <add>, %mul3A_53, %reduce_sum3A_54 [1] : vector<512x64xf32> to vector<512xf32>
    %swap3A_56 = arith.constant 0 : index
    %swap3A_57 = arith.constant 0 : index
    %swap3A_58 = vector.load %arg9[%swap3A_56, %swap3A_57] : memref<1x512xf32, #tpu.memory_space<vmem>>, vector<1x512xf32>
    %swap3A_59 = vector.shape_cast %swap3A_58 : vector<1x512xf32> to vector<512xf32>
    %swap3A_60 = vector.shape_cast %reduce_sum3A_55 : vector<512xf32> to vector<1x512xf32>
    tpu.vector_store %arg9[%swap3A_56, %swap3A_57], %swap3A_60 {strides = array<i32>} : memref<1x512xf32, #tpu.memory_space<vmem>>, vector<1x512xf32>,
    return
  }
  func.func @transform_0(%arg0: i32) -> (i32, i32, i32) {
    %c0_i32 = arith.constant 0 : i32
    %c0_i32_0 = arith.constant 0 : i32
    %c0_i32_1 = arith.constant 0 : i32
    return %c0_i32, %arg0, %c0_i32_0 : i32, i32, i32
  }
  func.func @transform_1(%arg0: i32) -> (i32, i32) {
    %c0_i32 = arith.constant 0 : i32
    %c0_i32_0 = arith.constant 0 : i32
    return %c0_i32, %arg0 : i32, i32
  }
  func.func @transform_2(%arg0: i32) -> (i32, i32) {
    %c0_i32 = arith.constant 0 : i32
    %c0_i32_0 = arith.constant 0 : i32
    %c0_i32_1 = arith.constant 0 : i32
    return %c0_i32, %c0_i32_0 : i32, i32
  }
  func.func @transform_3(%arg0: i32) -> (i32, i32) {
    %c0_i32 = arith.constant 0 : i32
    %c0_i32_0 = arith.constant 0 : i32
    %c0_i32_1 = arith.constant 0 : i32
    return %c0_i32, %c0_i32_0 : i32, i32
  }
  func.func @transform_4(%arg0: i32) -> (i32, i32) {
    %c0_i32 = arith.constant 0 : i32
    %c0_i32_0 = arith.constant 0 : i32
    %c0_i32_1 = arith.constant 0 : i32
    return %c0_i32, %c0_i32_0 : i32, i32
  }
  func.func @transform_5(%arg0: i32) -> (i32, i32) {
    %c0_i32 = arith.constant 0 : i32
    %c0_i32_0 = arith.constant 0 : i32
    %c0_i32_1 = arith.constant 0 : i32
    return %c0_i32, %c0_i32_0 : i32, i32
  }
  func.func @transform_6(%arg0: i32) -> (i32, i32) {
    %c0_i32 = arith.constant 0 : i32
    %c0_i32_0 = arith.constant 0 : i32
    return %arg0, %c0_i32 : i32, i32
  }
  func.func @transform_7(%arg0: i32) -> (i32, i32) {
    %c0_i32 = arith.constant 0 : i32
    %c0_i32_0 = arith.constant 0 : i32
    return %c0_i32, %arg0 : i32, i32
  }
  func.func @transform_8(%arg0: i32) -> (i32, i32) {
    %c0_i32 = arith.constant 0 : i32
    %c0_i32_0 = arith.constant 0 : i32
    return %c0_i32, %arg0 : i32, i32
  }
}

module attributes {stable_mosaic.version = 14 : i64} {
  func.func @_tc3_body(%arg0: i32, %arg1: memref<2x512x64xf32, #tpu.memory_space<vmem>>, %arg2: memref<2x512xf32, #tpu.memory_space<vmem>>, %arg3: memref<1x64xf32, #tpu.memory_space<vmem>>, %arg4: memref<512x64xf32, #tpu.memory_space<vmem>>) attributes {dimension_semantics = [#tpu.dimension_semantics<arbitrary>], iteration_bounds = array<i64: 20>, scalar_prefetch = 0 : i64, scratch_operands = 0 : i64, tpu.core_type = #tpu.core_type<tc>, window_params = [{transform_indices = @transform_0, window_bounds = array<i64: 2, 512, 64>}, {transform_indices = @transform_1, window_bounds = array<i64: 2, 512>}, {pipeline_mode = #tpu.pipeline_mode<synchronous>, transform_indices = @transform_2, window_bounds = array<i64: 1, 64>}, {transform_indices = @transform_3, window_bounds = array<i64: 512, 64>}]} {
    %get3A = arith.constant 0 : index
    %get3A_0 = arith.constant 0 : index
    %get3A_1 = vector.load %arg2[%get3A, %get3A_0] : memref<2x512xf32, #tpu.memory_space<vmem>>, vector<1x512xf32>
    %get3A_2 = vector.shape_cast %get3A_1 : vector<1x512xf32> to vector<512xf32>
    %get3A_3 = arith.constant 1 : index
    %get3A_4 = arith.constant 0 : index
    %get3A_5 = vector.load %arg2[%get3A_3, %get3A_4] : memref<2x512xf32, #tpu.memory_space<vmem>>, vector<1x512xf32>
    %get3A_6 = vector.shape_cast %get3A_5 : vector<1x512xf32> to vector<512xf32>
    %add3A = arith.addf %get3A_2, %get3A_6 : vector<512xf32>
    %add3A_7 = arith.constant 1.000000e-16 : f32
    %add3A_8 = vector.broadcast %add3A_7 : f32 to vector<512xf32>
    %add3A_9 = arith.addf %add3A, %add3A_8 : vector<512xf32>
    %get3A_10 = arith.constant 0 : index
    %get3A_11 = arith.constant 0 : index
    %get3A_12 = arith.constant 0 : index
    %get3A_13 = vector.load %arg1[%get3A_10, %get3A_11, %get3A_12] : memref<2x512x64xf32, #tpu.memory_space<vmem>>, vector<1x512x64xf32>
    %get3A_14 = vector.shape_cast %get3A_13 : vector<1x512x64xf32> to vector<512x64xf32>
    %get3A_15 = arith.constant 1 : index
    %get3A_16 = arith.constant 0 : index
    %get3A_17 = arith.constant 0 : index
    %get3A_18 = vector.load %arg1[%get3A_15, %get3A_16, %get3A_17] : memref<2x512x64xf32, #tpu.memory_space<vmem>>, vector<1x512x64xf32>
    %get3A_19 = vector.shape_cast %get3A_18 : vector<1x512x64xf32> to vector<512x64xf32>
    %add3A_20 = arith.addf %get3A_14, %get3A_19 : vector<512x64xf32>
    %broadcast_in_dim3A = vector.shape_cast %add3A_9 : vector<512xf32> to vector<512x1xf32>
    %div3A = vector.broadcast %broadcast_in_dim3A : vector<512x1xf32> to vector<512x64xf32>
    %div3A_21 = arith.divf %add3A_20, %div3A : vector<512x64xf32>
    %get3A_22 = arith.constant 0 : index
    %get3A_23 = arith.constant 0 : index
    %get3A_24 = vector.load %arg3[%get3A_22, %get3A_23] : memref<1x64xf32, #tpu.memory_space<vmem>>, vector<1x64xf32>
    %add3A_25 = vector.broadcast %get3A_24 : vector<1x64xf32> to vector<512x64xf32>
    %add3A_26 = arith.addf %div3A_21, %add3A_25 : vector<512x64xf32>
    %swap3A = arith.constant 0 : index
    %swap3A_27 = arith.constant 0 : index
    %swap3A_28 = vector.load %arg4[%swap3A, %swap3A_27] : memref<512x64xf32, #tpu.memory_space<vmem>>, vector<512x64xf32>
    tpu.vector_store %arg4[%swap3A, %swap3A_27], %add3A_26 {strides = array<i32>} : memref<512x64xf32, #tpu.memory_space<vmem>>, vector<512x64xf32>,
    return
  }
  func.func @transform_0(%arg0: i32) -> (i32, i32, i32) {
    %c0_i32 = arith.constant 0 : i32
    %c0_i32_0 = arith.constant 0 : i32
    %c0_i32_1 = arith.constant 0 : i32
    return %c0_i32, %arg0, %c0_i32_0 : i32, i32, i32
  }
  func.func @transform_1(%arg0: i32) -> (i32, i32) {
    %c0_i32 = arith.constant 0 : i32
    %c0_i32_0 = arith.constant 0 : i32
    return %c0_i32, %arg0 : i32, i32
  }
  func.func @transform_2(%arg0: i32) -> (i32, i32) {
    %c0_i32 = arith.constant 0 : i32
    %c0_i32_0 = arith.constant 0 : i32
    %c0_i32_1 = arith.constant 0 : i32
    return %c0_i32, %c0_i32_0 : i32, i32
  }
  func.func @transform_3(%arg0: i32) -> (i32, i32) {
    %c0_i32 = arith.constant 0 : i32
    %c0_i32_0 = arith.constant 0 : i32
    return %arg0, %c0_i32 : i32, i32
  }
}

</mosaic_0001>

<sc_bundles>
// kernel: kernel.10.cloned.1.call-start
scs
__scs_entry_jumppad:
0x0: {  	(pc) =	sbr.rel $0x88, $3  }
0x1: {  	(tag) =	ssettag $0x0;
	lr =	simm.s32 $0x1  }
0x2: {  	[smem:$0x3F97] =	sst lr;
	_ =	strace $0xD0000000  }
0x3: {  	_ = 	snop  }
0x4: {  	_ = 	snop  }
0x5: {  	_ = 	snop  }
0x6: {  	_ = 	snop  }
0x7: {  	_ = 	snop  }
__scs_overlays_trampoline_lowered:
0x8: {  	[smem:$0x3FA6] =	sst s0  }
0x9: {  	[smem:$0x3FA7] =	sst s1  }
0xa: {  	[smem:$0x3FA8] =	sst s2  }
0xb: {  	[smem:$0x3FA9] =	sst s3  }
0xc: {  	[smem:$0x3FAA] =	sst s4  }
0xd: {  	[smem:$0x3FAB] =	sst s5  }
0xe: {  	[smem:$0x3FAC] =	sst s6  }
0xf: {  	[smem:$0x3FAD] =	sst s7  }
0x10: {  	[smem:$0x3FAE] =	sst s8  }
0x11: {  	[smem:$0x3FAF] =	sst s9;
	s0 =	simm.s32 @!p0 $0x0  }
0x12: {  	s1 =	sld [smem:$0x3F95];
	s0 =	simm.s32 @p0 $0x1  }
0x13: {  	[smem:$0x3FB0] =	sst s0;
	s0 =	simm.s32 @!p1 $0x0  }
0x14: {  	s2 =	sld [smem:$0x3F94];
	s0 =	simm.s32 @p1 $0x1  }
0x15: {  	[smem:$0x3FB1] =	sst s0;
	s0 =	simm.s32 @!p2 $0x0  }
0x16: {  	s3 =	sld [smem:$0x3FDB];
	s0 =	simm.s32 @p2 $0x1  }
0x17: {  	s4 =	simm.s32 $0x1BF5;
	[smem:$0x3FB3] =	sst s0  }
0x18: {  	s0 =	sld [smem:$0x3F96];
	_ =	swait.ge [sflag:s4], $0x0  }
0x19: {  	s7 =	sld [smem:$0x3F97]  }
0x1a: {  	s8 =	sadd.s32 $0xFFFFE003, lr  }
0x1b: {  	s9 =	sadd.s32 $0xFFFFFEF7, lr;
	s5 =	simm.s32 $0xFFFFFFFF;
	p2 =	slt.u32 s8, $0xFFFFF086  }
0x1c: {  	p1 =	slt.u32 s9, $0xF7A;
	s5 =	simm.s32 @!p2 $0x0  }
0x1d: {  	s5 =	simm.s32 @p1 $0x1;
	p0 =	seq.s32 s7, s2  }
0x1e: {  	s7 =	smul.u32 @!p0 $0xF7A, s2;
	p2 =	seq.s32 @!p0 s5, $0x0  }
0x1f: {  	s9 =	smul.u32 $0xF7A, s1;
	s8 =	simm.s32 @!p0 $0x1BF5;
	p2 =	por !p2, p0  }
0x20: {  	[sflag:s8] =	ssyncset.s32 @!p0 $0xFFFFF086;
	s6 =	sadd.s32 @!p0 s3, s7;
	s7 =	simm.s32 @!p0 $0x108  }
0x21: {  	s3 =	sadd.s32 s3, s9;
	s6 =	sadd.s32 @!p0 $0x88, s6;
	s7 =	simm.s32 @p2 $0x1082  }
0x22: {  	[simem:s7], [sflag:s8] =	dma.local @!p0 [hbm:s6], $0xF7A  }
0x23: {  	s9 =	sor.u32 $0xD0000000, s2;
	s6 =	simm.s32 $0x108;
	_ =	swait.ge @!p0 [sflag:s8], $0x0  }
0x24: {  	s3 =	sadd.s32 $0x88, s3;
	s6 =	simm.s32 @!p1 $0x1082;
	[sflag:s4] =	ssyncset.s32 $0xFFFFF086  }
0x25: {  	[simem:s6], [sflag:s4] =	dma.local [hbm:s3], $0xF7A  }
0x26: {  	[smem:$0x3F97] =	sst s1;
	(tag) =	ssettag s2;
	_ =	strace s9  }
0x27: {  	s1 =	sld [smem:$0x3FA7]  }
0x28: {  	s2 =	sld [smem:$0x3FA8]  }
0x29: {  	s4 =	sld [smem:$0x3FAA]  }
0x2a: {  	p0 =	seq.s32 s5, $0x0;
	s5 =	sld [smem:$0x3FAB]  }
0x2b: {  	s6 =	sld [smem:$0x3FAC]  }
0x2c: {  	s7 =	sld [smem:$0x3FAD]  }
0x2d: {  	s3 =	simm.s32 $0x108;
	s8 =	sld [smem:$0x3FAE]  }
0x2e: {  	s3 =	simm.s32 @!p0 $0x1082;
	s9 =	sld [smem:$0x3FAF]  }
0x2f: {  	lr =	sadd.s32 s0, s3;
	s0 =	sld [smem:$0x3FA6]  }
0x30: {  	s3 =	sld [smem:$0x3FA9]  }
0x31: {  	[smem:$0x3FB2] =	sst s10  }
0x32: {  	s10 =	sld [smem:$0x3FB0];
	_ =	sdelay $0x3  }
0x33: {  	p0 =	seq.s32 s10, $0x1;
	s10 =	sld [smem:$0x3FB2];
	_ =	sdelay $0x3  }
0x34: {  	[smem:$0x3FB2] =	sst s10  }
0x35: {  	s10 =	sld [smem:$0x3FB1];
	_ =	sdelay $0x3  }
0x36: {  	p1 =	seq.s32 s10, $0x1;
	s10 =	sld [smem:$0x3FB2];
	_ =	sdelay $0x3  }
0x37: {  	[smem:$0x3FB2] =	sst s10  }
0x38: {  	s10 =	sld [smem:$0x3FB3]  }
0x39: {  	_ = 	snop;
	(pc) =	sbr.ind lr, $3  }
0x3a: {  	_ = 	snop  }
0x3b: {  	_ = 	snop  }
0x3c: {  	p2 =	seq.s32 s10, $0x1;
	s10 =	sld [smem:$0x3FB2]  }
0x3d: {  	_ =	shalt  }
0x3e: {  	_ =	shalt  }
0x3f: {  	_ =	shalt  }
0x40: {  	_ =	shalt  }
0x41: {  	_ =	shalt  }
0x42: {  	_ =	shalt  }
0x43: {  	_ =	shalt  }
0x44: {  	_ =	shalt  }
0x45: {  	_ =	shalt  }
0x46: {  	_ =	shalt  }
0x47: {  	_ =	shalt  }
0x48: {  	_ =	shalt  }
0x49: {  	_ =	shalt  }
0x4a: {  	_ =	shalt  }
0x4b: {  	_ =	shalt  }
0x4c: {  	_ =	shalt  }
0x4d: {  	_ =	shalt  }
0x4e: {  	_ =	shalt  }
0x4f: {  	_ =	shalt  }
0x50: {  	_ =	shalt  }
0x51: {  	_ =	shalt  }
0x52: {  	_ =	shalt  }
0x53: {  	_ =	shalt  }
0x54: {  	_ =	shalt  }
0x55: {  	_ =	shalt  }
0x56: {  	_ =	shalt  }
0x57: {  	_ =	shalt  }
0x58: {  	_ =	shalt  }
0x59: {  	_ =	shalt  }
0x5a: {  	_ =	shalt  }
0x5b: {  	_ =	shalt  }
0x5c: {  	_ =	shalt  }
0x5d: {  	_ =	shalt  }
0x5e: {  	_ =	shalt  }
0x5f: {  	_ =	shalt  }
0x60: {  	_ =	shalt  }
0x61: {  	_ =	shalt  }
0x62: {  	_ =	shalt  }
0x63: {  	_ =	shalt  }
0x64: {  	_ =	shalt  }
0x65: {  	_ =	shalt  }
0x66: {  	_ =	shalt  }
0x67: {  	_ =	shalt  }
0x68: {  	_ =	shalt  }
0x69: {  	_ =	shalt  }
0x6a: {  	_ =	shalt  }
0x6b: {  	_ =	shalt  }
0x6c: {  	_ =	shalt  }
0x6d: {  	_ =	shalt  }
0x6e: {  	_ =	shalt  }
0x6f: {  	_ =	shalt  }
0x70: {  	_ =	shalt  }
0x71: {  	_ =	shalt  }
0x72: {  	_ =	shalt  }
0x73: {  	_ =	shalt  }
0x74: {  	_ =	shalt  }
0x75: {  	_ =	shalt  }
0x76: {  	_ =	shalt  }
0x77: {  	_ =	shalt  }
0x78: {  	_ =	shalt  }
0x79: {  	_ =	shalt  }
0x7a: {  	_ =	shalt  }
0x7b: {  	_ =	shalt  }
0x7c: {  	_ =	shalt  }
0x7d: {  	_ =	shalt  }
0x7e: {  	_ =	shalt  }
0x7f: {  	_ =	shalt  }
0x80: {  	_ =	shalt  }
0x81: {  	_ =	shalt  }
0x82: {  	_ =	shalt  }
0x83: {  	_ =	shalt  }
0x84: {  	_ =	shalt  }
0x85: {  	_ =	shalt  }
0x86: {  	_ =	shalt  }
0x87: {  	_ =	shalt  }
.Lfunc_end0:
.L_simem_size_0:
called_computation.1_lowered:
.L_overlay_start_0:
0x88: {  	s2 =	sld [smem:$0x3FD9]  }
0x89: {  	s3 =	sld [smem:$0x3FFE];
	_ =	sdelay $0x1  }
0x8a: {  	s1 =	srdreg.scid  }
0x8b: {  	s0 =	sand.u32 $0x1, s1  }
0x8c: {  	s17 =	sshll.u32 s0, $0xA;
	s2 =	sadd.s32 s3, s2  }
0x8d: {  	s2 =	sadd.s32 s2, s17  }
0x8e: {  	[smem:$0x3FBE] =	sst s2  }
0x8f: {  	_ = 	snop  }
0x90: {  	s2 =	sld [smem:$0x3FD0];
	(tm) =	ssettm $0x1  }
0x91: {  	s18 =	sld [smem:$0x3FFB];
	_ =	sdelay $0x3  }
0x92: {  	_ =	strace s18  }
0x93: {  	s3 =	sld [smem:$0x3FFC];
	_ =	sdelay $0x3  }
0x94: {  	_ =	strace s3  }
0x95: {  	s3 =	sld [smem:$0x3FFD];
	_ =	sdelay $0x3  }
0x96: {  	_ =	strace s3  }
0x97: {  	_ =	strace $0x8FFFFFFF  }
0x98: {  	s19 =	sld [smem:$0x3FDB];
	_ =	sdelay $0x1  }
0x99: {  	s4 =	simm.s32 $_scs_section_size  }
0x9a: {  	s5 =	simm.s32 $_size__tile_overlayer_lowered;
	s6 =	simm.s32 $_tile_overlayer_lowered  }
0x9b: {  	s22 =	simm.s32 $0x1BFF;
	s21 =	sshll.u32 s6, $0x1;
	s3 =	sadd.s32 s4, s19  }
0x9c: {  	s7 =	simm.s32 $0x0;
	s20 =	sshll.u32 s5, $0x1;
	s5 =	sadd.s32 s21, s3  }
0x9d: {  	[timem:s7], [sflag:s22] =	dma.local [hbm:s5], s20  }
0x9e: {  	_ =	swait.ge [sflag:s22], s20  }
0x9f: {  	s4 =	ssub.s32 $0x0, s20;
	[sflag:s22] =	ssyncset.done $0x0  }
0xa0: {  	[sflag:s22] =	ssyncadd.s32 s4;
	_ =	sdelay $0x1  }
0xa1: {  	s23 =	simm.s32 $0x1B8B  }
0xa2: {  	_ =	swait.ge [sflag:s23], $0x1  }
0xa3: {  	[sflag:s23] =	ssyncset.done $0x0  }
0xa4: {  	s25 =	simm.s32 $0x1B8E;
	s24 =	sld [smem:$0x3FFE];
	[sflag:s23] =	ssyncadd.s32 $0xFFFFFFFF  }
0xa5: {  	s26 =	simm.s32 $execute0_lowered;
	[smem:$0x3FD2] =	sst s25  }
0xa6: {  	s5 =	sshll.u32 s26, $0x1;
	_ =	strace $0x80000049;
	[dreg:$0x1] =	wrdreg $0xFFFFFFFF  }
0xa7: {  	s28 =	simm.s32 $_size_execute0_lowered;
	s3 =	sadd.s32 s3, s5;
	[dreg:$0x0] =	wrdreg $0x0  }
0xa8: {  	s5 =	sshll.u32 s28, $0x1;
	[dreg:$0x2] =	wrdreg s3  }
0xa9: {  	[dreg:$0x3] =	wrdreg s5  }
0xaa: {  	[dreg:$0x4] =	wrdreg $0xC0  }
0xab: {  	_ =	task [dreg:s7], $0x5FFFF  }
0xac: {  	[dreg:$0x1] =	wrdreg $0xFFFFFFFF  }
0xad: {  	[dreg:$0x0] =	wrdreg $0x60  }
0xae: {  	[dreg:$0x2] =	wrdreg s24  }
0xaf: {  	[dreg:$0x3] =	wrdreg s2  }
0xb0: {  	[dreg:$0x4] =	wrdreg $0x0  }
0xb1: {  	[dreg:$0x5] =	wrdreg $0xA0000  }
0xb2: {  	[dreg:$0x6] =	wrdreg $0x9  }
0xb3: {  	_ =	task.clear_ibuf [dreg:s7], $0x7FFFF;
	_ =	strace $0x90000049  }
0xb4: {  	s29 =	simm.s32 $0x9;
	_ =	strace $0x8000004B  }
0xb5: {  	_ =	swait.ge [sflag:s29], $0x1  }
0xb6: {  	[sflag:s29] =	ssyncadd.s32 $0xFFFFFFFF  }
0xb7: {  	_ =	strace $0x9000004B  }
0xb8: {  	_ =	sfence  }
0xb9: {  	s30 =	sld [smem:$0x0];
	_ =	sdelay $0x2  }
0xba: {  	s31 =	sshll.u32 s1, $0xD;
	s1 =	sshrl.u32 s1, $0x2  }
0xbb: {  	s3 =	sand.u32 $0x4000, s31;
	s1 =	sadd.s32 s1, s30  }
0xbc: {  	s0 =	sor.u32 s3, s0;
	s1 =	sshll.u32 s1, $0x11  }
0xbd: {  	s0 =	sor.u32 s1, s0  }
0xbe: {  	s0 =	sadd.s32 $0x8F2B, s0  }
0xbf: {  	[sflag:s0] =	ssyncadd.remote.s32 $0x1  }
0xc0: {  	_ =	sfence.sel $0xFFFF  }
0xc1: {  	[dreg:$0x0] =	wrdreg $0xFFFFFFFF;
	(pc) =	sbr.abs _section_cstart, $3  }
0xc2: {  	[dreg:$0x1] =	wrdreg $0xFFFFFFFF  }
0xc3: {  	_ =	task.clear_ibuf [dreg:s7], $0x2FFFF;
	_ =	strace $0x9FFFFFFF  }
0xc4: {  	(tm) =	ssettm $0x7FFFFFFF  }
0xc5: {  	_ =	shalt  }
tec
execute0_lowered:
.L_overlay_start_1:
0x0: {  	(tag) =	ssettag $0x1  }
0x1: {  	s0 =	rddreg [dreg:$0x0]  }
0x2: {  	s3 =	rddreg [dreg:$0x1]  }
0x3: {  	s1 =	rddreg [dreg:$0x2]  }
0x4: {  	s2 =	rddreg [dreg:$0x3];
	s4 =	simm.s32 $0x0  }
0x5: {  	s13 =	stileid.u32;
	s15 =	srdreg.scid;
	s31 =	simm.s32 $0x4  }
0x6: {  	s29 =	simm.s32 $0xF400;
	[smem:$0x7FF] =	sst s4;
	s5 =	sadd.s32 $0x3400, s0  }
0x7: {  	s6 =	sadd.s32 $0x2800, s0;
	s7 =	smul.u32 $0x280, s13;
	s8 =	sadd.s32 $0x2E00, s0  }
0x8: {  	s9 =	smul.u32 $0x28000, s13;
	_ =	strace $0x8000004A;
	[dreg:$0x8] =	wrdreg s6  }
0x9: {  	s16 =	smul.u32 $0x2900, s13;
	[dreg:$0x9] =	wrdreg s8;
	s6 =	sand.u32 $0x1, s15  }
0xa: {  	s8 =	sadd.s32 $0x2B200, s0;
	s0 =	sadd.s32 $0x3FA00, s0;
	s11 =	smul.u32 $0x29000, s6  }
0xb: {  	s10 =	ssub.s32 $0x2, s6;
	s6 =	smul.u32 $0x2800, s6;
	s9 =	sshrl.u32 s9, $0x2  }
0xc: {  	s12 =	sshrl.u32 s10, $0x1;
	s24 =	sadd.s32 s9, s1;
	s9 =	sadd.s32 $0x80, s7  }
0xd: {  	s10 =	ssub.s32 s10, s12;
	s6 =	sadd.s32 s7, s6;
	s11 =	sadd.s32 s16, s11  }
0xe: {  	s15 =	sshll.u32 s9, $0x6;
	s16 =	sadd.s32 $0x100, s7;
	s17 =	sshll.u32 s6, $0x3  }
0xf: {  	s18 =	sshrl.u32 s6, $0x3;
	s20 =	sadd.s32 $0x80, s6;
	s14 =	sadd.s32 $0x100, s6  }
0x10: {  	s25 =	sadd.s32 $0x180, s6;
	s6 =	sadd.s32 $0x200, s6;
	s12 =	sadd.s32 s0, s17  }
0x11: {  	s19 =	sadd.s32 s3, s18;
	s21 =	sshll.u32 s20, $0x3;
	s22 =	sshll.u32 s14, $0x3  }
0x12: {  	s23 =	sshrl.u32 s14, $0x3;
	s26 =	sshll.u32 s25, $0x3;
	s28 =	sshrl.u32 s25, $0x3  }
0x13: {  	s30 =	sshll.u32 s6, $0x3;
	s6 =	sshrl.u32 s6, $0x3;
	[dreg:$0xa] =	wrdreg s12  }
0x14: {  	s14 =	simm.s32 $0xF380;
	s25 =	sadd.s32 s15, s1;
	[dreg:$0xb] =	wrdreg s19  }
0x15: {  	s17 =	sshll.u32 s16, $0x6;
	s13 =	sadd.s32 s0, s21;
	[dreg:$0x7] =	wrdreg s14  }
0x16: {  	s12 =	sshrl.u32 s20, $0x3;
	s19 =	sadd.s32 s7, s2;
	[dreg:$0xc] =	wrdreg s13  }
0x17: {  	s18 =	sadd.s32 $0x180, s7;
	s12 =	sadd.s32 s3, s12;
	[dreg:$0x17] =	wrdreg s19  }
0x18: {  	s15 =	simm.s32 $0x3;
	s13 =	simm.s32 $0xF480;
	[dreg:$0xd] =	wrdreg s12  }
0x19: {  	s20 =	sadd.s32 $0x200, s7;
	s12 =	sadd.s32 s0, s22;
	[dreg:$0x6] =	wrdreg s13  }
0x1a: {  	s7 =	sshll.u32 s20, $0x6;
	[dreg:$0xe] =	wrdreg s12;
	s12 =	sadd.s32 s3, s23  }
0x1b: {  	s21 =	sshll.u32 s18, $0x6;
	s23 =	sadd.s32 s7, s1;
	[dreg:$0xf] =	wrdreg s12  }
0x1c: {  	s14 =	simm.s32 $0x1;
	s12 =	sadd.s32 s0, s26;
	[dreg:$0x1a] =	wrdreg s23  }
0x1d: {  	s19 =	simm.s32 $0x11680;
	s0 =	sadd.s32 s0, s30;
	[dreg:$0x10] =	wrdreg s12  }
0x1e: {  	s22 =	sshrl.u32 s11, $0x3;
	s30 =	smax.u32 s10, $0x1;
	[dreg:$0x12] =	wrdreg s0  }
0x1f: {  	s13 =	simm.s32 $0x52000;
	s26 =	sadd.s32 s9, s2;
	[dreg:$0x1d] =	wrdreg s30  }
0x20: {  	s7 =	simm.s32 $0xF580;
	s12 =	sadd.s32 s3, s28;
	[dreg:$0x14] =	wrdreg s26  }
0x21: {  	s10 =	simm.s32 $0xA280;
	s3 =	sadd.s32 s3, s6;
	[dreg:$0x11] =	wrdreg s12  }
0x22: {  	s9 =	simm.s32 $0xF600;
	s0 =	sadd.s32 s16, s2;
	[dreg:$0x13] =	wrdreg s3  }
0x23: {  	s6 =	sadd.s32 s21, s1;
	s28 =	sadd.s32 s8, s22;
	[dreg:$0x16] =	wrdreg s0  }
0x24: {  	s16 =	simm.s32 $0xF300;
	s12 =	sadd.s32 $0x100, s11;
	[dreg:$0x18] =	wrdreg s6  }
0x25: {  	s3 =	sadd.s32 s17, s1;
	s0 =	sadd.s32 s18, s2;
	[dreg:$0x1b] =	wrdreg s28  }
0x26: {  	s6 =	simm.s32 $0x8;
	s11 =	simm.s32 $0xCA80;
	[dreg:$0x5] =	wrdreg s12  }
0x27: {  	s17 =	simm.s32 $0x2;
	s18 =	simm.s32 $0xF500;
	[dreg:$0x15] =	wrdreg s3  }
0x28: {  	[dreg:$0x19] =	wrdreg s0;
	s3 =	sadd.s32 s20, s2;
	s0 =	sadd.s32 $0x10, s28  }
0x29: {  	s12 =	simm.s32 $0x80;
	s20 =	simm.s32 $0x0;
	[dreg:$0x1c] =	wrdreg s3  }
0x2a: {  	v0 =	vimm.f32 $0.0e+00;
	[dreg:$0x1e] =	wrdreg s0;
	s3 =	simm.s32 $0xF680;
	s0 =	simm.s32 $0x6  }
.LBB2_1:
0x2b: {  	s22 =	simm.s32 $0x100;
	s21 =	simm.s32 $0x0  }
.LBB2_2:
0x2c: {  	p0 =	sne.s32 s22, $0x7F00;
	[tilespmem:s21+$0xF6B0] =	vst v0;
	s23 =	smov.u32 s22;
	s22 =	sadd.s32 $0x100, s22  }
.Ltmp0:
0x2d: {  	[tilespmem:s21+$0xF6A0] =	vst v0;
	(pc) =	sbr.rel @p0 .LBB2_2-.Ltmp0, $3  }
0x2e: {  	[tilespmem:s21+$0xF680] =	vst v0  }
0x2f: {  	[tilespmem:s21+$0xF690] =	vst v0;
	_ =	sdelay $0x1  }
0x30: {  	s21 =	sshra.s32 s23, $0x2  }
0x31: {  	[tilespmem:s21+$0xF6B0] =	vst v0  }
0x32: {  	[tilespmem:s21+$0xF6A0] =	vst v0  }
0x33: {  	[tilespmem:s21+$0xF680] =	vst v0  }
0x34: {  	[tilespmem:s21+$0xF690] =	vst v0  }
0x35: {  	[tilespmem:$0xF580] =	vst v0  }
0x36: {  	[tilespmem:$0xF590] =	vst v0  }
0x37: {  	[tilespmem:$0xF5A0] =	vst v0  }
0x38: {  	[tilespmem:$0xF5B0] =	vst v0  }
0x39: {  	[tilespmem:$0xF5C0] =	vst v0  }
0x3a: {  	[tilespmem:$0xF5D0] =	vst v0  }
0x3b: {  	[tilespmem:$0xF5E0] =	vst v0  }
0x3c: {  	[tilespmem:$0xF5F0] =	vst v0  }
0x3d: {  	[spmem:s24] =	stream.linear.scatter [tilespmem:s3], [sflag:$0x8], $0x2000, $0x38;
	[tilespmem:$0x13680] =	vst v63  }
0x3e: {  	_ =	swait.ge [sflag:s6], $0x2000  }
0x3f: {  	[sflag:s6] =	ssyncset.done $0x0  }
0x40: {  	s23 =	rddreg [dreg:$0x17];
	[sflag:s6] =	ssyncadd.s32 $0xFFFFE000  }
0x41: {  	[spmem:s23] =	stream.linear.scatter [tilespmem:s7], [sflag:$0x8], $0x80, $0x38;
	[tilespmem:$0x13680] =	vst v63  }
0x42: {  	_ =	swait.ge [sflag:s6], $0x80  }
0x43: {  	[sflag:s6] =	ssyncset.done $0x0  }
0x44: {  	[sflag:s6] =	ssyncadd.s32 $0xFFFFFF80  }
0x45: {  	[spmem:s25] =	stream.linear.scatter [tilespmem:s3], [sflag:$0x8], $0x2000, $0x38;
	[tilespmem:$0x13680] =	vst v63  }
0x46: {  	_ =	swait.ge [sflag:s6], $0x2000  }
0x47: {  	[sflag:s6] =	ssyncset.done $0x0  }
0x48: {  	[sflag:s6] =	ssyncadd.s32 $0xFFFFE000  }
0x49: {  	[spmem:s26] =	stream.linear.scatter [tilespmem:s7], [sflag:$0x8], $0x80, $0x38;
	[tilespmem:$0x13680] =	vst v63  }
0x4a: {  	_ =	swait.ge [sflag:s6], $0x80  }
0x4b: {  	[sflag:s6] =	ssyncset.done $0x0  }
0x4c: {  	s28 =	smov.u32 s24;
	s24 =	rddreg [dreg:$0x15];
	[sflag:s6] =	ssyncadd.s32 $0xFFFFFF80  }
0x4d: {  	[spmem:s24] =	stream.linear.scatter [tilespmem:s3], [sflag:$0x8], $0x2000, $0x38;
	[tilespmem:$0x13680] =	vst v63  }
0x4e: {  	_ =	swait.ge [sflag:s6], $0x2000  }
0x4f: {  	[sflag:s6] =	ssyncset.done $0x0  }
0x50: {  	s30 =	smov.u32 s25;
	s25 =	rddreg [dreg:$0x16];
	[sflag:s6] =	ssyncadd.s32 $0xFFFFE000  }
0x51: {  	[spmem:s25] =	stream.linear.scatter [tilespmem:s7], [sflag:$0x8], $0x80, $0x38;
	[tilespmem:$0x13680] =	vst v63  }
0x52: {  	_ =	swait.ge [sflag:s6], $0x80  }
0x53: {  	[sflag:s6] =	ssyncset.done $0x0  }
0x54: {  	s26 =	rddreg [dreg:$0x18];
	[sflag:s6] =	ssyncadd.s32 $0xFFFFFF80  }
0x55: {  	[spmem:s26] =	stream.linear.scatter [tilespmem:s3], [sflag:$0x8], $0x2000, $0x38;
	[tilespmem:$0x13680] =	vst v63  }
0x56: {  	_ =	swait.ge [sflag:s6], $0x2000  }
0x57: {  	[sflag:s6] =	ssyncset.done $0x0  }
0x58: {  	s22 =	rddreg [dreg:$0x19];
	[sflag:s6] =	ssyncadd.s32 $0xFFFFE000  }
0x59: {  	[spmem:s22] =	stream.linear.scatter [tilespmem:s7], [sflag:$0x8], $0x80, $0x38;
	[tilespmem:$0x13680] =	vst v63  }
0x5a: {  	_ =	swait.ge [sflag:s6], $0x80  }
0x5b: {  	[sflag:s6] =	ssyncset.done $0x0  }
0x5c: {  	s23 =	rddreg [dreg:$0x1a];
	[sflag:s6] =	ssyncadd.s32 $0xFFFFFF80  }
0x5d: {  	[spmem:s23] =	stream.linear.scatter [tilespmem:s3], [sflag:$0x8], $0x2000, $0x38;
	[tilespmem:$0x13680] =	vst v63  }
0x5e: {  	_ =	swait.ge [sflag:s6], $0x2000  }
0x5f: {  	[sflag:s6] =	ssyncset.done $0x0  }
0x60: {  	s24 =	rddreg [dreg:$0x1c];
	[sflag:s6] =	ssyncadd.s32 $0xFFFFE000  }
0x61: {  	[spmem:s24] =	stream.linear.scatter [tilespmem:s7], [sflag:$0x8], $0x80, $0x38;
	[tilespmem:$0x13680] =	vst v63  }
0x62: {  	_ =	swait.ge [sflag:s6], $0x80  }
0x63: {  	[sflag:s6] =	ssyncset.done $0x0  }
0x64: {  	s21 =	simm.s32 $0x0;
	s22 =	rddreg [dreg:$0x8];
	[sflag:s6] =	ssyncadd.s32 $0xFFFFFF80  }
0x65: {  	[tilespmem:s10], [sflag:$0x8] =	stream.linear.gather [hbm4b:s22+s21], $0x2800, $0x38;
	[tilespmem:$0x13680] =	vst v63  }
0x66: {  	_ =	swait.ge [sflag:s6], $0x2800  }
0x67: {  	[sflag:s6] =	ssyncset.done $0x0  }
0x68: {  	s25 =	rddreg [dreg:$0x9];
	[sflag:s6] =	ssyncadd.s32 $0xFFFFD800  }
0x69: {  	[tilespmem:s11], [sflag:$0x8] =	stream.linear.gather [hbm4b:s25+s21], $0x2800, $0x38;
	[tilespmem:$0x13680] =	vst v63  }
0x6a: {  	_ =	swait.ge [sflag:s6], $0x2800  }
0x6b: {  	[sflag:s6] =	ssyncset.done $0x0  }
0x6c: {  	[sflag:s6] =	ssyncadd.s32 $0xFFFFD800  }
0x6d: {  	[bflag:$0x0] =	sbarrier.arrive $0xFFFF  }
0x6e: {  	s26 =	rddreg [dreg:$0x1b]  }
0x6f: {  	s23 =	simm.s32 $0xF280;
	s22 =	rddreg [dreg:$0x1e]  }
0x70: {  	[tilespmem:s23], [sflag:$0x1] =	stream.strided.gather [hbm4b:s26+s12], $0x100, s13, s12, $0x38;
	[tilespmem:$0x13680] =	vst v63  }
.LBB2_4:
0x71: {  	_ =	swait.ge [sflag:s14], $0x100  }
0x72: {  	[sflag:s14] =	ssyncset.done $0x0  }
0x73: {  	[sflag:s14] =	ssyncadd.s32 $0xFFFFFF00  }
0x74: {  	v1 =	vld [tilespmem:$0xF280]  }
0x75: {  	v2 =	vld [tilespmem:$0xF300];
	_ =	sdelay $0x6  }
0x76: {  	v3 =	vld.idx.msk [tilespmem:v1+s10+$0x0], $0xffff  }
0x77: {  	v2 =	vld.idx.msk [tilespmem:v2+s11+$0x0], $0xffff;
	_ =	sdelay $0x4  }
0x78: {  	v2 =	vadd.f32 v2, v3;
	_ =	sdelay $0x1  }
0x79: {  	v3 =	vmul.f32 $2.000000030e-01, v2  }
0x7a: {  	vm0 =	vge.f32 v2, $0.0e+00  }
0x7b: {  	v2 =	vsel vm0, v2, v3  }
0x7c: {  	v2 =	vmul.f32 $1.442695020e+00, v2;
	_ =	sdelay $0x1  }
0x7d: {  	(erf) = vpow2.f32 v2;
	_ =	sdelay $0x2  }
0x7e: {  	v2 =	vld [tilespmem:$0xF290]  }
0x7f: {  	v3 =	vld [tilespmem:$0xF310];
	_ =	sdelay $0x4  }
0x80: {  	[tilespmem:$0xF480] =	vst v1;
	v4 =	vpop (erf)  }
0x81: {  	[tilespmem:$0xF580] =	vst v4  }
0x82: {  	v1 =	vld.idx.msk [tilespmem:v2+s10+$0x0], $0xffff  }
0x83: {  	v3 =	vld.idx.msk [tilespmem:v3+s11+$0x0], $0xffff;
	_ =	sdelay $0x4  }
0x84: {  	v1 =	vadd.f32 v3, v1;
	_ =	sdelay $0x1  }
0x85: {  	v3 =	vmul.f32 $2.000000030e-01, v1  }
0x86: {  	vm13 =	vge.f32 v1, $0.0e+00  }
0x87: {  	v1 =	vsel vm13, v1, v3  }
0x88: {  	v1 =	vmul.f32 $1.442695020e+00, v1;
	_ =	sdelay $0x1  }
0x89: {  	(erf) = vpow2.f32 v1;
	_ =	sdelay $0x2  }
0x8a: {  	v1 =	vld [tilespmem:$0xF2A0]  }
0x8b: {  	v3 =	vld [tilespmem:$0xF320];
	_ =	sdelay $0x4  }
0x8c: {  	[tilespmem:$0xF490] =	vst v2;
	v51 =	vpop (erf)  }
0x8d: {  	[tilespmem:$0xF590] =	vst v51  }
0x8e: {  	v2 =	vld.idx.msk [tilespmem:v1+s10+$0x0], $0xffff  }
0x8f: {  	v3 =	vld.idx.msk [tilespmem:v3+s11+$0x0], $0xffff;
	_ =	sdelay $0x4  }
0x90: {  	v2 =	vadd.f32 v3, v2;
	_ =	sdelay $0x1  }
0x91: {  	v3 =	vmul.f32 $2.000000030e-01, v2  }
0x92: {  	vm14 =	vge.f32 v2, $0.0e+00  }
0x93: {  	v2 =	vsel vm14, v2, v3  }
0x94: {  	v2 =	vmul.f32 $1.442695020e+00, v2;
	_ =	sdelay $0x1  }
0x95: {  	(erf) = vpow2.f32 v2;
	_ =	sdelay $0x2  }
0x96: {  	v2 =	vld [tilespmem:$0xF2B0]  }
0x97: {  	v3 =	vld [tilespmem:$0xF330];
	_ =	sdelay $0x4  }
0x98: {  	[tilespmem:$0xF4A0] =	vst v1;
	v52 =	vpop (erf)  }
0x99: {  	[tilespmem:$0xF5A0] =	vst v52  }
0x9a: {  	v1 =	vld.idx.msk [tilespmem:v2+s10+$0x0], $0xffff  }
0x9b: {  	v3 =	vld.idx.msk [tilespmem:v3+s11+$0x0], $0xffff;
	_ =	sdelay $0x4  }
0x9c: {  	v1 =	vadd.f32 v3, v1;
	_ =	sdelay $0x1  }
0x9d: {  	v3 =	vmul.f32 $2.000000030e-01, v1  }
0x9e: {  	vm15 =	vge.f32 v1, $0.0e+00  }
0x9f: {  	v1 =	vsel vm15, v1, v3  }
0xa0: {  	v1 =	vmul.f32 $1.442695020e+00, v1;
	_ =	sdelay $0x1  }
0xa1: {  	(erf) = vpow2.f32 v1;
	_ =	sdelay $0x2  }
0xa2: {  	v1 =	vld [tilespmem:$0xF2C0]  }
0xa3: {  	v3 =	vld [tilespmem:$0xF340];
	_ =	sdelay $0x4  }
0xa4: {  	[tilespmem:$0xF4B0] =	vst v2;
	v53 =	vpop (erf)  }
0xa5: {  	[tilespmem:$0xF5B0] =	vst v53  }
0xa6: {  	v2 =	vld.idx.msk [tilespmem:v1+s10+$0x0], $0xffff  }
0xa7: {  	v3 =	vld.idx.msk [tilespmem:v3+s11+$0x0], $0xffff;
	_ =	sdelay $0x4  }
0xa8: {  	v2 =	vadd.f32 v3, v2;
	_ =	sdelay $0x1  }
0xa9: {  	v3 =	vmul.f32 $2.000000030e-01, v2  }
0xaa: {  	vm4 =	vge.f32 v2, $0.0e+00  }
0xab: {  	v2 =	vsel vm4, v2, v3  }
0xac: {  	v2 =	vmul.f32 $1.442695020e+00, v2;
	_ =	sdelay $0x1  }
0xad: {  	(erf) = vpow2.f32 v2;
	_ =	sdelay $0x2  }
0xae: {  	v2 =	vld [tilespmem:$0xF2D0]  }
0xaf: {  	v3 =	vld [tilespmem:$0xF350];
	_ =	sdelay $0x4  }
0xb0: {  	[tilespmem:$0xF4C0] =	vst v1;
	v54 =	vpop (erf)  }
0xb1: {  	[tilespmem:$0xF5C0] =	vst v54  }
0xb2: {  	v1 =	vld.idx.msk [tilespmem:v2+s10+$0x0], $0xffff  }
0xb3: {  	v3 =	vld.idx.msk [tilespmem:v3+s11+$0x0], $0xffff;
	_ =	sdelay $0x4  }
0xb4: {  	v1 =	vadd.f32 v3, v1;
	_ =	sdelay $0x1  }
0xb5: {  	v3 =	vmul.f32 $2.000000030e-01, v1  }
0xb6: {  	vm5 =	vge.f32 v1, $0.0e+00  }
0xb7: {  	v1 =	vsel vm5, v1, v3  }
0xb8: {  	v1 =	vmul.f32 $1.442695020e+00, v1;
	_ =	sdelay $0x1  }
0xb9: {  	(erf) = vpow2.f32 v1;
	_ =	sdelay $0x2  }
0xba: {  	v1 =	vld [tilespmem:$0xF2E0]  }
0xbb: {  	v3 =	vld [tilespmem:$0xF360];
	_ =	sdelay $0x4  }
0xbc: {  	[tilespmem:$0xF4D0] =	vst v2;
	v55 =	vpop (erf)  }
0xbd: {  	[tilespmem:$0xF5D0] =	vst v55  }
0xbe: {  	v2 =	vld.idx.msk [tilespmem:v1+s10+$0x0], $0xffff  }
0xbf: {  	v3 =	vld.idx.msk [tilespmem:v3+s11+$0x0], $0xffff;
	_ =	sdelay $0x4  }
0xc0: {  	v2 =	vadd.f32 v3, v2;
	_ =	sdelay $0x1  }
0xc1: {  	v3 =	vmul.f32 $2.000000030e-01, v2  }
0xc2: {  	vm6 =	vge.f32 v2, $0.0e+00  }
0xc3: {  	v2 =	vsel vm6, v2, v3  }
0xc4: {  	v2 =	vmul.f32 $1.442695020e+00, v2;
	_ =	sdelay $0x1  }
0xc5: {  	(erf) = vpow2.f32 v2;
	_ =	sdelay $0x2  }
0xc6: {  	v2 =	vld [tilespmem:$0xF2F0]  }
0xc7: {  	v3 =	vld [tilespmem:$0xF370];
	_ =	sdelay $0x4  }
0xc8: {  	[tilespmem:$0xF4E0] =	vst v1;
	v56 =	vpop (erf)  }
0xc9: {  	[tilespmem:$0xF5E0] =	vst v56  }
0xca: {  	v1 =	vld.idx.msk [tilespmem:v2+s10+$0x0], $0xffff  }
0xcb: {  	v3 =	vld.idx.msk [tilespmem:v3+s11+$0x0], $0xffff;
	_ =	sdelay $0x4  }
0xcc: {  	v1 =	vadd.f32 v3, v1;
	_ =	sdelay $0x1  }
0xcd: {  	v3 =	vmul.f32 $2.000000030e-01, v1  }
0xce: {  	vm7 =	vge.f32 v1, $0.0e+00  }
0xcf: {  	v1 =	vsel vm7, v1, v3  }
0xd0: {  	v1 =	vmul.f32 $1.442695020e+00, v1;
	_ =	sdelay $0x1  }
0xd1: {  	(erf) = vpow2.f32 v1;
	_ =	sdelay $0x8  }
0xd2: {  	[tilespmem:$0xF4F0] =	vst v2;
	v1 =	vpop (erf)  }
0xd3: {  	p0 =	seq.s32 s21, $0x0;
	s23 =	rddreg [dreg:$0x6];
	[tilespmem:$0xF5F0] =	vst v1  }
0xd4: {  	[tilespmem:s3], [sflag:$0x3] =	stream.indirect.gather [hbm4b:s5+s12], $0x40, s23, s12, $0xb8;
	[tilespmem:$0x13680] =	vst v63  }
0xd5: {  	s23 =	simm.s32 @!p0 $0x5  }
0xd6: {  	_ =	swait.ge @!p0 [sflag:s23], $0x2000  }
0xd7: {  	[sflag:s23] =	ssyncset.done @!p0 $0x0  }
0xd8: {  	[sflag:s23] =	ssyncadd.s32 @!p0 $0xFFFFE000;
	s23 =	simm.s32 @!p0 $0x7  }
0xd9: {  	_ =	swait.ge @!p0 [sflag:s23], $0x80  }
0xda: {  	[sflag:s23] =	ssyncset.done @!p0 $0x0  }
0xdb: {  	s24 =	rddreg [dreg:$0x7];
	[sflag:s23] =	ssyncadd.s32 @!p0 $0xFFFFFF80  }
0xdc: {  	[tilespmem:s24], [sflag:$0x2] =	stream.strided.gather [hbm4b:s22+s12], $0x100, s13, s12, $0x38;
	[tilespmem:$0x13680] =	vst v63  }
0xdd: {  	_ =	swait.ge [sflag:s15], $0x2000  }
0xde: {  	[sflag:s15] =	ssyncset.done $0x0  }
0xdf: {  	[sflag:s15] =	ssyncadd.s32 $0xFFFFE000  }
0xe0: {  	[spmem:s1] =	stream.indirect.scatter.add.f32 [tilespmem:s3], [sflag:$0x4], $0x40, s16, s12, $0xb8;
	[tilespmem:$0x13680] =	vst v63  }
0xe1: {  	_ = 	snop  }
0xe2: {  	[spmem:s2] =	stream.indirect.scatter.add.f32 [tilespmem:s7], [sflag:$0x6], $0x1, s16, s12, $0xb8;
	[tilespmem:$0x13680] =	vst v63  }
0xe3: {  	_ =	swait.ge [sflag:s17], $0x100  }
0xe4: {  	[sflag:s17] =	ssyncset.done $0x0  }
0xe5: {  	[sflag:s17] =	ssyncadd.s32 $0xFFFFFF00  }
0xe6: {  	v1 =	vld [tilespmem:$0xF380]  }
0xe7: {  	v2 =	vld [tilespmem:$0xF400];
	_ =	sdelay $0x6  }
0xe8: {  	v3 =	vld.idx.msk [tilespmem:v1+s10+$0x0], $0xffff  }
0xe9: {  	v2 =	vld.idx.msk [tilespmem:v2+s11+$0x0], $0xffff;
	_ =	sdelay $0x4  }
0xea: {  	v2 =	vadd.f32 v2, v3;
	_ =	sdelay $0x1  }
0xeb: {  	v3 =	vmul.f32 $2.000000030e-01, v2  }
0xec: {  	vm8 =	vge.f32 v2, $0.0e+00  }
0xed: {  	v2 =	vsel vm8, v2, v3  }
0xee: {  	v2 =	vmul.f32 $1.442695020e+00, v2;
	_ =	sdelay $0x1  }
0xef: {  	(erf) = vpow2.f32 v2;
	_ =	sdelay $0x2  }
0xf0: {  	v2 =	vld [tilespmem:$0xF390]  }
0xf1: {  	v3 =	vld [tilespmem:$0xF410];
	_ =	sdelay $0x4  }
0xf2: {  	[tilespmem:$0xF500] =	vst v1;
	v57 =	vpop (erf)  }
0xf3: {  	[tilespmem:$0xF600] =	vst v57  }
0xf4: {  	v1 =	vld.idx.msk [tilespmem:v2+s10+$0x0], $0xffff  }
0xf5: {  	v3 =	vld.idx.msk [tilespmem:v3+s11+$0x0], $0xffff;
	_ =	sdelay $0x4  }
0xf6: {  	v1 =	vadd.f32 v3, v1;
	_ =	sdelay $0x1  }
0xf7: {  	v3 =	vmul.f32 $2.000000030e-01, v1  }
0xf8: {  	vm9 =	vge.f32 v1, $0.0e+00  }
0xf9: {  	v1 =	vsel vm9, v1, v3  }
0xfa: {  	v1 =	vmul.f32 $1.442695020e+00, v1;
	_ =	sdelay $0x1  }
0xfb: {  	(erf) = vpow2.f32 v1;
	_ =	sdelay $0x2  }
0xfc: {  	v1 =	vld [tilespmem:$0xF3A0]  }
0xfd: {  	v3 =	vld [tilespmem:$0xF420];
	_ =	sdelay $0x4  }
0xfe: {  	[tilespmem:$0xF510] =	vst v2;
	v58 =	vpop (erf)  }
0xff: {  	[tilespmem:$0xF610] =	vst v58  }
0x100: {  	v2 =	vld.idx.msk [tilespmem:v1+s10+$0x0], $0xffff  }
0x101: {  	v3 =	vld.idx.msk [tilespmem:v3+s11+$0x0], $0xffff;
	_ =	sdelay $0x4  }
0x102: {  	v2 =	vadd.f32 v3, v2;
	_ =	sdelay $0x1  }
0x103: {  	v3 =	vmul.f32 $2.000000030e-01, v2  }
0x104: {  	vm10 =	vge.f32 v2, $0.0e+00  }
0x105: {  	v2 =	vsel vm10, v2, v3  }
0x106: {  	v2 =	vmul.f32 $1.442695020e+00, v2;
	_ =	sdelay $0x1  }
0x107: {  	(erf) = vpow2.f32 v2;
	_ =	sdelay $0x2  }
0x108: {  	v2 =	vld [tilespmem:$0xF3B0]  }
0x109: {  	v3 =	vld [tilespmem:$0xF430];
	_ =	sdelay $0x4  }
0x10a: {  	[tilespmem:$0xF520] =	vst v1;
	v59 =	vpop (erf)  }
0x10b: {  	[tilespmem:$0xF620] =	vst v59  }
0x10c: {  	v1 =	vld.idx.msk [tilespmem:v2+s10+$0x0], $0xffff  }
0x10d: {  	v3 =	vld.idx.msk [tilespmem:v3+s11+$0x0], $0xffff;
	_ =	sdelay $0x4  }
0x10e: {  	v1 =	vadd.f32 v3, v1;
	_ =	sdelay $0x1  }
0x10f: {  	v3 =	vmul.f32 $2.000000030e-01, v1  }
0x110: {  	vm11 =	vge.f32 v1, $0.0e+00  }
0x111: {  	v1 =	vsel vm11, v1, v3  }
0x112: {  	v1 =	vmul.f32 $1.442695020e+00, v1;
	_ =	sdelay $0x1  }
0x113: {  	(erf) = vpow2.f32 v1;
	_ =	sdelay $0x2  }
0x114: {  	v1 =	vld [tilespmem:$0xF3C0]  }
0x115: {  	v3 =	vld [tilespmem:$0xF440];
	_ =	sdelay $0x4  }
0x116: {  	[tilespmem:$0xF530] =	vst v2;
	v60 =	vpop (erf)  }
0x117: {  	[tilespmem:$0xF630] =	vst v60  }
0x118: {  	v2 =	vld.idx.msk [tilespmem:v1+s10+$0x0], $0xffff  }
0x119: {  	v3 =	vld.idx.msk [tilespmem:v3+s11+$0x0], $0xffff;
	_ =	sdelay $0x4  }
0x11a: {  	v2 =	vadd.f32 v3, v2;
	_ =	sdelay $0x1  }
0x11b: {  	v3 =	vmul.f32 $2.000000030e-01, v2  }
0x11c: {  	vm12 =	vge.f32 v2, $0.0e+00  }
0x11d: {  	v2 =	vsel vm12, v2, v3  }
0x11e: {  	v2 =	vmul.f32 $1.442695020e+00, v2;
	_ =	sdelay $0x1  }
0x11f: {  	(erf) = vpow2.f32 v2;
	_ =	sdelay $0x2  }
0x120: {  	v2 =	vld [tilespmem:$0xF3D0]  }
0x121: {  	v3 =	vld [tilespmem:$0xF450];
	_ =	sdelay $0x4  }
0x122: {  	[tilespmem:$0xF540] =	vst v1;
	v61 =	vpop (erf)  }
0x123: {  	[tilespmem:$0xF640] =	vst v61  }
0x124: {  	v1 =	vld.idx.msk [tilespmem:v2+s10+$0x0], $0xffff  }
0x125: {  	v3 =	vld.idx.msk [tilespmem:v3+s11+$0x0], $0xffff;
	_ =	sdelay $0x4  }
0x126: {  	v1 =	vadd.f32 v3, v1;
	_ =	sdelay $0x1  }
0x127: {  	v3 =	vmul.f32 $2.000000030e-01, v1  }
0x128: {  	vm13 =	vge.f32 v1, $0.0e+00  }
0x129: {  	v1 =	vsel vm13, v1, v3  }
0x12a: {  	v1 =	vmul.f32 $1.442695020e+00, v1;
	_ =	sdelay $0x1  }
0x12b: {  	(erf) = vpow2.f32 v1;
	_ =	sdelay $0x2  }
0x12c: {  	v1 =	vld [tilespmem:$0xF3E0]  }
0x12d: {  	v3 =	vld [tilespmem:$0xF460];
	_ =	sdelay $0x4  }
0x12e: {  	[tilespmem:$0xF550] =	vst v2;
	v62 =	vpop (erf)  }
0x12f: {  	[tilespmem:$0xF650] =	vst v62  }
0x130: {  	v2 =	vld.idx.msk [tilespmem:v1+s10+$0x0], $0xffff  }
0x131: {  	v3 =	vld.idx.msk [tilespmem:v3+s11+$0x0], $0xffff;
	_ =	sdelay $0x4  }
0x132: {  	v2 =	vadd.f32 v3, v2;
	_ =	sdelay $0x1  }
0x133: {  	v3 =	vmul.f32 $2.000000030e-01, v2  }
0x134: {  	vm14 =	vge.f32 v2, $0.0e+00  }
0x135: {  	v2 =	vsel vm14, v2, v3  }
0x136: {  	v2 =	vmul.f32 $1.442695020e+00, v2;
	_ =	sdelay $0x1  }
0x137: {  	(erf) = vpow2.f32 v2;
	_ =	sdelay $0x2  }
0x138: {  	v2 =	vld [tilespmem:$0xF3F0]  }
0x139: {  	v3 =	vld [tilespmem:$0xF470];
	_ =	sdelay $0x4  }
0x13a: {  	[tilespmem:$0xF560] =	vst v1;
	v63 =	vpop (erf)  }
0x13b: {  	[tilespmem:$0xF660] =	vst v63  }
0x13c: {  	v1 =	vld.idx.msk [tilespmem:v2+s10+$0x0], $0xffff  }
0x13d: {  	v3 =	vld.idx.msk [tilespmem:v3+s11+$0x0], $0xffff;
	_ =	sdelay $0x4  }
0x13e: {  	v1 =	vadd.f32 v3, v1;
	_ =	sdelay $0x1  }
0x13f: {  	v3 =	vmul.f32 $2.000000030e-01, v1  }
0x140: {  	vm15 =	vge.f32 v1, $0.0e+00  }
0x141: {  	v1 =	vsel vm15, v1, v3  }
0x142: {  	v1 =	vmul.f32 $1.442695020e+00, v1;
	_ =	sdelay $0x1  }
0x143: {  	(erf) = vpow2.f32 v1;
	_ =	sdelay $0x8  }
0x144: {  	[tilespmem:$0xF570] =	vst v2;
	v1 =	vpop (erf)  }
0x145: {  	[tilespmem:$0xF670] =	vst v1  }
0x146: {  	[tilespmem:s19], [sflag:$0x3] =	stream.indirect.gather [hbm4b:s5+s12], $0x40, s18, s12, $0xb8;
	[tilespmem:$0x13680] =	vst v63  }
0x147: {  	_ =	swait.ge [sflag:s31], $0x2000  }
0x148: {  	[sflag:s31] =	ssyncset.done $0x0  }
0x149: {  	[sflag:s31] =	ssyncadd.s32 $0xFFFFE000  }
0x14a: {  	_ =	swait.ge [sflag:s0], $0x80  }
0x14b: {  	p0 =	seq.s32 s21, $0x2800;
	s23 =	rddreg [dreg:$0x5]  }
0x14c: {  	s24 =	simm.s32 @!p0 $0x80;
	s25 =	simm.s32 @!p0 $0x52000;
	s23 =	sadd.s32 @!p0 s21, s23  }
0x14d: {  	s26 =	simm.s32 @!p0 $0xF280;
	[sflag:s0] =	ssyncset.done $0x0;
	s23 =	sshrl.u32 @!p0 s23, $0x3  }
0x14e: {  	[sflag:s0] =	ssyncadd.s32 $0xFFFFFF80;
	s21 =	sadd.s32 $0x100, s21;
	s23 =	sadd.s32 @!p0 s8, s23  }
0x14f: {  	[tilespmem:s26], [sflag:$0x1] =	stream.strided.gather @!p0 [hbm4b:s23+s24], $0x100, s25, s24, $0x38;
	[tilespmem:$0x13680] =	vst v63  }
0x150: {  	p0 =	sne.s32 s21, $0x2900;
	_ =	swait.ge [sflag:s15], $0x2000  }
.Ltmp1:
0x151: {  	[sflag:s15] =	ssyncset.done $0x0;
	(pc) =	sbr.rel @p0 .LBB2_4-.Ltmp1, $4  }
0x152: {  	[sflag:s15] =	ssyncadd.s32 $0xFFFFE000  }
0x153: {  	[spmem:s1] =	stream.indirect.scatter.add.f32 [tilespmem:s19], [sflag:$0x5], $0x40, s29, s12, $0xb8;
	[tilespmem:$0x13680] =	vst v63  }
0x154: {  	s22 =	sadd.s32 $0x20, s22  }
0x155: {  	[spmem:s2] =	stream.indirect.scatter.add.f32 [tilespmem:s9], [sflag:$0x7], $0x1, s29, s12, $0xb8;
	[tilespmem:$0x13680] =	vst v63  }
0x156: {  	s21 =	simm.s32 $0x5  }
0x157: {  	_ =	swait.ge [sflag:s21], $0x2000  }
0x158: {  	[sflag:s21] =	ssyncset.done $0x0  }
0x159: {  	s26 =	simm.s32 $0x7;
	[sflag:s21] =	ssyncadd.s32 $0xFFFFE000  }
0x15a: {  	_ =	swait.ge [sflag:s26], $0x80  }
0x15b: {  	[sflag:s26] =	ssyncset.done $0x0  }
0x15c: {  	[sflag:s26] =	ssyncadd.s32 $0xFFFFFF80  }
0x15d: {  	[bflag:$0x0] =	sbarrier.arrive $0xFFFF  }
0x15e: {  	[tilespmem:s3], [sflag:$0x8] =	stream.linear.gather [spmem:s28], $0x2000, $0x38;
	[tilespmem:$0x13680] =	vst v63  }
0x15f: {  	_ =	swait.ge [sflag:s6], $0x2000  }
0x160: {  	[sflag:s6] =	ssyncset.done $0x0  }
0x161: {  	s22 =	rddreg [dreg:$0xa];
	[sflag:s6] =	ssyncadd.s32 $0xFFFFE000  }
0x162: {  	[hbm4b:s22+s4] =	stream.linear.scatter [tilespmem:s3], [sflag:$0x8], $0x2000, $0x38;
	[tilespmem:$0x13680] =	vst v63  }
0x163: {  	_ =	swait.ge [sflag:s6], $0x2000  }
0x164: {  	[sflag:s6] =	ssyncset.done $0x0  }
0x165: {  	s23 =	rddreg [dreg:$0x17];
	[sflag:s6] =	ssyncadd.s32 $0xFFFFE000  }
0x166: {  	[tilespmem:s7], [sflag:$0x8] =	stream.linear.gather [spmem:s23], $0x80, $0x38;
	[tilespmem:$0x13680] =	vst v63  }
0x167: {  	_ =	swait.ge [sflag:s6], $0x80  }
0x168: {  	[sflag:s6] =	ssyncset.done $0x0  }
0x169: {  	s25 =	rddreg [dreg:$0xb];
	[sflag:s6] =	ssyncadd.s32 $0xFFFFFF80  }
0x16a: {  	[hbm4b:s25+s4] =	stream.linear.scatter [tilespmem:s7], [sflag:$0x8], $0x80, $0x38;
	[tilespmem:$0x13680] =	vst v63  }
0x16b: {  	_ =	swait.ge [sflag:s6], $0x80  }
0x16c: {  	[sflag:s6] =	ssyncset.done $0x0  }
0x16d: {  	[sflag:s6] =	ssyncadd.s32 $0xFFFFFF80  }
0x16e: {  	[tilespmem:s3], [sflag:$0x8] =	stream.linear.gather [spmem:s30], $0x2000, $0x38;
	[tilespmem:$0x13680] =	vst v63  }
0x16f: {  	_ =	swait.ge [sflag:s6], $0x2000  }
0x170: {  	[sflag:s6] =	ssyncset.done $0x0  }
0x171: {  	s26 =	rddreg [dreg:$0xc];
	[sflag:s6] =	ssyncadd.s32 $0xFFFFE000  }
0x172: {  	[hbm4b:s26+s4] =	stream.linear.scatter [tilespmem:s3], [sflag:$0x8], $0x2000, $0x38;
	[tilespmem:$0x13680] =	vst v63  }
0x173: {  	_ =	swait.ge [sflag:s6], $0x2000  }
0x174: {  	[sflag:s6] =	ssyncset.done $0x0  }
0x175: {  	s26 =	rddreg [dreg:$0x14];
	[sflag:s6] =	ssyncadd.s32 $0xFFFFE000  }
0x176: {  	[tilespmem:s7], [sflag:$0x8] =	stream.linear.gather [spmem:s26], $0x80, $0x38;
	[tilespmem:$0x13680] =	vst v63  }
0x177: {  	_ =	swait.ge [sflag:s6], $0x80  }
0x178: {  	[sflag:s6] =	ssyncset.done $0x0  }
0x179: {  	s24 =	smov.u32 s28;
	s28 =	rddreg [dreg:$0xd];
	[sflag:s6] =	ssyncadd.s32 $0xFFFFFF80  }
0x17a: {  	[hbm4b:s28+s4] =	stream.linear.scatter [tilespmem:s7], [sflag:$0x8], $0x80, $0x38;
	[tilespmem:$0x13680] =	vst v63  }
0x17b: {  	_ =	swait.ge [sflag:s6], $0x80  }
0x17c: {  	[sflag:s6] =	ssyncset.done $0x0  }
0x17d: {  	s25 =	smov.u32 s30;
	s30 =	rddreg [dreg:$0x15];
	[sflag:s6] =	ssyncadd.s32 $0xFFFFFF80  }
0x17e: {  	[tilespmem:s3], [sflag:$0x8] =	stream.linear.gather [spmem:s30], $0x2000, $0x38;
	[tilespmem:$0x13680] =	vst v63  }
0x17f: {  	_ =	swait.ge [sflag:s6], $0x2000  }
0x180: {  	[sflag:s6] =	ssyncset.done $0x0  }
0x181: {  	s22 =	rddreg [dreg:$0xe];
	[sflag:s6] =	ssyncadd.s32 $0xFFFFE000  }
0x182: {  	[hbm4b:s22+s4] =	stream.linear.scatter [tilespmem:s3], [sflag:$0x8], $0x2000, $0x38;
	[tilespmem:$0x13680] =	vst v63  }
0x183: {  	_ =	swait.ge [sflag:s6], $0x2000  }
0x184: {  	[sflag:s6] =	ssyncset.done $0x0  }
0x185: {  	s23 =	rddreg [dreg:$0x16];
	[sflag:s6] =	ssyncadd.s32 $0xFFFFE000  }
0x186: {  	[tilespmem:s7], [sflag:$0x8] =	stream.linear.gather [spmem:s23], $0x80, $0x38;
	[tilespmem:$0x13680] =	vst v63  }
0x187: {  	_ =	swait.ge [sflag:s6], $0x80  }
0x188: {  	[sflag:s6] =	ssyncset.done $0x0  }
0x189: {  	s28 =	rddreg [dreg:$0xf];
	[sflag:s6] =	ssyncadd.s32 $0xFFFFFF80  }
0x18a: {  	[hbm4b:s28+s4] =	stream.linear.scatter [tilespmem:s7], [sflag:$0x8], $0x80, $0x38;
	[tilespmem:$0x13680] =	vst v63  }
0x18b: {  	_ =	swait.ge [sflag:s6], $0x80  }
0x18c: {  	[sflag:s6] =	ssyncset.done $0x0  }
0x18d: {  	s30 =	rddreg [dreg:$0x18];
	[sflag:s6] =	ssyncadd.s32 $0xFFFFFF80  }
0x18e: {  	[tilespmem:s3], [sflag:$0x8] =	stream.linear.gather [spmem:s30], $0x2000, $0x38;
	[tilespmem:$0x13680] =	vst v63  }
0x18f: {  	_ =	swait.ge [sflag:s6], $0x2000  }
0x190: {  	[sflag:s6] =	ssyncset.done $0x0  }
0x191: {  	s22 =	rddreg [dreg:$0x10];
	[sflag:s6] =	ssyncadd.s32 $0xFFFFE000  }
0x192: {  	[hbm4b:s22+s4] =	stream.linear.scatter [tilespmem:s3], [sflag:$0x8], $0x2000, $0x38;
	[tilespmem:$0x13680] =	vst v63  }
0x193: {  	_ =	swait.ge [sflag:s6], $0x2000  }
0x194: {  	[sflag:s6] =	ssyncset.done $0x0  }
0x195: {  	s23 =	rddreg [dreg:$0x19];
	[sflag:s6] =	ssyncadd.s32 $0xFFFFE000  }
0x196: {  	[tilespmem:s7], [sflag:$0x8] =	stream.linear.gather [spmem:s23], $0x80, $0x38;
	[tilespmem:$0x13680] =	vst v63  }
0x197: {  	_ =	swait.ge [sflag:s6], $0x80  }
0x198: {  	[sflag:s6] =	ssyncset.done $0x0  }
0x199: {  	s28 =	rddreg [dreg:$0x11];
	[sflag:s6] =	ssyncadd.s32 $0xFFFFFF80  }
0x19a: {  	[hbm4b:s28+s4] =	stream.linear.scatter [tilespmem:s7], [sflag:$0x8], $0x80, $0x38;
	[tilespmem:$0x13680] =	vst v63  }
0x19b: {  	_ =	swait.ge [sflag:s6], $0x80  }
0x19c: {  	[sflag:s6] =	ssyncset.done $0x0  }
0x19d: {  	s30 =	rddreg [dreg:$0x1a];
	[sflag:s6] =	ssyncadd.s32 $0xFFFFFF80  }
0x19e: {  	[tilespmem:s3], [sflag:$0x8] =	stream.linear.gather [spmem:s30], $0x2000, $0x38;
	[tilespmem:$0x13680] =	vst v63  }
0x19f: {  	_ =	swait.ge [sflag:s6], $0x2000  }
0x1a0: {  	[sflag:s6] =	ssyncset.done $0x0  }
0x1a1: {  	s22 =	rddreg [dreg:$0x12];
	[sflag:s6] =	ssyncadd.s32 $0xFFFFE000  }
0x1a2: {  	[hbm4b:s22+s4] =	stream.linear.scatter [tilespmem:s3], [sflag:$0x8], $0x2000, $0x38;
	[tilespmem:$0x13680] =	vst v63  }
0x1a3: {  	_ =	swait.ge [sflag:s6], $0x2000  }
0x1a4: {  	[sflag:s6] =	ssyncset.done $0x0  }
0x1a5: {  	s23 =	rddreg [dreg:$0x1c];
	[sflag:s6] =	ssyncadd.s32 $0xFFFFE000  }
0x1a6: {  	[tilespmem:s7], [sflag:$0x8] =	stream.linear.gather [spmem:s23], $0x80, $0x38;
	[tilespmem:$0x13680] =	vst v63  }
0x1a7: {  	_ =	swait.ge [sflag:s6], $0x80  }
0x1a8: {  	[sflag:s6] =	ssyncset.done $0x0  }
0x1a9: {  	s28 =	rddreg [dreg:$0x13];
	[sflag:s6] =	ssyncadd.s32 $0xFFFFFF80  }
0x1aa: {  	[hbm4b:s28+s4] =	stream.linear.scatter [tilespmem:s7], [sflag:$0x8], $0x80, $0x38;
	[tilespmem:$0x13680] =	vst v63  }
0x1ab: {  	_ =	swait.ge [sflag:s6], $0x80  }
0x1ac: {  	s20 =	sadd.s32 $0x1, s20;
	s30 =	rddreg [dreg:$0x1d]  }
0x1ad: {  	p0 =	sne.s32 s20, s30  }
.Ltmp2:
0x1ae: {  	_ = 	snop;
	(pc) =	sbr.rel @p0 .LBB2_1-.Ltmp2, $3  }
0x1af: {  	_ =	sdelay $0x1  }
0x1b0: {  	[sflag:s6] =	ssyncset.done $0x0  }
0x1b1: {  	[sflag:s6] =	ssyncadd.s32 $0xFFFFFF80  }
0x1b2: {  	_ =	sfence.sel $0x180000  }
0x1b3: {  	[bflag:$0x0] =	sbarrier.arrive $0xFFFF  }
0x1b4: {  	_ =	strace $0x9000004A  }
0x1b5: {  	s0 =	stileid.u32;
	[bflag:$0x2] =	sbarrier.arrive $0xFFFF  }
0x1b6: {  	p0 =	sne.s32 s0, $0x0;
	s0 =	rddreg [dreg:$0x4]  }
0x1b7: {  	s0 =	sadd.s32 @!p0 $0x100000, s0  }
0x1b8: {  	[sflag:s0] =	ssyncadd.tile.s32 @!p0 $0x1;
	_ =	shalt  }
.Lfunc_end2:
_tile_overlayer_lowered:
.L_overlay_start_2:
0x1b9: {  	(tag) =	ssettag $0x2  }
0x1ba: {  	s0 =	rddreg [dreg:$0x0];
	s2 =	stileid.u32  }
0x1bb: {  	s1 =	rddreg [dreg:$0x1];
	p0 =	sne.s32 s2, $0x0  }
0x1bc: {  	s3 =	rddreg [dreg:$0x2];
	[bflag:$0x3] =	sbarrier.arrive $0xFFFF;
	s2 =	simm.s32 @!p0 $0x1C08  }
0x1bd: {  	[timem:s3], [sflag:s2] =	dma.local @!p0 [hbm:s0], s1  }
0x1be: {  	s0 =	simm.s32 @!p0 $0x8  }
0x1bf: {  	_ =	swait.ge @!p0 [sflag:s0], s1  }
0x1c0: {  	s1 =	ssub.s32 @!p0 $0x0, s1;
	[sflag:s0] =	ssyncset.done @!p0 $0x0  }
0x1c1: {  	[sflag:s0] =	ssyncadd.s32 @!p0 s1  }
0x1c2: {  	[bflag:$0x3] =	sbarrier.arrive $0xFFFF  }
0x1c3: {  	_ =	shalt  }

// kernel: kernel.7.cloned.1.call-start
scs
__scs_entry_jumppad:
0x0: {  	(pc) =	sbr.rel $0x88, $3  }
0x1: {  	(tag) =	ssettag $0x0;
	lr =	simm.s32 $0x1  }
0x2: {  	[smem:$0x3F97] =	sst lr;
	_ =	strace $0xD0000000  }
0x3: {  	_ = 	snop  }
0x4: {  	_ = 	snop  }
0x5: {  	_ = 	snop  }
0x6: {  	_ = 	snop  }
0x7: {  	_ = 	snop  }
__scs_overlays_trampoline_lowered:
0x8: {  	[smem:$0x3FA6] =	sst s0  }
0x9: {  	[smem:$0x3FA7] =	sst s1  }
0xa: {  	[smem:$0x3FA8] =	sst s2  }
0xb: {  	[smem:$0x3FA9] =	sst s3  }
0xc: {  	[smem:$0x3FAA] =	sst s4  }
0xd: {  	[smem:$0x3FAB] =	sst s5  }
0xe: {  	[smem:$0x3FAC] =	sst s6  }
0xf: {  	[smem:$0x3FAD] =	sst s7  }
0x10: {  	[smem:$0x3FAE] =	sst s8  }
0x11: {  	[smem:$0x3FAF] =	sst s9;
	s0 =	simm.s32 @!p0 $0x0  }
0x12: {  	s1 =	sld [smem:$0x3F95];
	s0 =	simm.s32 @p0 $0x1  }
0x13: {  	[smem:$0x3FB0] =	sst s0;
	s0 =	simm.s32 @!p1 $0x0  }
0x14: {  	s2 =	sld [smem:$0x3F94];
	s0 =	simm.s32 @p1 $0x1  }
0x15: {  	[smem:$0x3FB1] =	sst s0;
	s0 =	simm.s32 @!p2 $0x0  }
0x16: {  	s3 =	sld [smem:$0x3FDB];
	s0 =	simm.s32 @p2 $0x1  }
0x17: {  	s4 =	simm.s32 $0x1BF5;
	[smem:$0x3FB3] =	sst s0  }
0x18: {  	s0 =	sld [smem:$0x3F96];
	_ =	swait.ge [sflag:s4], $0x0  }
0x19: {  	s7 =	sld [smem:$0x3F97]  }
0x1a: {  	s8 =	sadd.s32 $0xFFFFE003, lr  }
0x1b: {  	s9 =	sadd.s32 $0xFFFFFEF7, lr;
	s5 =	simm.s32 $0xFFFFFFFF;
	p2 =	slt.u32 s8, $0xFFFFF086  }
0x1c: {  	p1 =	slt.u32 s9, $0xF7A;
	s5 =	simm.s32 @!p2 $0x0  }
0x1d: {  	s5 =	simm.s32 @p1 $0x1;
	p0 =	seq.s32 s7, s2  }
0x1e: {  	s7 =	smul.u32 @!p0 $0xF7A, s2;
	p2 =	seq.s32 @!p0 s5, $0x0  }
0x1f: {  	s9 =	smul.u32 $0xF7A, s1;
	s8 =	simm.s32 @!p0 $0x1BF5;
	p2 =	por !p2, p0  }
0x20: {  	[sflag:s8] =	ssyncset.s32 @!p0 $0xFFFFF086;
	s6 =	sadd.s32 @!p0 s3, s7;
	s7 =	simm.s32 @!p0 $0x108  }
0x21: {  	s3 =	sadd.s32 s3, s9;
	s6 =	sadd.s32 @!p0 $0x88, s6;
	s7 =	simm.s32 @p2 $0x1082  }
0x22: {  	[simem:s7], [sflag:s8] =	dma.local @!p0 [hbm:s6], $0xF7A  }
0x23: {  	s9 =	sor.u32 $0xD0000000, s2;
	s6 =	simm.s32 $0x108;
	_ =	swait.ge @!p0 [sflag:s8], $0x0  }
0x24: {  	s3 =	sadd.s32 $0x88, s3;
	s6 =	simm.s32 @!p1 $0x1082;
	[sflag:s4] =	ssyncset.s32 $0xFFFFF086  }
0x25: {  	[simem:s6], [sflag:s4] =	dma.local [hbm:s3], $0xF7A  }
0x26: {  	[smem:$0x3F97] =	sst s1;
	(tag) =	ssettag s2;
	_ =	strace s9  }
0x27: {  	s1 =	sld [smem:$0x3FA7]  }
0x28: {  	s2 =	sld [smem:$0x3FA8]  }
0x29: {  	s4 =	sld [smem:$0x3FAA]  }
0x2a: {  	p0 =	seq.s32 s5, $0x0;
	s5 =	sld [smem:$0x3FAB]  }
0x2b: {  	s6 =	sld [smem:$0x3FAC]  }
0x2c: {  	s7 =	sld [smem:$0x3FAD]  }
0x2d: {  	s3 =	simm.s32 $0x108;
	s8 =	sld [smem:$0x3FAE]  }
0x2e: {  	s3 =	simm.s32 @!p0 $0x1082;
	s9 =	sld [smem:$0x3FAF]  }
0x2f: {  	lr =	sadd.s32 s0, s3;
	s0 =	sld [smem:$0x3FA6]  }
0x30: {  	s3 =	sld [smem:$0x3FA9]  }
0x31: {  	[smem:$0x3FB2] =	sst s10  }
0x32: {  	s10 =	sld [smem:$0x3FB0];
	_ =	sdelay $0x3  }
0x33: {  	p0 =	seq.s32 s10, $0x1;
	s10 =	sld [smem:$0x3FB2];
	_ =	sdelay $0x3  }
0x34: {  	[smem:$0x3FB2] =	sst s10  }
0x35: {  	s10 =	sld [smem:$0x3FB1];
	_ =	sdelay $0x3  }
0x36: {  	p1 =	seq.s32 s10, $0x1;
	s10 =	sld [smem:$0x3FB2];
	_ =	sdelay $0x3  }
0x37: {  	[smem:$0x3FB2] =	sst s10  }
0x38: {  	s10 =	sld [smem:$0x3FB3]  }
0x39: {  	_ = 	snop;
	(pc) =	sbr.ind lr, $3  }
0x3a: {  	_ = 	snop  }
0x3b: {  	_ = 	snop  }
0x3c: {  	p2 =	seq.s32 s10, $0x1;
	s10 =	sld [smem:$0x3FB2]  }
0x3d: {  	_ =	shalt  }
0x3e: {  	_ =	shalt  }
0x3f: {  	_ =	shalt  }
0x40: {  	_ =	shalt  }
0x41: {  	_ =	shalt  }
0x42: {  	_ =	shalt  }
0x43: {  	_ =	shalt  }
0x44: {  	_ =	shalt  }
0x45: {  	_ =	shalt  }
0x46: {  	_ =	shalt  }
0x47: {  	_ =	shalt  }
0x48: {  	_ =	shalt  }
0x49: {  	_ =	shalt  }
0x4a: {  	_ =	shalt  }
0x4b: {  	_ =	shalt  }
0x4c: {  	_ =	shalt  }
0x4d: {  	_ =	shalt  }
0x4e: {  	_ =	shalt  }
0x4f: {  	_ =	shalt  }
0x50: {  	_ =	shalt  }
0x51: {  	_ =	shalt  }
0x52: {  	_ =	shalt  }
0x53: {  	_ =	shalt  }
0x54: {  	_ =	shalt  }
0x55: {  	_ =	shalt  }
0x56: {  	_ =	shalt  }
0x57: {  	_ =	shalt  }
0x58: {  	_ =	shalt  }
0x59: {  	_ =	shalt  }
0x5a: {  	_ =	shalt  }
0x5b: {  	_ =	shalt  }
0x5c: {  	_ =	shalt  }
0x5d: {  	_ =	shalt  }
0x5e: {  	_ =	shalt  }
0x5f: {  	_ =	shalt  }
0x60: {  	_ =	shalt  }
0x61: {  	_ =	shalt  }
0x62: {  	_ =	shalt  }
0x63: {  	_ =	shalt  }
0x64: {  	_ =	shalt  }
0x65: {  	_ =	shalt  }
0x66: {  	_ =	shalt  }
0x67: {  	_ =	shalt  }
0x68: {  	_ =	shalt  }
0x69: {  	_ =	shalt  }
0x6a: {  	_ =	shalt  }
0x6b: {  	_ =	shalt  }
0x6c: {  	_ =	shalt  }
0x6d: {  	_ =	shalt  }
0x6e: {  	_ =	shalt  }
0x6f: {  	_ =	shalt  }
0x70: {  	_ =	shalt  }
0x71: {  	_ =	shalt  }
0x72: {  	_ =	shalt  }
0x73: {  	_ =	shalt  }
0x74: {  	_ =	shalt  }
0x75: {  	_ =	shalt  }
0x76: {  	_ =	shalt  }
0x77: {  	_ =	shalt  }
0x78: {  	_ =	shalt  }
0x79: {  	_ =	shalt  }
0x7a: {  	_ =	shalt  }
0x7b: {  	_ =	shalt  }
0x7c: {  	_ =	shalt  }
0x7d: {  	_ =	shalt  }
0x7e: {  	_ =	shalt  }
0x7f: {  	_ =	shalt  }
0x80: {  	_ =	shalt  }
0x81: {  	_ =	shalt  }
0x82: {  	_ =	shalt  }
0x83: {  	_ =	shalt  }
0x84: {  	_ =	shalt  }
0x85: {  	_ =	shalt  }
0x86: {  	_ =	shalt  }
0x87: {  	_ =	shalt  }
.Lfunc_end0:
.L_simem_size_0:
called_computation_lowered:
.L_overlay_start_0:
0x88: {  	s2 =	sld [smem:$0x3FD9]  }
0x89: {  	s3 =	sld [smem:$0x3FFE];
	_ =	sdelay $0x1  }
0x8a: {  	s1 =	srdreg.scid  }
0x8b: {  	s0 =	sand.u32 $0x1, s1  }
0x8c: {  	s17 =	sshll.u32 s0, $0xA;
	s2 =	sadd.s32 s3, s2  }
0x8d: {  	s2 =	sadd.s32 s2, s17  }
0x8e: {  	[smem:$0x3FBE] =	sst s2  }
0x8f: {  	_ = 	snop  }
0x90: {  	s2 =	sld [smem:$0x3FD0];
	(tm) =	ssettm $0x1  }
0x91: {  	s18 =	sld [smem:$0x3FFB];
	_ =	sdelay $0x3  }
0x92: {  	_ =	strace s18  }
0x93: {  	s3 =	sld [smem:$0x3FFC];
	_ =	sdelay $0x3  }
0x94: {  	_ =	strace s3  }
0x95: {  	s3 =	sld [smem:$0x3FFD];
	_ =	sdelay $0x3  }
0x96: {  	_ =	strace s3  }
0x97: {  	_ =	strace $0x8FFFFFFF  }
0x98: {  	s19 =	sld [smem:$0x3FDB];
	_ =	sdelay $0x1  }
0x99: {  	s4 =	simm.s32 $_scs_section_size  }
0x9a: {  	s5 =	simm.s32 $_size__tile_overlayer_lowered;
	s6 =	simm.s32 $_tile_overlayer_lowered  }
0x9b: {  	s22 =	simm.s32 $0x1BFF;
	s21 =	sshll.u32 s6, $0x1;
	s3 =	sadd.s32 s4, s19  }
0x9c: {  	s7 =	simm.s32 $0x0;
	s20 =	sshll.u32 s5, $0x1;
	s5 =	sadd.s32 s21, s3  }
0x9d: {  	[timem:s7], [sflag:s22] =	dma.local [hbm:s5], s20  }
0x9e: {  	_ =	swait.ge [sflag:s22], s20  }
0x9f: {  	s4 =	ssub.s32 $0x0, s20;
	[sflag:s22] =	ssyncset.done $0x0  }
0xa0: {  	[sflag:s22] =	ssyncadd.s32 s4;
	_ =	sdelay $0x1  }
0xa1: {  	s23 =	simm.s32 $0x1B8B  }
0xa2: {  	_ =	swait.ge [sflag:s23], $0x1  }
0xa3: {  	[sflag:s23] =	ssyncset.done $0x0  }
0xa4: {  	s25 =	simm.s32 $0x1B8E;
	s24 =	sld [smem:$0x3FFE];
	[sflag:s23] =	ssyncadd.s32 $0xFFFFFFFF  }
0xa5: {  	s26 =	simm.s32 $execute0_lowered;
	[smem:$0x3FD2] =	sst s25  }
0xa6: {  	s5 =	sshll.u32 s26, $0x1;
	_ =	strace $0x80000046;
	[dreg:$0x1] =	wrdreg $0xFFFFFFFF  }
0xa7: {  	s28 =	simm.s32 $_size_execute0_lowered;
	s3 =	sadd.s32 s3, s5;
	[dreg:$0x0] =	wrdreg $0x0  }
0xa8: {  	s5 =	sshll.u32 s28, $0x1;
	[dreg:$0x2] =	wrdreg s3  }
0xa9: {  	[dreg:$0x3] =	wrdreg s5  }
0xaa: {  	[dreg:$0x4] =	wrdreg $0xC0  }
0xab: {  	_ =	task [dreg:s7], $0x5FFFF  }
0xac: {  	[dreg:$0x1] =	wrdreg $0xFFFFFFFF  }
0xad: {  	[dreg:$0x0] =	wrdreg $0x60  }
0xae: {  	[dreg:$0x2] =	wrdreg s24  }
0xaf: {  	[dreg:$0x3] =	wrdreg s2  }
0xb0: {  	[dreg:$0x4] =	wrdreg $0x0  }
0xb1: {  	[dreg:$0x5] =	wrdreg $0xA0000  }
0xb2: {  	[dreg:$0x6] =	wrdreg $0x9  }
0xb3: {  	_ =	task.clear_ibuf [dreg:s7], $0x7FFFF;
	_ =	strace $0x90000046  }
0xb4: {  	s29 =	simm.s32 $0x9;
	_ =	strace $0x80000048  }
0xb5: {  	_ =	swait.ge [sflag:s29], $0x1  }
0xb6: {  	[sflag:s29] =	ssyncadd.s32 $0xFFFFFFFF  }
0xb7: {  	_ =	strace $0x90000048  }
0xb8: {  	_ =	sfence  }
0xb9: {  	s30 =	sld [smem:$0x0];
	_ =	sdelay $0x2  }
0xba: {  	s31 =	sshll.u32 s1, $0xD;
	s1 =	sshrl.u32 s1, $0x2  }
0xbb: {  	s3 =	sand.u32 $0x4000, s31;
	s1 =	sadd.s32 s1, s30  }
0xbc: {  	s0 =	sor.u32 s3, s0;
	s1 =	sshll.u32 s1, $0x11  }
0xbd: {  	s0 =	sor.u32 s1, s0  }
0xbe: {  	s0 =	sadd.s32 $0x8F2B, s0  }
0xbf: {  	[sflag:s0] =	ssyncadd.remote.s32 $0x1  }
0xc0: {  	_ =	sfence.sel $0xFFFF  }
0xc1: {  	[dreg:$0x0] =	wrdreg $0xFFFFFFFF;
	(pc) =	sbr.abs _section_cstart, $3  }
0xc2: {  	[dreg:$0x1] =	wrdreg $0xFFFFFFFF  }
0xc3: {  	_ =	task.clear_ibuf [dreg:s7], $0x2FFFF;
	_ =	strace $0x9FFFFFFF  }
0xc4: {  	(tm) =	ssettm $0x7FFFFFFF  }
0xc5: {  	_ =	shalt  }
tec
execute0_lowered:
.L_overlay_start_1:
0x0: {  	(tag) =	ssettag $0x1  }
0x1: {  	s0 =	rddreg [dreg:$0x0]  }
0x2: {  	s4 =	rddreg [dreg:$0x1]  }
0x3: {  	s1 =	rddreg [dreg:$0x2];
	s3 =	srdreg.scid  }
0x4: {  	s2 =	rddreg [dreg:$0x3];
	s16 =	stileid.u32  }
0x5: {  	s30 =	simm.s32 $0x4;
	s31 =	simm.s32 $0x6;
	s6 =	sand.u32 $0x1, s3  }
0x6: {  	s3 =	simm.s32 $0x0;
	s5 =	sadd.s32 $0x2800, s0;
	s10 =	smul.u32 $0x28000, s16  }
0x7: {  	s9 =	sadd.s32 $0x2B200, s0;
	s11 =	sadd.s32 $0x3FA00, s0;
	s13 =	smul.u32 $0x280, s16  }
0x8: {  	s21 =	smul.u32 $0x2800, s6;
	[smem:$0x7FF] =	sst s3;
	s6 =	ssub.s32 $0x2, s6  }
0x9: {  	_ =	strace $0x80000047;
	s12 =	sshrl.u32 s6, $0x1;
	s10 =	sshrl.u32 s10, $0x2  }
0xa: {  	s7 =	sshrl.u32 s21, $0x3;
	s6 =	ssub.s32 s6, s12;
	s28 =	sadd.s32 s13, s21  }
0xb: {  	v0 =	vmov s21;
	s21 =	simm.s32 $0x0;
	s8 =	sadd.s32 s7, s0;
	s0 =	sadd.s32 $0x67A00, s0  }
0xc: {  	s4 =	sadd.s32 s4, s7;
	s29 =	sshll.u32 s28, $0x3;
	s14 =	sshrl.u32 s28, $0x3  }
0xd: {  	s15 =	sadd.s32 $0x80, s28;
	s20 =	sadd.s32 $0x100, s28;
	s24 =	sadd.s32 $0x180, s28  }
0xe: {  	s7 =	sadd.s32 $0x200, s28;
	s28 =	smul.u32 $0xA40, s16;
	[dreg:$0x6] =	wrdreg s4  }
0xf: {  	s4 =	smul.u32 $0x5200, s16;
	s12 =	sadd.s32 s11, s29;
	s17 =	sadd.s32 s0, s14  }
0x10: {  	s18 =	sshll.u32 s15, $0x3;
	s19 =	sshrl.u32 s15, $0x3;
	s22 =	sshll.u32 s20, $0x3  }
0x11: {  	s14 =	sshrl.u32 s20, $0x3;
	s25 =	sshll.u32 s24, $0x3;
	s26 =	sshll.u32 s7, $0x3  }
0x12: {  	s7 =	sshrl.u32 s7, $0x3;
	s29 =	sadd.s32 $0x80, s13;
	[dreg:$0x7] =	wrdreg s12  }
0x13: {  	s15 =	sadd.s32 $0x180, s13;
	s16 =	sadd.s32 s13, s2;
	[dreg:$0x8] =	wrdreg s17  }
0x14: {  	s12 =	sadd.s32 s11, s18;
	s23 =	sadd.s32 s0, s14;
	s14 =	sadd.s32 s11, s25  }
0x15: {  	s18 =	sadd.s32 s28, s9;
	s25 =	sadd.s32 s10, s1;
	[dreg:$0x14] =	wrdreg s16  }
0x16: {  	s17 =	sadd.s32 $0x200, s13;
	s28 =	sadd.s32 $0x2A800, s8;
	[dreg:$0x9] =	wrdreg s12  }
0x17: {  	s8 =	simm.s32 $0xCA80;
	s10 =	simm.s32 $0x52000;
	[dreg:$0xc] =	wrdreg s23  }
0x18: {  	s16 =	simm.s32 $0xF500;
	s12 =	sadd.s32 s0, s19;
	[dreg:$0xd] =	wrdreg s14  }
0x19: {  	s4 =	sshrl.u32 s4, $0x3;
	s19 =	sshll.u32 s15, $0x6;
	[dreg:$0x1a] =	wrdreg s28  }
0x1a: {  	[dreg:$0xa] =	wrdreg s12;
	s12 =	sadd.s32 s11, s22;
	s11 =	sadd.s32 s11, s26  }
0x1b: {  	s4 =	sadd.s32 s9, s4;
	s9 =	sshll.u32 s29, $0x6;
	[dreg:$0xb] =	wrdreg s12  }
0x1c: {  	s20 =	sadd.s32 s19, s1;
	s22 =	sshll.u32 s17, $0x6;
	[dreg:$0xf] =	wrdreg s11  }
0x1d: {  	s19 =	simm.s32 $0xF400;
	s12 =	sshrl.u32 s24, $0x3;
	[dreg:$0x11] =	wrdreg s4  }
0x1e: {  	s11 =	sadd.s32 $0x100, s13;
	[dreg:$0x16] =	wrdreg s20;
	s23 =	sadd.s32 s22, s1  }
0x1f: {  	s26 =	sadd.s32 s9, s1;
	s24 =	sadd.s32 s17, s2;
	[dreg:$0x18] =	wrdreg s23  }
0x20: {  	s4 =	simm.s32 $0x8;
	s12 =	sadd.s32 s0, s12;
	[dreg:$0x19] =	wrdreg s24  }
0x21: {  	s9 =	simm.s32 $0x80;
	s0 =	sadd.s32 s0, s7;
	[dreg:$0xe] =	wrdreg s12  }
0x22: {  	s13 =	simm.s32 $0x3;
	s7 =	simm.s32 $0xF480;
	[dreg:$0x10] =	wrdreg s0  }
0x23: {  	s17 =	simm.s32 $0x11680;
	s20 =	simm.s32 $0xF600;
	[dreg:$0x5] =	wrdreg s7  }
0x24: {  	s12 =	sshll.u32 s11, $0x6;
	s0 =	sadd.s32 s29, s2;
	s7 =	sadd.s32 s11, s2  }
0x25: {  	s29 =	smax.u32 s6, $0x1;
	s6 =	simm.s32 $0xF580;
	[dreg:$0x12] =	wrdreg s0  }
0x26: {  	s11 =	simm.s32 $0x1;
	s14 =	sadd.s32 s12, s1;
	[dreg:$0x15] =	wrdreg s7  }
0x27: {  	s0 =	sadd.s32 s15, s2;
	[dreg:$0x1b] =	wrdreg s29;
	s7 =	simm.s32 $0xA280  }
0x28: {  	s12 =	simm.s32 $0xF380;
	s15 =	simm.s32 $0x2;
	[dreg:$0x13] =	wrdreg s14  }
0x29: {  	v1 =	vimm.f32 $0.0e+00;
	[dreg:$0x17] =	wrdreg s0;
	s0 =	simm.s32 $0xF680;
	s14 =	simm.s32 $0xF300  }
.LBB2_1:
0x2a: {  	s23 =	simm.s32 $0x100;
	s22 =	simm.s32 $0x0  }
.LBB2_2:
0x2b: {  	p0 =	sne.s32 s23, $0x7F00;
	[tilespmem:s22+$0xF6B0] =	vst v1;
	s24 =	smov.u32 s23;
	s23 =	sadd.s32 $0x100, s23  }
.Ltmp0:
0x2c: {  	[tilespmem:s22+$0xF6A0] =	vst v1;
	(pc) =	sbr.rel @p0 .LBB2_2-.Ltmp0, $3  }
0x2d: {  	[tilespmem:s22+$0xF680] =	vst v1  }
0x2e: {  	[tilespmem:s22+$0xF690] =	vst v1;
	_ =	sdelay $0x1  }
0x2f: {  	s22 =	sshra.s32 s24, $0x2  }
0x30: {  	[tilespmem:s22+$0xF6B0] =	vst v1  }
0x31: {  	[tilespmem:s22+$0xF6A0] =	vst v1  }
0x32: {  	[tilespmem:s22+$0xF680] =	vst v1  }
0x33: {  	[tilespmem:s22+$0xF690] =	vst v1  }
0x34: {  	[tilespmem:$0xF580] =	vst v1  }
0x35: {  	[tilespmem:$0xF590] =	vst v1  }
0x36: {  	[tilespmem:$0xF5A0] =	vst v1  }
0x37: {  	[tilespmem:$0xF5B0] =	vst v1  }
0x38: {  	[tilespmem:$0xF5C0] =	vst v1  }
0x39: {  	[tilespmem:$0xF5D0] =	vst v1  }
0x3a: {  	[tilespmem:$0xF5E0] =	vst v1  }
0x3b: {  	[tilespmem:$0xF5F0] =	vst v1  }
0x3c: {  	[spmem:s25] =	stream.linear.scatter [tilespmem:s0], [sflag:$0x8], $0x2000, $0x38;
	[tilespmem:$0x13680] =	vst v63  }
0x3d: {  	_ =	swait.ge [sflag:s4], $0x2000  }
0x3e: {  	[sflag:s4] =	ssyncset.done $0x0  }
0x3f: {  	s28 =	smov.u32 s25;
	s25 =	rddreg [dreg:$0x14];
	[sflag:s4] =	ssyncadd.s32 $0xFFFFE000  }
0x40: {  	[spmem:s25] =	stream.linear.scatter [tilespmem:s6], [sflag:$0x8], $0x80, $0x38;
	[tilespmem:$0x13680] =	vst v63  }
0x41: {  	_ =	swait.ge [sflag:s4], $0x80  }
0x42: {  	[sflag:s4] =	ssyncset.done $0x0  }
0x43: {  	[sflag:s4] =	ssyncadd.s32 $0xFFFFFF80  }
0x44: {  	[spmem:s26] =	stream.linear.scatter [tilespmem:s0], [sflag:$0x8], $0x2000, $0x38;
	[tilespmem:$0x13680] =	vst v63  }
0x45: {  	_ =	swait.ge [sflag:s4], $0x2000  }
0x46: {  	[sflag:s4] =	ssyncset.done $0x0  }
0x47: {  	s29 =	smov.u32 s26;
	s26 =	rddreg [dreg:$0x12];
	[sflag:s4] =	ssyncadd.s32 $0xFFFFE000  }
0x48: {  	[spmem:s26] =	stream.linear.scatter [tilespmem:s6], [sflag:$0x8], $0x80, $0x38;
	[tilespmem:$0x13680] =	vst v63  }
0x49: {  	_ =	swait.ge [sflag:s4], $0x80  }
0x4a: {  	[sflag:s4] =	ssyncset.done $0x0  }
0x4b: {  	s23 =	rddreg [dreg:$0x13];
	[sflag:s4] =	ssyncadd.s32 $0xFFFFFF80  }
0x4c: {  	[spmem:s23] =	stream.linear.scatter [tilespmem:s0], [sflag:$0x8], $0x2000, $0x38;
	[tilespmem:$0x13680] =	vst v63  }
0x4d: {  	_ =	swait.ge [sflag:s4], $0x2000  }
0x4e: {  	[sflag:s4] =	ssyncset.done $0x0  }
0x4f: {  	s24 =	rddreg [dreg:$0x15];
	[sflag:s4] =	ssyncadd.s32 $0xFFFFE000  }
0x50: {  	[spmem:s24] =	stream.linear.scatter [tilespmem:s6], [sflag:$0x8], $0x80, $0x38;
	[tilespmem:$0x13680] =	vst v63  }
0x51: {  	_ =	swait.ge [sflag:s4], $0x80  }
0x52: {  	[sflag:s4] =	ssyncset.done $0x0  }
0x53: {  	s25 =	rddreg [dreg:$0x16];
	[sflag:s4] =	ssyncadd.s32 $0xFFFFFF80  }
0x54: {  	[spmem:s25] =	stream.linear.scatter [tilespmem:s0], [sflag:$0x8], $0x2000, $0x38;
	[tilespmem:$0x13680] =	vst v63  }
0x55: {  	_ =	swait.ge [sflag:s4], $0x2000  }
0x56: {  	[sflag:s4] =	ssyncset.done $0x0  }
0x57: {  	s26 =	rddreg [dreg:$0x17];
	[sflag:s4] =	ssyncadd.s32 $0xFFFFE000  }
0x58: {  	[spmem:s26] =	stream.linear.scatter [tilespmem:s6], [sflag:$0x8], $0x80, $0x38;
	[tilespmem:$0x13680] =	vst v63  }
0x59: {  	_ =	swait.ge [sflag:s4], $0x80  }
0x5a: {  	[sflag:s4] =	ssyncset.done $0x0  }
0x5b: {  	s23 =	rddreg [dreg:$0x18];
	[sflag:s4] =	ssyncadd.s32 $0xFFFFFF80  }
0x5c: {  	[spmem:s23] =	stream.linear.scatter [tilespmem:s0], [sflag:$0x8], $0x2000, $0x38;
	[tilespmem:$0x13680] =	vst v63  }
0x5d: {  	_ =	swait.ge [sflag:s4], $0x2000  }
0x5e: {  	[sflag:s4] =	ssyncset.done $0x0  }
0x5f: {  	s24 =	rddreg [dreg:$0x19];
	[sflag:s4] =	ssyncadd.s32 $0xFFFFE000  }
0x60: {  	[spmem:s24] =	stream.linear.scatter [tilespmem:s6], [sflag:$0x8], $0x80, $0x38;
	[tilespmem:$0x13680] =	vst v63  }
0x61: {  	_ =	swait.ge [sflag:s4], $0x80  }
0x62: {  	[sflag:s4] =	ssyncset.done $0x0  }
0x63: {  	s22 =	simm.s32 $0x0;
	s23 =	rddreg [dreg:$0x6];
	[sflag:s4] =	ssyncadd.s32 $0xFFFFFF80  }
0x64: {  	[tilespmem:s7], [sflag:$0x8] =	stream.linear.gather [hbm4b:s23+s22], $0x2800, $0x38;
	[tilespmem:$0x13680] =	vst v63  }
0x65: {  	_ =	swait.ge [sflag:s4], $0x2800  }
0x66: {  	[sflag:s4] =	ssyncset.done $0x0  }
0x67: {  	s25 =	rddreg [dreg:$0x1a];
	[sflag:s4] =	ssyncadd.s32 $0xFFFFD800  }
0x68: {  	[tilespmem:s8], [sflag:$0x8] =	stream.linear.gather [hbm4b:s25+s22], $0x2800, $0x38;
	[tilespmem:$0x13680] =	vst v63  }
0x69: {  	_ =	swait.ge [sflag:s4], $0x2800  }
0x6a: {  	[sflag:s4] =	ssyncset.done $0x0  }
0x6b: {  	[sflag:s4] =	ssyncadd.s32 $0xFFFFD800  }
0x6c: {  	[bflag:$0x0] =	sbarrier.arrive $0xFFFF  }
0x6d: {  	s24 =	simm.s32 $0xF280;
	s26 =	rddreg [dreg:$0x11]  }
0x6e: {  	[tilespmem:s24], [sflag:$0x1] =	stream.strided.gather [hbm4b:s26+s9], $0x100, s10, s9, $0x38;
	[tilespmem:$0x13680] =	vst v63  }
.LBB2_4:
0x6f: {  	_ =	swait.ge [sflag:s11], $0x100  }
0x70: {  	[sflag:s11] =	ssyncset.done $0x0  }
0x71: {  	[sflag:s11] =	ssyncadd.s32 $0xFFFFFF00  }
0x72: {  	v2 =	vld [tilespmem:$0xF280]  }
0x73: {  	v3 =	vld [tilespmem:$0xF300];
	_ =	sdelay $0x6  }
0x74: {  	v4 =	vld.idx.msk [tilespmem:v2+s7+$0x0], $0xffff  }
0x75: {  	v3 =	vld.idx.msk [tilespmem:v3+s8+$0x0], $0xffff;
	_ =	sdelay $0x4  }
0x76: {  	v3 =	vadd.f32 v3, v4;
	_ =	sdelay $0x1  }
0x77: {  	v4 =	vmul.f32 $2.000000030e-01, v3  }
0x78: {  	vm0 =	vge.f32 v3, $0.0e+00  }
0x79: {  	v3 =	vsel vm0, v3, v4  }
0x7a: {  	v3 =	vmul.f32 $1.442695020e+00, v3;
	_ =	sdelay $0x1  }
0x7b: {  	(erf) = vpow2.f32 v3;
	_ =	sdelay $0x2  }
0x7c: {  	v3 =	vld [tilespmem:$0xF290]  }
0x7d: {  	v36 =	vld [tilespmem:$0xF310];
	_ =	sdelay $0x3  }
0x7e: {  	v2 =	vadd.s32 v0, v2  }
0x7f: {  	[tilespmem:$0xF480] =	vst v2;
	v5 =	vpop (erf)  }
0x80: {  	[tilespmem:$0xF580] =	vst v5  }
0x81: {  	v2 =	vld.idx.msk [tilespmem:v3+s7+$0x0], $0xffff  }
0x82: {  	v4 =	vld.idx.msk [tilespmem:v36+s8+$0x0], $0xffff;
	_ =	sdelay $0x4  }
0x83: {  	v2 =	vadd.f32 v4, v2;
	_ =	sdelay $0x1  }
0x84: {  	v4 =	vmul.f32 $2.000000030e-01, v2  }
0x85: {  	vm13 =	vge.f32 v2, $0.0e+00  }
0x86: {  	v2 =	vsel vm13, v2, v4  }
0x87: {  	v2 =	vmul.f32 $1.442695020e+00, v2;
	_ =	sdelay $0x1  }
0x88: {  	(erf) = vpow2.f32 v2;
	_ =	sdelay $0x2  }
0x89: {  	v2 =	vld [tilespmem:$0xF2A0]  }
0x8a: {  	v37 =	vld [tilespmem:$0xF320];
	_ =	sdelay $0x3  }
0x8b: {  	v3 =	vadd.s32 v0, v3  }
0x8c: {  	[tilespmem:$0xF490] =	vst v3;
	v38 =	vpop (erf)  }
0x8d: {  	[tilespmem:$0xF590] =	vst v38  }
0x8e: {  	v3 =	vld.idx.msk [tilespmem:v2+s7+$0x0], $0xffff  }
0x8f: {  	v4 =	vld.idx.msk [tilespmem:v37+s8+$0x0], $0xffff;
	_ =	sdelay $0x4  }
0x90: {  	v3 =	vadd.f32 v4, v3;
	_ =	sdelay $0x1  }
0x91: {  	v4 =	vmul.f32 $2.000000030e-01, v3  }
0x92: {  	vm14 =	vge.f32 v3, $0.0e+00  }
0x93: {  	v3 =	vsel vm14, v3, v4  }
0x94: {  	v3 =	vmul.f32 $1.442695020e+00, v3;
	_ =	sdelay $0x1  }
0x95: {  	(erf) = vpow2.f32 v3;
	_ =	sdelay $0x2  }
0x96: {  	v3 =	vld [tilespmem:$0xF2B0]  }
0x97: {  	v39 =	vld [tilespmem:$0xF330];
	_ =	sdelay $0x3  }
0x98: {  	v2 =	vadd.s32 v0, v2  }
0x99: {  	[tilespmem:$0xF4A0] =	vst v2;
	v40 =	vpop (erf)  }
0x9a: {  	[tilespmem:$0xF5A0] =	vst v40  }
0x9b: {  	v2 =	vld.idx.msk [tilespmem:v3+s7+$0x0], $0xffff  }
0x9c: {  	v4 =	vld.idx.msk [tilespmem:v39+s8+$0x0], $0xffff;
	_ =	sdelay $0x4  }
0x9d: {  	v2 =	vadd.f32 v4, v2;
	_ =	sdelay $0x1  }
0x9e: {  	v4 =	vmul.f32 $2.000000030e-01, v2  }
0x9f: {  	vm15 =	vge.f32 v2, $0.0e+00  }
0xa0: {  	v2 =	vsel vm15, v2, v4  }
0xa1: {  	v2 =	vmul.f32 $1.442695020e+00, v2;
	_ =	sdelay $0x1  }
0xa2: {  	(erf) = vpow2.f32 v2;
	_ =	sdelay $0x2  }
0xa3: {  	v2 =	vld [tilespmem:$0xF2C0]  }
0xa4: {  	v41 =	vld [tilespmem:$0xF340];
	_ =	sdelay $0x3  }
0xa5: {  	v3 =	vadd.s32 v0, v3  }
0xa6: {  	[tilespmem:$0xF4B0] =	vst v3;
	v42 =	vpop (erf)  }
0xa7: {  	[tilespmem:$0xF5B0] =	vst v42  }
0xa8: {  	v3 =	vld.idx.msk [tilespmem:v2+s7+$0x0], $0xffff  }
0xa9: {  	v4 =	vld.idx.msk [tilespmem:v41+s8+$0x0], $0xffff;
	_ =	sdelay $0x4  }
0xaa: {  	v3 =	vadd.f32 v4, v3;
	_ =	sdelay $0x1  }
0xab: {  	v4 =	vmul.f32 $2.000000030e-01, v3  }
0xac: {  	vm4 =	vge.f32 v3, $0.0e+00  }
0xad: {  	v3 =	vsel vm4, v3, v4  }
0xae: {  	v3 =	vmul.f32 $1.442695020e+00, v3;
	_ =	sdelay $0x1  }
0xaf: {  	(erf) = vpow2.f32 v3;
	_ =	sdelay $0x2  }
0xb0: {  	v3 =	vld [tilespmem:$0xF2D0]  }
0xb1: {  	v43 =	vld [tilespmem:$0xF350];
	_ =	sdelay $0x3  }
0xb2: {  	v2 =	vadd.s32 v0, v2  }
0xb3: {  	[tilespmem:$0xF4C0] =	vst v2;
	v44 =	vpop (erf)  }
0xb4: {  	[tilespmem:$0xF5C0] =	vst v44  }
0xb5: {  	v2 =	vld.idx.msk [tilespmem:v3+s7+$0x0], $0xffff  }
0xb6: {  	v4 =	vld.idx.msk [tilespmem:v43+s8+$0x0], $0xffff;
	_ =	sdelay $0x4  }
0xb7: {  	v2 =	vadd.f32 v4, v2;
	_ =	sdelay $0x1  }
0xb8: {  	v4 =	vmul.f32 $2.000000030e-01, v2  }
0xb9: {  	vm5 =	vge.f32 v2, $0.0e+00  }
0xba: {  	v2 =	vsel vm5, v2, v4  }
0xbb: {  	v2 =	vmul.f32 $1.442695020e+00, v2;
	_ =	sdelay $0x1  }
0xbc: {  	(erf) = vpow2.f32 v2;
	_ =	sdelay $0x2  }
0xbd: {  	v2 =	vld [tilespmem:$0xF2E0]  }
0xbe: {  	v45 =	vld [tilespmem:$0xF360];
	_ =	sdelay $0x3  }
0xbf: {  	v3 =	vadd.s32 v0, v3  }
0xc0: {  	[tilespmem:$0xF4D0] =	vst v3;
	v46 =	vpop (erf)  }
0xc1: {  	[tilespmem:$0xF5D0] =	vst v46  }
0xc2: {  	v3 =	vld.idx.msk [tilespmem:v2+s7+$0x0], $0xffff  }
0xc3: {  	v4 =	vld.idx.msk [tilespmem:v45+s8+$0x0], $0xffff;
	_ =	sdelay $0x4  }
0xc4: {  	v3 =	vadd.f32 v4, v3;
	_ =	sdelay $0x1  }
0xc5: {  	v4 =	vmul.f32 $2.000000030e-01, v3  }
0xc6: {  	vm6 =	vge.f32 v3, $0.0e+00  }
0xc7: {  	v3 =	vsel vm6, v3, v4  }
0xc8: {  	v3 =	vmul.f32 $1.442695020e+00, v3;
	_ =	sdelay $0x1  }
0xc9: {  	(erf) = vpow2.f32 v3;
	_ =	sdelay $0x2  }
0xca: {  	v3 =	vld [tilespmem:$0xF2F0]  }
0xcb: {  	v47 =	vld [tilespmem:$0xF370];
	_ =	sdelay $0x3  }
0xcc: {  	v2 =	vadd.s32 v0, v2  }
0xcd: {  	[tilespmem:$0xF4E0] =	vst v2;
	v48 =	vpop (erf)  }
0xce: {  	[tilespmem:$0xF5E0] =	vst v48  }
0xcf: {  	v2 =	vld.idx.msk [tilespmem:v3+s7+$0x0], $0xffff  }
0xd0: {  	v4 =	vld.idx.msk [tilespmem:v47+s8+$0x0], $0xffff;
	_ =	sdelay $0x4  }
0xd1: {  	v2 =	vadd.f32 v4, v2;
	_ =	sdelay $0x1  }
0xd2: {  	v4 =	vmul.f32 $2.000000030e-01, v2  }
0xd3: {  	vm7 =	vge.f32 v2, $0.0e+00  }
0xd4: {  	v2 =	vsel vm7, v2, v4  }
0xd5: {  	v2 =	vmul.f32 $1.442695020e+00, v2;
	_ =	sdelay $0x1  }
0xd6: {  	(erf) = vpow2.f32 v2;
	_ =	sdelay $0x8  }
0xd7: {  	v2 =	vpop (erf)  }
0xd8: {  	[tilespmem:$0xF5F0] =	vst v2;
	v2 =	vadd.s32 v0, v3  }
0xd9: {  	p0 =	seq.s32 s22, $0x0;
	s23 =	rddreg [dreg:$0x5];
	[tilespmem:$0xF4F0] =	vst v2  }
0xda: {  	[tilespmem:s0], [sflag:$0x3] =	stream.indirect.gather [hbm4b:s5+s9], $0x40, s23, s9, $0xb8;
	[tilespmem:$0x13680] =	vst v63  }
0xdb: {  	s23 =	simm.s32 @!p0 $0x5  }
0xdc: {  	_ =	swait.ge @!p0 [sflag:s23], $0x2000  }
0xdd: {  	[sflag:s23] =	ssyncset.done @!p0 $0x0  }
0xde: {  	[sflag:s23] =	ssyncadd.s32 @!p0 $0xFFFFE000;
	s23 =	simm.s32 @!p0 $0x7  }
0xdf: {  	_ =	swait.ge @!p0 [sflag:s23], $0x80  }
0xe0: {  	s24 =	sadd.s32 s22, s18;
	[sflag:s23] =	ssyncset.done @!p0 $0x0  }
0xe1: {  	s26 =	sadd.s32 $0x10, s24;
	[sflag:s23] =	ssyncadd.s32 @!p0 $0xFFFFFF80  }
0xe2: {  	[tilespmem:s12], [sflag:$0x2] =	stream.strided.gather [hbm4b:s26+s9], $0x100, s10, s9, $0x38;
	[tilespmem:$0x13680] =	vst v63  }
0xe3: {  	_ =	swait.ge [sflag:s13], $0x2000  }
0xe4: {  	[sflag:s13] =	ssyncset.done $0x0  }
0xe5: {  	[sflag:s13] =	ssyncadd.s32 $0xFFFFE000  }
0xe6: {  	[spmem:s1] =	stream.indirect.scatter.add.f32 [tilespmem:s0], [sflag:$0x4], $0x40, s14, s9, $0xb8;
	[tilespmem:$0x13680] =	vst v63  }
0xe7: {  	_ = 	snop  }
0xe8: {  	[spmem:s2] =	stream.indirect.scatter.add.f32 [tilespmem:s6], [sflag:$0x6], $0x1, s14, s9, $0xb8;
	[tilespmem:$0x13680] =	vst v63  }
0xe9: {  	_ =	swait.ge [sflag:s15], $0x100  }
0xea: {  	[sflag:s15] =	ssyncset.done $0x0  }
0xeb: {  	[sflag:s15] =	ssyncadd.s32 $0xFFFFFF00  }
0xec: {  	v2 =	vld [tilespmem:$0xF380]  }
0xed: {  	v3 =	vld [tilespmem:$0xF400];
	_ =	sdelay $0x6  }
0xee: {  	v49 =	vld.idx.msk [tilespmem:v2+s7+$0x0], $0xffff  }
0xef: {  	v3 =	vld.idx.msk [tilespmem:v3+s8+$0x0], $0xffff;
	_ =	sdelay $0x4  }
0xf0: {  	v3 =	vadd.f32 v3, v49;
	_ =	sdelay $0x1  }
0xf1: {  	v4 =	vmul.f32 $2.000000030e-01, v3  }
0xf2: {  	vm8 =	vge.f32 v3, $0.0e+00  }
0xf3: {  	v3 =	vsel vm8, v3, v4  }
0xf4: {  	v3 =	vmul.f32 $1.442695020e+00, v3;
	_ =	sdelay $0x1  }
0xf5: {  	(erf) = vpow2.f32 v3;
	_ =	sdelay $0x2  }
0xf6: {  	v3 =	vld [tilespmem:$0xF390]  }
0xf7: {  	v50 =	vld [tilespmem:$0xF410];
	_ =	sdelay $0x3  }
0xf8: {  	v2 =	vadd.s32 v0, v2  }
0xf9: {  	[tilespmem:$0xF500] =	vst v2;
	v51 =	vpop (erf)  }
0xfa: {  	[tilespmem:$0xF600] =	vst v51  }
0xfb: {  	v2 =	vld.idx.msk [tilespmem:v3+s7+$0x0], $0xffff  }
0xfc: {  	v4 =	vld.idx.msk [tilespmem:v50+s8+$0x0], $0xffff;
	_ =	sdelay $0x4  }
0xfd: {  	v2 =	vadd.f32 v4, v2;
	_ =	sdelay $0x1  }
0xfe: {  	v4 =	vmul.f32 $2.000000030e-01, v2  }
0xff: {  	vm9 =	vge.f32 v2, $0.0e+00  }
0x100: {  	v2 =	vsel vm9, v2, v4  }
0x101: {  	v2 =	vmul.f32 $1.442695020e+00, v2;
	_ =	sdelay $0x1  }
0x102: {  	(erf) = vpow2.f32 v2;
	_ =	sdelay $0x2  }
0x103: {  	v2 =	vld [tilespmem:$0xF3A0]  }
0x104: {  	v52 =	vld [tilespmem:$0xF420];
	_ =	sdelay $0x3  }
0x105: {  	v3 =	vadd.s32 v0, v3  }
0x106: {  	[tilespmem:$0xF510] =	vst v3;
	v53 =	vpop (erf)  }
0x107: {  	[tilespmem:$0xF610] =	vst v53  }
0x108: {  	v3 =	vld.idx.msk [tilespmem:v2+s7+$0x0], $0xffff  }
0x109: {  	v4 =	vld.idx.msk [tilespmem:v52+s8+$0x0], $0xffff;
	_ =	sdelay $0x4  }
0x10a: {  	v3 =	vadd.f32 v4, v3;
	_ =	sdelay $0x1  }
0x10b: {  	v4 =	vmul.f32 $2.000000030e-01, v3  }
0x10c: {  	vm10 =	vge.f32 v3, $0.0e+00  }
0x10d: {  	v3 =	vsel vm10, v3, v4  }
0x10e: {  	v3 =	vmul.f32 $1.442695020e+00, v3;
	_ =	sdelay $0x1  }
0x10f: {  	(erf) = vpow2.f32 v3;
	_ =	sdelay $0x2  }
0x110: {  	v3 =	vld [tilespmem:$0xF3B0]  }
0x111: {  	v54 =	vld [tilespmem:$0xF430];
	_ =	sdelay $0x3  }
0x112: {  	v2 =	vadd.s32 v0, v2  }
0x113: {  	[tilespmem:$0xF520] =	vst v2;
	v55 =	vpop (erf)  }
0x114: {  	[tilespmem:$0xF620] =	vst v55  }
0x115: {  	v2 =	vld.idx.msk [tilespmem:v3+s7+$0x0], $0xffff  }
0x116: {  	v4 =	vld.idx.msk [tilespmem:v54+s8+$0x0], $0xffff;
	_ =	sdelay $0x4  }
0x117: {  	v2 =	vadd.f32 v4, v2;
	_ =	sdelay $0x1  }
0x118: {  	v4 =	vmul.f32 $2.000000030e-01, v2  }
0x119: {  	vm11 =	vge.f32 v2, $0.0e+00  }
0x11a: {  	v2 =	vsel vm11, v2, v4  }
0x11b: {  	v2 =	vmul.f32 $1.442695020e+00, v2;
	_ =	sdelay $0x1  }
0x11c: {  	(erf) = vpow2.f32 v2;
	_ =	sdelay $0x2  }
0x11d: {  	v2 =	vld [tilespmem:$0xF3C0]  }
0x11e: {  	v56 =	vld [tilespmem:$0xF440];
	_ =	sdelay $0x3  }
0x11f: {  	v3 =	vadd.s32 v0, v3  }
0x120: {  	[tilespmem:$0xF530] =	vst v3;
	v57 =	vpop (erf)  }
0x121: {  	[tilespmem:$0xF630] =	vst v57  }
0x122: {  	v3 =	vld.idx.msk [tilespmem:v2+s7+$0x0], $0xffff  }
0x123: {  	v4 =	vld.idx.msk [tilespmem:v56+s8+$0x0], $0xffff;
	_ =	sdelay $0x4  }
0x124: {  	v3 =	vadd.f32 v4, v3;
	_ =	sdelay $0x1  }
0x125: {  	v4 =	vmul.f32 $2.000000030e-01, v3  }
0x126: {  	vm12 =	vge.f32 v3, $0.0e+00  }
0x127: {  	v3 =	vsel vm12, v3, v4  }
0x128: {  	v3 =	vmul.f32 $1.442695020e+00, v3;
	_ =	sdelay $0x1  }
0x129: {  	(erf) = vpow2.f32 v3;
	_ =	sdelay $0x2  }
0x12a: {  	v3 =	vld [tilespmem:$0xF3D0]  }
0x12b: {  	v58 =	vld [tilespmem:$0xF450];
	_ =	sdelay $0x3  }
0x12c: {  	v2 =	vadd.s32 v0, v2  }
0x12d: {  	[tilespmem:$0xF540] =	vst v2;
	v59 =	vpop (erf)  }
0x12e: {  	[tilespmem:$0xF640] =	vst v59  }
0x12f: {  	v2 =	vld.idx.msk [tilespmem:v3+s7+$0x0], $0xffff  }
0x130: {  	v4 =	vld.idx.msk [tilespmem:v58+s8+$0x0], $0xffff;
	_ =	sdelay $0x4  }
0x131: {  	v2 =	vadd.f32 v4, v2;
	_ =	sdelay $0x1  }
0x132: {  	v4 =	vmul.f32 $2.000000030e-01, v2  }
0x133: {  	vm13 =	vge.f32 v2, $0.0e+00  }
0x134: {  	v2 =	vsel vm13, v2, v4  }
0x135: {  	v2 =	vmul.f32 $1.442695020e+00, v2;
	_ =	sdelay $0x1  }
0x136: {  	(erf) = vpow2.f32 v2;
	_ =	sdelay $0x2  }
0x137: {  	v2 =	vld [tilespmem:$0xF3E0]  }
0x138: {  	v60 =	vld [tilespmem:$0xF460];
	_ =	sdelay $0x3  }
0x139: {  	v3 =	vadd.s32 v0, v3  }
0x13a: {  	[tilespmem:$0xF550] =	vst v3;
	v61 =	vpop (erf)  }
0x13b: {  	[tilespmem:$0xF650] =	vst v61  }
0x13c: {  	v3 =	vld.idx.msk [tilespmem:v2+s7+$0x0], $0xffff  }
0x13d: {  	v4 =	vld.idx.msk [tilespmem:v60+s8+$0x0], $0xffff;
	_ =	sdelay $0x4  }
0x13e: {  	v3 =	vadd.f32 v4, v3;
	_ =	sdelay $0x1  }
0x13f: {  	v4 =	vmul.f32 $2.000000030e-01, v3  }
0x140: {  	vm14 =	vge.f32 v3, $0.0e+00  }
0x141: {  	v3 =	vsel vm14, v3, v4  }
0x142: {  	v3 =	vmul.f32 $1.442695020e+00, v3;
	_ =	sdelay $0x1  }
0x143: {  	(erf) = vpow2.f32 v3;
	_ =	sdelay $0x2  }
0x144: {  	v3 =	vld [tilespmem:$0xF3F0]  }
0x145: {  	v62 =	vld [tilespmem:$0xF470];
	_ =	sdelay $0x3  }
0x146: {  	v2 =	vadd.s32 v0, v2  }
0x147: {  	[tilespmem:$0xF560] =	vst v2;
	v63 =	vpop (erf)  }
0x148: {  	[tilespmem:$0xF660] =	vst v63  }
0x149: {  	v2 =	vld.idx.msk [tilespmem:v3+s7+$0x0], $0xffff  }
0x14a: {  	v4 =	vld.idx.msk [tilespmem:v62+s8+$0x0], $0xffff;
	_ =	sdelay $0x4  }
0x14b: {  	v2 =	vadd.f32 v4, v2;
	_ =	sdelay $0x1  }
0x14c: {  	v4 =	vmul.f32 $2.000000030e-01, v2  }
0x14d: {  	vm15 =	vge.f32 v2, $0.0e+00  }
0x14e: {  	v2 =	vsel vm15, v2, v4  }
0x14f: {  	v2 =	vmul.f32 $1.442695020e+00, v2;
	_ =	sdelay $0x1  }
0x150: {  	(erf) = vpow2.f32 v2;
	_ =	sdelay $0x8  }
0x151: {  	v2 =	vpop (erf)  }
0x152: {  	[tilespmem:$0xF670] =	vst v2;
	v2 =	vadd.s32 v0, v3  }
0x153: {  	[tilespmem:$0xF570] =	vst v2  }
0x154: {  	[tilespmem:s17], [sflag:$0x3] =	stream.indirect.gather [hbm4b:s5+s9], $0x40, s16, s9, $0xb8;
	[tilespmem:$0x13680] =	vst v63  }
0x155: {  	_ =	swait.ge [sflag:s30], $0x2000  }
0x156: {  	[sflag:s30] =	ssyncset.done $0x0  }
0x157: {  	p0 =	seq.s32 s22, $0xA20;
	[sflag:s30] =	ssyncadd.s32 $0xFFFFE000  }
0x158: {  	s23 =	sadd.s32 @!p0 s22, s18;
	s24 =	simm.s32 @!p0 $0x80;
	_ =	swait.ge [sflag:s31], $0x80  }
0x159: {  	s25 =	simm.s32 @!p0 $0x52000;
	s26 =	simm.s32 @!p0 $0xF280;
	[sflag:s31] =	ssyncset.done $0x0  }
0x15a: {  	s22 =	sadd.s32 $0x20, s22;
	s23 =	sadd.s32 @!p0 $0x20, s23;
	[sflag:s31] =	ssyncadd.s32 $0xFFFFFF80  }
0x15b: {  	[tilespmem:s26], [sflag:$0x1] =	stream.strided.gather @!p0 [hbm4b:s23+s24], $0x100, s25, s24, $0x38;
	[tilespmem:$0x13680] =	vst v63  }
0x15c: {  	p0 =	sne.s32 s22, $0xA40;
	_ =	swait.ge [sflag:s13], $0x2000  }
.Ltmp1:
0x15d: {  	[sflag:s13] =	ssyncset.done $0x0;
	(pc) =	sbr.rel @p0 .LBB2_4-.Ltmp1, $4  }
0x15e: {  	[sflag:s13] =	ssyncadd.s32 $0xFFFFE000  }
0x15f: {  	[spmem:s1] =	stream.indirect.scatter.add.f32 [tilespmem:s17], [sflag:$0x5], $0x40, s19, s9, $0xb8;
	[tilespmem:$0x13680] =	vst v63  }
0x160: {  	_ = 	snop  }
0x161: {  	[spmem:s2] =	stream.indirect.scatter.add.f32 [tilespmem:s20], [sflag:$0x7], $0x1, s19, s9, $0xb8;
	[tilespmem:$0x13680] =	vst v63  }
0x162: {  	s22 =	simm.s32 $0x5  }
0x163: {  	_ =	swait.ge [sflag:s22], $0x2000  }
0x164: {  	[sflag:s22] =	ssyncset.done $0x0  }
0x165: {  	s23 =	simm.s32 $0x7;
	[sflag:s22] =	ssyncadd.s32 $0xFFFFE000  }
0x166: {  	_ =	swait.ge [sflag:s23], $0x80  }
0x167: {  	[sflag:s23] =	ssyncset.done $0x0  }
0x168: {  	[sflag:s23] =	ssyncadd.s32 $0xFFFFFF80  }
0x169: {  	[bflag:$0x0] =	sbarrier.arrive $0xFFFF  }
0x16a: {  	[tilespmem:s0], [sflag:$0x8] =	stream.linear.gather [spmem:s28], $0x2000, $0x38;
	[tilespmem:$0x13680] =	vst v63  }
0x16b: {  	_ =	swait.ge [sflag:s4], $0x2000  }
0x16c: {  	[sflag:s4] =	ssyncset.done $0x0  }
0x16d: {  	s24 =	rddreg [dreg:$0x7];
	[sflag:s4] =	ssyncadd.s32 $0xFFFFE000  }
0x16e: {  	[hbm4b:s24+s3] =	stream.linear.scatter [tilespmem:s0], [sflag:$0x8], $0x2000, $0x38;
	[tilespmem:$0x13680] =	vst v63  }
0x16f: {  	_ =	swait.ge [sflag:s4], $0x2000  }
0x170: {  	[sflag:s4] =	ssyncset.done $0x0  }
0x171: {  	s26 =	rddreg [dreg:$0x14];
	[sflag:s4] =	ssyncadd.s32 $0xFFFFE000  }
0x172: {  	[tilespmem:s6], [sflag:$0x8] =	stream.linear.gather [spmem:s26], $0x80, $0x38;
	[tilespmem:$0x13680] =	vst v63  }
0x173: {  	_ =	swait.ge [sflag:s4], $0x80  }
0x174: {  	[sflag:s4] =	ssyncset.done $0x0  }
0x175: {  	s25 =	smov.u32 s28;
	s28 =	rddreg [dreg:$0x8];
	[sflag:s4] =	ssyncadd.s32 $0xFFFFFF80  }
0x176: {  	[hbm4b:s28+s3] =	stream.linear.scatter [tilespmem:s6], [sflag:$0x8], $0x80, $0x38;
	[tilespmem:$0x13680] =	vst v63  }
0x177: {  	_ =	swait.ge [sflag:s4], $0x80  }
0x178: {  	[sflag:s4] =	ssyncset.done $0x0  }
0x179: {  	[sflag:s4] =	ssyncadd.s32 $0xFFFFFF80  }
0x17a: {  	[tilespmem:s0], [sflag:$0x8] =	stream.linear.gather [spmem:s29], $0x2000, $0x38;
	[tilespmem:$0x13680] =	vst v63  }
0x17b: {  	_ =	swait.ge [sflag:s4], $0x2000  }
0x17c: {  	[sflag:s4] =	ssyncset.done $0x0  }
0x17d: {  	s23 =	rddreg [dreg:$0x9];
	[sflag:s4] =	ssyncadd.s32 $0xFFFFE000  }
0x17e: {  	[hbm4b:s23+s3] =	stream.linear.scatter [tilespmem:s0], [sflag:$0x8], $0x2000, $0x38;
	[tilespmem:$0x13680] =	vst v63  }
0x17f: {  	_ =	swait.ge [sflag:s4], $0x2000  }
0x180: {  	[sflag:s4] =	ssyncset.done $0x0  }
0x181: {  	s24 =	rddreg [dreg:$0x12];
	[sflag:s4] =	ssyncadd.s32 $0xFFFFE000  }
0x182: {  	[tilespmem:s6], [sflag:$0x8] =	stream.linear.gather [spmem:s24], $0x80, $0x38;
	[tilespmem:$0x13680] =	vst v63  }
0x183: {  	_ =	swait.ge [sflag:s4], $0x80  }
0x184: {  	[sflag:s4] =	ssyncset.done $0x0  }
0x185: {  	s28 =	rddreg [dreg:$0xa];
	[sflag:s4] =	ssyncadd.s32 $0xFFFFFF80  }
0x186: {  	[hbm4b:s28+s3] =	stream.linear.scatter [tilespmem:s6], [sflag:$0x8], $0x80, $0x38;
	[tilespmem:$0x13680] =	vst v63  }
0x187: {  	_ =	swait.ge [sflag:s4], $0x80  }
0x188: {  	[sflag:s4] =	ssyncset.done $0x0  }
0x189: {  	s26 =	smov.u32 s29;
	s29 =	rddreg [dreg:$0x13];
	[sflag:s4] =	ssyncadd.s32 $0xFFFFFF80  }
0x18a: {  	[tilespmem:s0], [sflag:$0x8] =	stream.linear.gather [spmem:s29], $0x2000, $0x38;
	[tilespmem:$0x13680] =	vst v63  }
0x18b: {  	_ =	swait.ge [sflag:s4], $0x2000  }
0x18c: {  	[sflag:s4] =	ssyncset.done $0x0  }
0x18d: {  	s23 =	rddreg [dreg:$0xb];
	[sflag:s4] =	ssyncadd.s32 $0xFFFFE000  }
0x18e: {  	[hbm4b:s23+s3] =	stream.linear.scatter [tilespmem:s0], [sflag:$0x8], $0x2000, $0x38;
	[tilespmem:$0x13680] =	vst v63  }
0x18f: {  	_ =	swait.ge [sflag:s4], $0x2000  }
0x190: {  	[sflag:s4] =	ssyncset.done $0x0  }
0x191: {  	s24 =	rddreg [dreg:$0x15];
	[sflag:s4] =	ssyncadd.s32 $0xFFFFE000  }
0x192: {  	[tilespmem:s6], [sflag:$0x8] =	stream.linear.gather [spmem:s24], $0x80, $0x38;
	[tilespmem:$0x13680] =	vst v63  }
0x193: {  	_ =	swait.ge [sflag:s4], $0x80  }
0x194: {  	[sflag:s4] =	ssyncset.done $0x0  }
0x195: {  	s28 =	rddreg [dreg:$0xc];
	[sflag:s4] =	ssyncadd.s32 $0xFFFFFF80  }
0x196: {  	[hbm4b:s28+s3] =	stream.linear.scatter [tilespmem:s6], [sflag:$0x8], $0x80, $0x38;
	[tilespmem:$0x13680] =	vst v63  }
0x197: {  	_ =	swait.ge [sflag:s4], $0x80  }
0x198: {  	[sflag:s4] =	ssyncset.done $0x0  }
0x199: {  	s29 =	rddreg [dreg:$0x16];
	[sflag:s4] =	ssyncadd.s32 $0xFFFFFF80  }
0x19a: {  	[tilespmem:s0], [sflag:$0x8] =	stream.linear.gather [spmem:s29], $0x2000, $0x38;
	[tilespmem:$0x13680] =	vst v63  }
0x19b: {  	_ =	swait.ge [sflag:s4], $0x2000  }
0x19c: {  	[sflag:s4] =	ssyncset.done $0x0  }
0x19d: {  	s23 =	rddreg [dreg:$0xd];
	[sflag:s4] =	ssyncadd.s32 $0xFFFFE000  }
0x19e: {  	[hbm4b:s23+s3] =	stream.linear.scatter [tilespmem:s0], [sflag:$0x8], $0x2000, $0x38;
	[tilespmem:$0x13680] =	vst v63  }
0x19f: {  	_ =	swait.ge [sflag:s4], $0x2000  }
0x1a0: {  	[sflag:s4] =	ssyncset.done $0x0  }
0x1a1: {  	s24 =	rddreg [dreg:$0x17];
	[sflag:s4] =	ssyncadd.s32 $0xFFFFE000  }
0x1a2: {  	[tilespmem:s6], [sflag:$0x8] =	stream.linear.gather [spmem:s24], $0x80, $0x38;
	[tilespmem:$0x13680] =	vst v63  }
0x1a3: {  	_ =	swait.ge [sflag:s4], $0x80  }
0x1a4: {  	[sflag:s4] =	ssyncset.done $0x0  }
0x1a5: {  	s28 =	rddreg [dreg:$0xe];
	[sflag:s4] =	ssyncadd.s32 $0xFFFFFF80  }
0x1a6: {  	[hbm4b:s28+s3] =	stream.linear.scatter [tilespmem:s6], [sflag:$0x8], $0x80, $0x38;
	[tilespmem:$0x13680] =	vst v63  }
0x1a7: {  	_ =	swait.ge [sflag:s4], $0x80  }
0x1a8: {  	[sflag:s4] =	ssyncset.done $0x0  }
0x1a9: {  	s29 =	rddreg [dreg:$0x18];
	[sflag:s4] =	ssyncadd.s32 $0xFFFFFF80  }
0x1aa: {  	[tilespmem:s0], [sflag:$0x8] =	stream.linear.gather [spmem:s29], $0x2000, $0x38;
	[tilespmem:$0x13680] =	vst v63  }
0x1ab: {  	_ =	swait.ge [sflag:s4], $0x2000  }
0x1ac: {  	[sflag:s4] =	ssyncset.done $0x0  }
0x1ad: {  	s23 =	rddreg [dreg:$0xf];
	[sflag:s4] =	ssyncadd.s32 $0xFFFFE000  }
0x1ae: {  	[hbm4b:s23+s3] =	stream.linear.scatter [tilespmem:s0], [sflag:$0x8], $0x2000, $0x38;
	[tilespmem:$0x13680] =	vst v63  }
0x1af: {  	_ =	swait.ge [sflag:s4], $0x2000  }
0x1b0: {  	[sflag:s4] =	ssyncset.done $0x0  }
0x1b1: {  	s24 =	rddreg [dreg:$0x19];
	[sflag:s4] =	ssyncadd.s32 $0xFFFFE000  }
0x1b2: {  	[tilespmem:s6], [sflag:$0x8] =	stream.linear.gather [spmem:s24], $0x80, $0x38;
	[tilespmem:$0x13680] =	vst v63  }
0x1b3: {  	_ =	swait.ge [sflag:s4], $0x80  }
0x1b4: {  	[sflag:s4] =	ssyncset.done $0x0  }
0x1b5: {  	s28 =	rddreg [dreg:$0x10];
	[sflag:s4] =	ssyncadd.s32 $0xFFFFFF80  }
0x1b6: {  	[hbm4b:s28+s3] =	stream.linear.scatter [tilespmem:s6], [sflag:$0x8], $0x80, $0x38;
	[tilespmem:$0x13680] =	vst v63  }
0x1b7: {  	_ =	swait.ge [sflag:s4], $0x80  }
0x1b8: {  	s21 =	sadd.s32 $0x1, s21;
	s29 =	rddreg [dreg:$0x1b]  }
0x1b9: {  	p0 =	sne.s32 s21, s29  }
.Ltmp2:
0x1ba: {  	_ = 	snop;
	(pc) =	sbr.rel @p0 .LBB2_1-.Ltmp2, $3  }
0x1bb: {  	_ =	sdelay $0x1  }
0x1bc: {  	[sflag:s4] =	ssyncset.done $0x0  }
0x1bd: {  	[sflag:s4] =	ssyncadd.s32 $0xFFFFFF80  }
0x1be: {  	_ =	sfence.sel $0x180000  }
0x1bf: {  	[bflag:$0x0] =	sbarrier.arrive $0xFFFF  }
0x1c0: {  	_ =	strace $0x90000047  }
0x1c1: {  	s0 =	stileid.u32;
	[bflag:$0x2] =	sbarrier.arrive $0xFFFF  }
0x1c2: {  	p0 =	sne.s32 s0, $0x0;
	s0 =	rddreg [dreg:$0x4]  }
0x1c3: {  	s0 =	sadd.s32 @!p0 $0x100000, s0  }
0x1c4: {  	[sflag:s0] =	ssyncadd.tile.s32 @!p0 $0x1;
	_ =	shalt  }
.Lfunc_end2:
_tile_overlayer_lowered:
.L_overlay_start_2:
0x1c5: {  	(tag) =	ssettag $0x2  }
0x1c6: {  	s0 =	rddreg [dreg:$0x0];
	s2 =	stileid.u32  }
0x1c7: {  	s1 =	rddreg [dreg:$0x1];
	p0 =	sne.s32 s2, $0x0  }
0x1c8: {  	s3 =	rddreg [dreg:$0x2];
	[bflag:$0x3] =	sbarrier.arrive $0xFFFF;
	s2 =	simm.s32 @!p0 $0x1C08  }
0x1c9: {  	[timem:s3], [sflag:s2] =	dma.local @!p0 [hbm:s0], s1  }
0x1ca: {  	s0 =	simm.s32 @!p0 $0x8  }
0x1cb: {  	_ =	swait.ge @!p0 [sflag:s0], s1  }
0x1cc: {  	s1 =	ssub.s32 @!p0 $0x0, s1;
	[sflag:s0] =	ssyncset.done @!p0 $0x0  }
0x1cd: {  	[sflag:s0] =	ssyncadd.s32 @!p0 s1  }
0x1ce: {  	[bflag:$0x3] =	sbarrier.arrive $0xFFFF  }
0x1cf: {  	_ =	shalt  }

</sc_bundles>
